<compile_context>
chip_gen: v7x
topology: tpu7x:2x2x1
jax: 0.10.2.dev20260603
libtpu: 0.0.44.dev20260713+nightly
codegen_flags: <defaults>
</compile_context>

<pallas_src>
import functools

import jax
import jax.numpy as jnp
from jax import lax
from jax.experimental import pallas as pl
from jax.experimental.pallas import tpu as pltpu
from jax.experimental.pallas import tpu_sc as plsc

_M = 100000
_MPAD = 100352
_D = 128
_NL = 4
_B = 16384
_NW = 32
_BPW = _B // _NW
_SKCH = 2048
_RCH = 64
_NCH = _BPW // _RCH
_TRASH = 2048

_mesh = plsc.VectorSubcoreMesh(core_axis_name="c", subcore_axis_name="s")


@functools.partial(
    pl.kernel,
    mesh=_mesh,
    compiler_params=pltpu.CompilerParams(needs_layout_passes=False),
    out_type=[
        jax.ShapeDtypeStruct((_B + _TRASH, _D), jnp.float32),
        jax.ShapeDtypeStruct((_B * _NL,), jnp.float32),
    ],
    scratch_types=[
        pltpu.VMEM((_MPAD,), jnp.int32),
        pltpu.VMEM((_BPW,), jnp.int32),
        pltpu.VMEM((_SKCH,), jnp.int32),
        pltpu.VMEM((_BPW,), jnp.int32),
        pltpu.VMEM((_RCH, _D), jnp.float32),
        pltpu.VMEM((_RCH, _D), jnp.float32),
        pltpu.SemaphoreType.DMA,
        pltpu.SemaphoreType.DMA,
        pltpu.SemaphoreType.DMA,
        pltpu.SemaphoreType.DMA,
        pltpu.VMEM((_BPW * _NL,), jnp.int32),
        pltpu.VMEM((_BPW * _NL,), jnp.int32),
        pltpu.VMEM((_BPW * _NL,), jnp.float32),
        pltpu.VMEM((_BPW * _NL,), jnp.float32),
        pltpu.VMEM((_BPW + 16,), jnp.int32),
        pltpu.VMEM((_BPW + 16,), jnp.int32),
        pltpu.VMEM((_NCH, _RCH), jnp.int32),
    ],
)
def _sc_resolve(sk_hbm, qk_hbm, me_hbm, se_hbm, ml_hbm, sl_hbm,
                emb_hbm, log_hbm,
                map_v, qk_v, sk_v, ov_v, row_a, row_b,
                sem_ga, sem_gb, sem_wa, sem_wb,
                mli_v, sli_v, mlog_v, slog_v, sic_v, gif_v, gic_v):
    rows = (row_a, row_b)
    gsems = (sem_ga, sem_gb)
    wsems = (sem_wa, sem_wb)
    wid = lax.axis_index("s") * 2 + lax.axis_index("c")
    base = wid * _BPW

    pltpu.sync_copy(qk_hbm.at[pl.ds(base, _BPW)], qk_v)

    lanes = lax.broadcasted_iota(jnp.int32, (16,), 0)
    nxt = jnp.minimum(lanes + 1, 15)
    zeros16 = jnp.zeros((16,), jnp.int32)
    ones_mask = lanes >= 0

    def _init(i, carry):
        q = qk_v[pl.ds(i * 16, 16)]
        plsc.store_scatter(map_v, [q], zeros16, mask=ones_mask)
        return carry
    lax.fori_loop(0, _BPW // 16, _init, 0)

    def _start_gather(c):
        return pltpu.async_copy(me_hbm.at[qk_v.at[pl.ds(c * _RCH, _RCH)]],
                                rows[c % 2], gsems[c % 2])

    def _start_write(c):
        return pltpu.async_copy(rows[c % 2],
                                emb_hbm.at[pl.ds(base + c * _RCH, _RCH)],
                                wsems[c % 2])

    pend_g = {0: _start_gather(0)}
    pend_w = {}
    for c in range(_B // _SKCH):
        pltpu.sync_copy(sk_hbm.at[pl.ds(c * _SKCH, _SKCH)], sk_v)

        def _scan(i, carry, c=c):
            for u in range(4):
                v = i * 4 + u
                k = sk_v[pl.ds(v * 16, 16)]
                j = (c * _SKCH + v * 16) + lanes
                comb = jnp.sort((k << 14) | j)
                ks = comb >> 14
                kn = lax.gather(
                    ks, nxt[:, None],
                    lax.GatherDimensionNumbers(offset_dims=(),
                                               collapsed_slice_dims=(0,),
                                               start_index_map=(0,)),
                    slice_sizes=(1,),
                    mode=lax.GatherScatterMode.PROMISE_IN_BOUNDS)
                win = (ks != kn) | (lanes == 15)
                plsc.store_scatter(map_v, [ks], (comb & 16383) + 1, mask=win)
            return carry
        lax.fori_loop(0, _SKCH // 64, _scan, 0)

        if c < _NCH:
            pend_g.pop(c).wait()
            pend_w[c] = _start_write(c)
            if c + 1 < _NCH:
                if c - 1 in pend_w:
                    pend_w.pop(c - 1).wait()
                pend_g[c + 1] = _start_gather(c + 1)
    for c in sorted(pend_w):
        pend_w.pop(c).wait()

    def _resolve(i, carry):
        q = qk_v[pl.ds(i * 16, 16)]
        o = plsc.load_gather(map_v, [q])
        si = jnp.where(o > 0, o - 1, base + i * 16 + lanes)
        ov_v[pl.ds(i * 16, 16)] = o
        pos = i * 16 + lanes
        for t in range(_NL):
            plsc.store_scatter(mli_v, [pos + t * _BPW], t * _M + q,
                               mask=ones_mask)
            plsc.store_scatter(sli_v, [pos + t * _BPW], t * _B + si,
                               mask=ones_mask)
        return carry
    lax.fori_loop(0, _BPW // 16, _resolve, 0)

    def _prefill(i, carry):
        sic_v[pl.ds(i * 16, 16)] = base + i * 16 + lanes
        gif_v[pl.ds(i * 16, 16)] = _B + ((base + i * 16 + lanes) % _TRASH)
        return carry
    lax.fori_loop(0, _BPW // 16, _prefill, 0)

    def _compact(i, cnt):
        o = ov_v[pl.ds(i * 16, 16)]
        m = o > 0
        gi = base + i * 16 + lanes
        plsc.store_compressed(sic_v.at[pl.ds(cnt, 16)], o - 1, mask=m)
        plsc.store_compressed(gif_v.at[pl.ds(cnt, 16)], gi, mask=m)
        return cnt + jnp.sum(m.astype(jnp.int32))
    cnt = lax.fori_loop(0, _BPW // 16, _compact, 0)

    for c in range(_NCH):
        for k in range(_RCH // 16):
            gic_v[c, pl.ds(k * 16, 16)] = gif_v[pl.ds(c * _RCH + k * 16, 16)]

    ml_cp = pltpu.async_copy(ml_hbm.at[mli_v], mlog_v, sem_ga)
    sl_cp = pltpu.async_copy(sl_hbm.at[sli_v], slog_v, sem_gb)

    for c in range(_NCH):
        @pl.when(cnt > c * _RCH)
        def _do(c=c):
            pltpu.sync_copy(se_hbm.at[sic_v.at[pl.ds(c * _RCH, _RCH)]],
                            rows[c % 2])
            pltpu.sync_copy(rows[c % 2], emb_hbm.at[gic_v.at[c]])

    ml_cp.wait()
    sl_cp.wait()

    def _blend(i, carry):
        m = ov_v[pl.ds(i * 16, 16)] > 0
        for t in range(_NL):
            sl = pl.ds(t * _BPW + i * 16, 16)
            mlog_v[sl] = jnp.where(m, slog_v[sl], mlog_v[sl])
        return carry
    lax.fori_loop(0, _BPW // 16, _blend, 0)
    for t in range(_NL):
        pltpu.sync_copy(mlog_v.at[pl.ds(t * _BPW, _BPW)],
                        log_hbm.at[pl.ds(t * _B + base, _BPW)])


_RB = 2048


def _tc_body(emb_ref, lg_ref, w2_ref, sel_ref, o_ref):
    f = lax.dot_general(w2_ref[...], emb_ref[...], (((1,), (1,)), ((), ())),
                        preferred_element_type=jnp.float32)
    o_ref[...] = f + lax.dot_general(sel_ref[...], lg_ref[...],
                                     (((1,), (0,)), ((), ())),
                                     preferred_element_type=jnp.float32)


def _tc_combine(emb, lg, w2, sel):
    n_out = w2.shape[0]
    return pl.pallas_call(
        _tc_body,
        grid=(_B // _RB,),
        in_specs=[
            pl.BlockSpec((_RB, _D), lambda i: (i, 0)),
            pl.BlockSpec((_NL, _RB), lambda i: (0, i)),
            pl.BlockSpec((n_out, _D), lambda i: (0, 0)),
            pl.BlockSpec((n_out, _NL), lambda i: (0, 0)),
        ],
        out_specs=pl.BlockSpec((n_out, _RB), lambda i: (0, i)),
        out_shape=jax.ShapeDtypeStruct((n_out, _B), jnp.float32),
    )(emb, lg, w2, sel)


def kernel(mem_emb, mem_logits, store_keys, store_emb, store_logits,
           query_keys, W):
    sk = store_keys.astype(jnp.int32)
    qk = query_keys.astype(jnp.int32)
    emb, log_flat = _sc_resolve(
        sk, qk, mem_emb, store_emb,
        mem_logits.T.reshape(-1), store_logits.T.reshape(-1))
    lg = log_flat.reshape(_NL, _B)
    sd = W.shape[0]
    n_out = sd + _NL
    w2 = jnp.concatenate([W, jnp.zeros((_NL, _D), W.dtype)], axis=0)
    sel = jnp.zeros((n_out, _NL), jnp.float32).at[
        sd + jnp.arange(_NL), jnp.arange(_NL)].set(1.0)
    return _tc_combine(emb, lg, w2, sel).T

# --- scband reference (transcript-rebuilt; emitter-appended) ---
"""Pipeline reference for scband-lattice-ktap-49667001811213 (READ-ONLY COPY).

The authoritative reference and input builder live on the scoring server;
editing this copy changes nothing except your own understanding.
"""

import jax, jax.numpy as jnp
import numpy as np

M = 100000          # cache_size
TEACHER_DIM = 128
STUDENT_DIM = 64
N_TASKS = 4
B = 16384


def setup_inputs(seed: int = 0) -> dict:
    key = jax.random.key(seed)
    ks = jax.random.split(key, 7)
    mem_emb = jax.random.normal(ks[0], (M, TEACHER_DIM), dtype=jnp.float32)
    mem_logits = jax.random.normal(ks[1], (M, N_TASKS), dtype=jnp.float32)
    store_keys = jax.random.randint(ks[2], (B,), 0, M)
    store_emb = jax.random.normal(ks[3], (B, TEACHER_DIM), dtype=jnp.float32)
    store_logits = jax.random.normal(ks[4], (B, N_TASKS), dtype=jnp.float32)
    query_keys = jax.random.randint(ks[5], (B,), 0, M)
    # learned parameter: proj = nn.Linear(teacher_dim, student_dim, bias=False)
    W = jax.random.normal(ks[6], (STUDENT_DIM, TEACHER_DIM), dtype=jnp.float32) / np.sqrt(TEACHER_DIM)
    return {
        "mem_emb": mem_emb,
        "mem_logits": mem_logits,
        "store_keys": store_keys,
        "store_emb": store_emb,
        "store_logits": store_logits,
        "query_keys": query_keys,
        "W": W,
    }


def reference(mem_emb, mem_logits, store_keys, store_emb, store_logits, query_keys, W):
    # store(): scatter-overwrite teacher embeddings + logits into KV cache keyed by id
    mem_emb = mem_emb.at[store_keys].set(store_emb)
    mem_logits = mem_logits.at[store_keys].set(store_logits)
    # query(): gather cached teacher embeddings (zeros remain for misses in a
    # zero-initialized cache) and project teacher_dim -> student_dim
    gathered_emb = jnp.take(mem_emb, query_keys, axis=0)
    teacher_feats = gathered_emb @ W.T
    teacher_logits = jnp.take(mem_logits, query_keys, axis=0)
    # single-array output: concat feature-level and label-level knowledge
    return jnp.concatenate([teacher_feats, teacher_logits], axis=-1)

if __name__ == "__main__":
    import jax
    _d = setup_inputs()
    print(jax.jit(kernel)(*tuple(_d.values())))

</pallas_src>

<mosaic_0001>
#map = affine_map<(d0, d1) -> (0)>
#map1 = affine_map<(d0, d1) -> (0, 0)>
module attributes {stable_mosaic.version = 14 : i64} {
  func.func @_sc_resolve(%arg0: i32, %arg1: i32, %arg2: memref<16384xi32, #tpu.memory_space<hbm>>, %arg3: memref<16384xi32, #tpu.memory_space<hbm>>, %arg4: memref<100000x128xf32, #tpu.memory_space<hbm>>, %arg5: memref<16384x128xf32, #tpu.memory_space<hbm>>, %arg6: memref<400000xf32, #tpu.memory_space<hbm>>, %arg7: memref<65536xf32, #tpu.memory_space<hbm>>, %arg8: memref<18432x128xf32, #tpu.memory_space<hbm>>, %arg9: memref<65536xf32, #tpu.memory_space<hbm>>, %arg10: memref<100352xi32, #tpu.memory_space<vmem>>, %arg11: memref<512xi32, #tpu.memory_space<vmem>>, %arg12: memref<2048xi32, #tpu.memory_space<vmem>>, %arg13: memref<512xi32, #tpu.memory_space<vmem>>, %arg14: memref<64x128xf32, #tpu.memory_space<vmem>>, %arg15: memref<64x128xf32, #tpu.memory_space<vmem>>, %arg16: memref<!tpu.dma_semaphore, #tpu.memory_space<semaphore_mem>>, %arg17: memref<!tpu.dma_semaphore, #tpu.memory_space<semaphore_mem>>, %arg18: memref<!tpu.dma_semaphore, #tpu.memory_space<semaphore_mem>>, %arg19: memref<!tpu.dma_semaphore, #tpu.memory_space<semaphore_mem>>, %arg20: memref<2048xi32, #tpu.memory_space<vmem>>, %arg21: memref<2048xi32, #tpu.memory_space<vmem>>, %arg22: memref<2048xf32, #tpu.memory_space<vmem>>, %arg23: memref<2048xf32, #tpu.memory_space<vmem>>, %arg24: memref<528xi32, #tpu.memory_space<vmem>>, %arg25: memref<528xi32, #tpu.memory_space<vmem>>, %arg26: memref<8x64xi32, #tpu.memory_space<vmem>>) attributes {dimension_semantics = [#tpu.dimension_semantics<core_parallel>, #tpu.dimension_semantics<subcore_parallel>], iteration_bounds = array<i64: 2, 16>, scalar_prefetch = 0 : i64, scratch_operands = 17 : i64, tpu.core_type = #tpu.core_type<sc_vector_subcore>, window_params = [{transform_indices = #map}, {transform_indices = #map}, {transform_indices = #map1}, {transform_indices = #map1}, {transform_indices = #map}, {transform_indices = #map}, {transform_indices = #map1}, {transform_indices = #map}]} {
    %mul3A = arith.constant 2 : i32
    %mul3A_0 = arith.muli %arg1, %mul3A : i32
    %add3A = arith.addi %mul3A_0, %arg0 : i32
    %mul3A_1 = arith.constant 512 : i32
    %mul3A_2 = arith.muli %add3A, %mul3A_1 : i32
    "tpu.region"() ({
      %run_scoped3A = tpu.sem_alloc : memref<!tpu.dma_semaphore, #tpu.memory_space<semaphore_mem>>
      %dma_start3A_490 = tpu.memref_slice %arg3[%mul3A_2] : memref<16384xi32, #tpu.memory_space<hbm>> -> memref<512xi32, #tpu.memory_space<hbm>>
      %dma_start3A_491 = tpu.memref_slice %arg3[%mul3A_2] : memref<16384xi32, #tpu.memory_space<hbm>> -> memref<512xi32, #tpu.memory_space<hbm>>
      tpu.enqueue_dma source(%dma_start3A_491 : memref<512xi32, #tpu.memory_space<hbm>>) target(%arg11 : memref<512xi32, #tpu.memory_space<vmem>>) target_semaphore(%run_scoped3A : memref<!tpu.dma_semaphore, #tpu.memory_space<semaphore_mem>>)
      %dma_wait3A_492 = tpu.memref_slice %arg3[%mul3A_2] : memref<16384xi32, #tpu.memory_space<hbm>> -> memref<512xi32, #tpu.memory_space<hbm>>
      %dma_wait3A_493 = tpu.memref_slice %arg3[%mul3A_2] : memref<16384xi32, #tpu.memory_space<hbm>> -> memref<512xi32, #tpu.memory_space<hbm>>
      tpu.wait_dma2 semaphore(%run_scoped3A : memref<!tpu.dma_semaphore, #tpu.memory_space<semaphore_mem>>) src(%dma_wait3A_493 : memref<512xi32, #tpu.memory_space<hbm>>) dst(%arg11 : memref<512xi32, #tpu.memory_space<vmem>>)
      tpu.yield
    }) : () -> ()
    %iota3A = tpu.iota {dimensions = array<i32: 0>} : vector<16xi32>
    %add3A_3 = arith.constant 1 : i32
    %add3A_4 = vector.broadcast %add3A_3 : i32 to vector<16xi32>
    %add3A_5 = arith.addi %iota3A, %add3A_4 : vector<16xi32>
    %min3A = arith.constant 15 : i32
    %min3A_6 = vector.broadcast %min3A : i32 to vector<16xi32>
    %min3A_7 = arith.minsi %add3A_5, %min3A_6 : vector<16xi32>
    %broadcast_in_dim3A = arith.constant 0 : i32
    %broadcast_in_dim3A_8 = vector.broadcast %broadcast_in_dim3A : i32 to vector<16xi32>
    %ge3A = arith.constant 0 : i32
    %ge3A_9 = vector.broadcast %ge3A : i32 to vector<16xi32>
    %ge3A_10 = arith.cmpi sge, %iota3A, %ge3A_9 : vector<16xi32>
    %scan3A = arith.constant 0 : i32
    %scan3A_11 = arith.constant 0 : i32
    %scan3A_12 = arith.constant 32 : i32
    %scan3A_13 = arith.addi %scan3A_11, %scan3A_12 : i32
    %scan3A_14 = arith.constant 1 : i32
    scf.for %scan3A_490 = %scan3A_11 to %scan3A_13 step %scan3A_14  : i32 {
      %mul3A_491 = arith.constant 16 : i32
      %mul3A_492 = arith.muli %scan3A_490, %mul3A_491 : i32
      %get3A_493 = arith.index_cast %mul3A_492 : i32 to index
      %get3A_494 = tpu.vector_load %arg11[%get3A_493] {strides = array<i32>} : memref<512xi32, #tpu.memory_space<vmem>>, vector<16xi32>,
      tpu.vector_store_idx %arg10[%get3A_494], %broadcast_in_dim3A_8 masked %ge3A_10 : memref<100352xi32, #tpu.memory_space<vmem>>[vector<16xi32>], vector<16xi32>, vector<16xi1>
    }
    %scan3A_15 = arith.constant 32 : i32
    %dma_start3A = arith.constant 0 : i32
    %dma_start3A_16 = tpu.memref_slice %arg11[%dma_start3A] : memref<512xi32, #tpu.memory_space<vmem>> -> memref<64xi32, #tpu.memory_space<vmem>>
    %dma_start3A_17 = arith.constant 0 : i32
    %dma_start3A_18 = arith.constant 0 : i32
    %dma_start3A_19 = tpu.memref_slice %arg4[%dma_start3A_17, %dma_start3A_18] : memref<100000x128xf32, #tpu.memory_space<hbm>> -> memref<100000x128xf32, #tpu.memory_space<hbm>>
    tpu.enqueue_indirect_dma source(%dma_start3A_19 : memref<100000x128xf32, #tpu.memory_space<hbm>>) target(%arg14 : memref<64x128xf32, #tpu.memory_space<vmem>>) offsets(%dma_start3A_16 : memref<64xi32, #tpu.memory_space<vmem>>) semaphore(%arg16 : memref<!tpu.dma_semaphore, #tpu.memory_space<semaphore_mem>>)
    "tpu.region"() ({
      %run_scoped3A = tpu.sem_alloc : memref<!tpu.dma_semaphore, #tpu.memory_space<semaphore_mem>>
      %dma_start3A_490 = arith.constant 0 : i32
      %dma_start3A_491 = tpu.memref_slice %arg2[%dma_start3A_490] : memref<16384xi32, #tpu.memory_space<hbm>> -> memref<2048xi32, #tpu.memory_space<hbm>>
      %dma_start3A_492 = arith.constant 0 : i32
      %dma_start3A_493 = tpu.memref_slice %arg2[%dma_start3A_492] : memref<16384xi32, #tpu.memory_space<hbm>> -> memref<2048xi32, #tpu.memory_space<hbm>>
      tpu.enqueue_dma source(%dma_start3A_493 : memref<2048xi32, #tpu.memory_space<hbm>>) target(%arg12 : memref<2048xi32, #tpu.memory_space<vmem>>) target_semaphore(%run_scoped3A : memref<!tpu.dma_semaphore, #tpu.memory_space<semaphore_mem>>)
      %dma_wait3A_494 = arith.constant 0 : i32
      %dma_wait3A_495 = tpu.memref_slice %arg2[%dma_wait3A_494] : memref<16384xi32, #tpu.memory_space<hbm>> -> memref<2048xi32, #tpu.memory_space<hbm>>
      %dma_wait3A_496 = arith.constant 0 : i32
      %dma_wait3A_497 = tpu.memref_slice %arg2[%dma_wait3A_496] : memref<16384xi32, #tpu.memory_space<hbm>> -> memref<2048xi32, #tpu.memory_space<hbm>>
      tpu.wait_dma2 semaphore(%run_scoped3A : memref<!tpu.dma_semaphore, #tpu.memory_space<semaphore_mem>>) src(%dma_wait3A_497 : memref<2048xi32, #tpu.memory_space<hbm>>) dst(%arg12 : memref<2048xi32, #tpu.memory_space<vmem>>)
      tpu.yield
    }) : () -> ()
    %scan3A_20 = arith.constant 0 : i32
    %scan3A_21 = arith.constant 0 : i32
    %scan3A_22 = arith.constant 32 : i32
    %scan3A_23 = arith.addi %scan3A_21, %scan3A_22 : i32
    %scan3A_24 = arith.constant 1 : i32
    scf.for %scan3A_490 = %scan3A_21 to %scan3A_23 step %scan3A_24  : i32 {
      %mul3A_491 = arith.constant 4 : i32
      %mul3A_492 = arith.muli %scan3A_490, %mul3A_491 : i32
      %add3A_493 = arith.constant 0 : i32
      %add3A_494 = arith.addi %mul3A_492, %add3A_493 : i32
      %mul3A_495 = arith.constant 16 : i32
      %mul3A_496 = arith.muli %add3A_494, %mul3A_495 : i32
      %get3A_497 = arith.index_cast %mul3A_496 : i32 to index
      %get3A_498 = tpu.vector_load %arg12[%get3A_497] {strides = array<i32>} : memref<2048xi32, #tpu.memory_space<vmem>>, vector<16xi32>,
      %mul3A_499 = arith.constant 16 : i32
      %mul3A_500 = arith.muli %add3A_494, %mul3A_499 : i32
      %add3A_501 = arith.constant 0 : i32
      %add3A_502 = arith.addi %add3A_501, %mul3A_500 : i32
      %add3A_503 = vector.broadcast %add3A_502 : i32 to vector<16xi32>
      %add3A_504 = arith.addi %add3A_503, %iota3A : vector<16xi32>
      %shift_left3A = arith.constant 14 : i32
      %shift_left3A_505 = vector.broadcast %shift_left3A : i32 to vector<16xi32>
      %shift_left3A_506 = arith.shli %get3A_498, %shift_left3A_505 : vector<16xi32>
      %or3A = arith.ori %shift_left3A_506, %add3A_504 : vector<16xi32>
      %sort3A = arith.constant dense<true> : vector<16xi1>
      %sort3A_507, %sort3A_508, %sort3A_509 = tpu.sort %or3A, %or3A masked %sort3A : (vector<16xi32>, vector<16xi32>, vector<16xi1>) -> (vector<16xi1>, vector<16xi32>, vector<16xi32>)
      %shift_right_arithmetic3A = arith.constant 14 : i32
      %shift_right_arithmetic3A_510 = vector.broadcast %shift_right_arithmetic3A : i32 to vector<16xi32>
      %shift_right_arithmetic3A_511 = arith.shrsi %sort3A_508, %shift_right_arithmetic3A_510 : vector<16xi32>
      %broadcast_in_dim3A_512 = vector.shape_cast %min3A_7 : vector<16xi32> to vector<16x1xi32>
      %gather3A = vector.shape_cast %broadcast_in_dim3A_512 : vector<16x1xi32> to vector<16xi32>
      %gather3A_513 = tpu.dynamic_gather %shift_right_arithmetic3A_511[%gather3A] in [0] : vector<16xi32>, vector<16xi32> -> vector<16xi32>
      %ne3A = arith.cmpi ne, %shift_right_arithmetic3A_511, %gather3A_513 : vector<16xi32>
      %eq3A = arith.constant 15 : i32
      %eq3A_514 = vector.broadcast %eq3A : i32 to vector<16xi32>
      %eq3A_515 = arith.cmpi eq, %iota3A, %eq3A_514 : vector<16xi32>
      %or3A_516 = arith.ori %ne3A, %eq3A_515 : vector<16xi1>
      %and3A = arith.constant 16383 : i32
      %and3A_517 = vector.broadcast %and3A : i32 to vector<16xi32>
      %and3A_518 = arith.andi %sort3A_508, %and3A_517 : vector<16xi32>
      %add3A_519 = arith.constant 1 : i32
      %add3A_520 = vector.broadcast %add3A_519 : i32 to vector<16xi32>
      %add3A_521 = arith.addi %and3A_518, %add3A_520 : vector<16xi32>
      tpu.vector_store_idx %arg10[%shift_right_arithmetic3A_511], %add3A_521 masked %or3A_516 : memref<100352xi32, #tpu.memory_space<vmem>>[vector<16xi32>], vector<16xi32>, vector<16xi1>
      %mul3A_522 = arith.constant 4 : i32
      %mul3A_523 = arith.muli %scan3A_490, %mul3A_522 : i32
      %add3A_524 = arith.constant 1 : i32
      %add3A_525 = arith.addi %mul3A_523, %add3A_524 : i32
      %mul3A_526 = arith.constant 16 : i32
      %mul3A_527 = arith.muli %add3A_525, %mul3A_526 : i32
      %get3A_528 = arith.index_cast %mul3A_527 : i32 to index
      %get3A_529 = tpu.vector_load %arg12[%get3A_528] {strides = array<i32>} : memref<2048xi32, #tpu.memory_space<vmem>>, vector<16xi32>,
      %mul3A_530 = arith.constant 16 : i32
      %mul3A_531 = arith.muli %add3A_525, %mul3A_530 : i32
      %add3A_532 = arith.constant 0 : i32
      %add3A_533 = arith.addi %add3A_532, %mul3A_531 : i32
      %add3A_534 = vector.broadcast %add3A_533 : i32 to vector<16xi32>
      %add3A_535 = arith.addi %add3A_534, %iota3A : vector<16xi32>
      %shift_left3A_536 = arith.constant 14 : i32
      %shift_left3A_537 = vector.broadcast %shift_left3A_536 : i32 to vector<16xi32>
      %shift_left3A_538 = arith.shli %get3A_529, %shift_left3A_537 : vector<16xi32>
      %or3A_539 = arith.ori %shift_left3A_538, %add3A_535 : vector<16xi32>
      %sort3A_540 = arith.constant dense<true> : vector<16xi1>
      %sort3A_541, %sort3A_542, %sort3A_543 = tpu.sort %or3A_539, %or3A_539 masked %sort3A_540 : (vector<16xi32>, vector<16xi32>, vector<16xi1>) -> (vector<16xi1>, vector<16xi32>, vector<16xi32>)
      %shift_right_arithmetic3A_544 = arith.constant 14 : i32
      %shift_right_arithmetic3A_545 = vector.broadcast %shift_right_arithmetic3A_544 : i32 to vector<16xi32>
      %shift_right_arithmetic3A_546 = arith.shrsi %sort3A_542, %shift_right_arithmetic3A_545 : vector<16xi32>
      %broadcast_in_dim3A_547 = vector.shape_cast %min3A_7 : vector<16xi32> to vector<16x1xi32>
      %gather3A_548 = vector.shape_cast %broadcast_in_dim3A_547 : vector<16x1xi32> to vector<16xi32>
      %gather3A_549 = tpu.dynamic_gather %shift_right_arithmetic3A_546[%gather3A_548] in [0] : vector<16xi32>, vector<16xi32> -> vector<16xi32>
      %ne3A_550 = arith.cmpi ne, %shift_right_arithmetic3A_546, %gather3A_549 : vector<16xi32>
      %eq3A_551 = arith.constant 15 : i32
      %eq3A_552 = vector.broadcast %eq3A_551 : i32 to vector<16xi32>
      %eq3A_553 = arith.cmpi eq, %iota3A, %eq3A_552 : vector<16xi32>
      %or3A_554 = arith.ori %ne3A_550, %eq3A_553 : vector<16xi1>
      %and3A_555 = arith.constant 16383 : i32
      %and3A_556 = vector.broadcast %and3A_555 : i32 to vector<16xi32>
      %and3A_557 = arith.andi %sort3A_542, %and3A_556 : vector<16xi32>
      %add3A_558 = arith.constant 1 : i32
      %add3A_559 = vector.broadcast %add3A_558 : i32 to vector<16xi32>
      %add3A_560 = arith.addi %and3A_557, %add3A_559 : vector<16xi32>
      tpu.vector_store_idx %arg10[%shift_right_arithmetic3A_546], %add3A_560 masked %or3A_554 : memref<100352xi32, #tpu.memory_space<vmem>>[vector<16xi32>], vector<16xi32>, vector<16xi1>
      %mul3A_561 = arith.constant 4 : i32
      %mul3A_562 = arith.muli %scan3A_490, %mul3A_561 : i32
      %add3A_563 = arith.constant 2 : i32
      %add3A_564 = arith.addi %mul3A_562, %add3A_563 : i32
      %mul3A_565 = arith.constant 16 : i32
      %mul3A_566 = arith.muli %add3A_564, %mul3A_565 : i32
      %get3A_567 = arith.index_cast %mul3A_566 : i32 to index
      %get3A_568 = tpu.vector_load %arg12[%get3A_567] {strides = array<i32>} : memref<2048xi32, #tpu.memory_space<vmem>>, vector<16xi32>,
      %mul3A_569 = arith.constant 16 : i32
      %mul3A_570 = arith.muli %add3A_564, %mul3A_569 : i32
      %add3A_571 = arith.constant 0 : i32
      %add3A_572 = arith.addi %add3A_571, %mul3A_570 : i32
      %add3A_573 = vector.broadcast %add3A_572 : i32 to vector<16xi32>
      %add3A_574 = arith.addi %add3A_573, %iota3A : vector<16xi32>
      %shift_left3A_575 = arith.constant 14 : i32
      %shift_left3A_576 = vector.broadcast %shift_left3A_575 : i32 to vector<16xi32>
      %shift_left3A_577 = arith.shli %get3A_568, %shift_left3A_576 : vector<16xi32>
      %or3A_578 = arith.ori %shift_left3A_577, %add3A_574 : vector<16xi32>
      %sort3A_579 = arith.constant dense<true> : vector<16xi1>
      %sort3A_580, %sort3A_581, %sort3A_582 = tpu.sort %or3A_578, %or3A_578 masked %sort3A_579 : (vector<16xi32>, vector<16xi32>, vector<16xi1>) -> (vector<16xi1>, vector<16xi32>, vector<16xi32>)
      %shift_right_arithmetic3A_583 = arith.constant 14 : i32
      %shift_right_arithmetic3A_584 = vector.broadcast %shift_right_arithmetic3A_583 : i32 to vector<16xi32>
      %shift_right_arithmetic3A_585 = arith.shrsi %sort3A_581, %shift_right_arithmetic3A_584 : vector<16xi32>
      %broadcast_in_dim3A_586 = vector.shape_cast %min3A_7 : vector<16xi32> to vector<16x1xi32>
      %gather3A_587 = vector.shape_cast %broadcast_in_dim3A_586 : vector<16x1xi32> to vector<16xi32>
      %gather3A_588 = tpu.dynamic_gather %shift_right_arithmetic3A_585[%gather3A_587] in [0] : vector<16xi32>, vector<16xi32> -> vector<16xi32>
      %ne3A_589 = arith.cmpi ne, %shift_right_arithmetic3A_585, %gather3A_588 : vector<16xi32>
      %eq3A_590 = arith.constant 15 : i32
      %eq3A_591 = vector.broadcast %eq3A_590 : i32 to vector<16xi32>
      %eq3A_592 = arith.cmpi eq, %iota3A, %eq3A_591 : vector<16xi32>
      %or3A_593 = arith.ori %ne3A_589, %eq3A_592 : vector<16xi1>
      %and3A_594 = arith.constant 16383 : i32
      %and3A_595 = vector.broadcast %and3A_594 : i32 to vector<16xi32>
      %and3A_596 = arith.andi %sort3A_581, %and3A_595 : vector<16xi32>
      %add3A_597 = arith.constant 1 : i32
      %add3A_598 = vector.broadcast %add3A_597 : i32 to vector<16xi32>
      %add3A_599 = arith.addi %and3A_596, %add3A_598 : vector<16xi32>
      tpu.vector_store_idx %arg10[%shift_right_arithmetic3A_585], %add3A_599 masked %or3A_593 : memref<100352xi32, #tpu.memory_space<vmem>>[vector<16xi32>], vector<16xi32>, vector<16xi1>
      %mul3A_600 = arith.constant 4 : i32
      %mul3A_601 = arith.muli %scan3A_490, %mul3A_600 : i32
      %add3A_602 = arith.constant 3 : i32
      %add3A_603 = arith.addi %mul3A_601, %add3A_602 : i32
      %mul3A_604 = arith.constant 16 : i32
      %mul3A_605 = arith.muli %add3A_603, %mul3A_604 : i32
      %get3A_606 = arith.index_cast %mul3A_605 : i32 to index
      %get3A_607 = tpu.vector_load %arg12[%get3A_606] {strides = array<i32>} : memref<2048xi32, #tpu.memory_space<vmem>>, vector<16xi32>,
      %mul3A_608 = arith.constant 16 : i32
      %mul3A_609 = arith.muli %add3A_603, %mul3A_608 : i32
      %add3A_610 = arith.constant 0 : i32
      %add3A_611 = arith.addi %add3A_610, %mul3A_609 : i32
      %add3A_612 = vector.broadcast %add3A_611 : i32 to vector<16xi32>
      %add3A_613 = arith.addi %add3A_612, %iota3A : vector<16xi32>
      %shift_left3A_614 = arith.constant 14 : i32
      %shift_left3A_615 = vector.broadcast %shift_left3A_614 : i32 to vector<16xi32>
      %shift_left3A_616 = arith.shli %get3A_607, %shift_left3A_615 : vector<16xi32>
      %or3A_617 = arith.ori %shift_left3A_616, %add3A_613 : vector<16xi32>
      %sort3A_618 = arith.constant dense<true> : vector<16xi1>
      %sort3A_619, %sort3A_620, %sort3A_621 = tpu.sort %or3A_617, %or3A_617 masked %sort3A_618 : (vector<16xi32>, vector<16xi32>, vector<16xi1>) -> (vector<16xi1>, vector<16xi32>, vector<16xi32>)
      %shift_right_arithmetic3A_622 = arith.constant 14 : i32
      %shift_right_arithmetic3A_623 = vector.broadcast %shift_right_arithmetic3A_622 : i32 to vector<16xi32>
      %shift_right_arithmetic3A_624 = arith.shrsi %sort3A_620, %shift_right_arithmetic3A_623 : vector<16xi32>
      %broadcast_in_dim3A_625 = vector.shape_cast %min3A_7 : vector<16xi32> to vector<16x1xi32>
      %gather3A_626 = vector.shape_cast %broadcast_in_dim3A_625 : vector<16x1xi32> to vector<16xi32>
      %gather3A_627 = tpu.dynamic_gather %shift_right_arithmetic3A_624[%gather3A_626] in [0] : vector<16xi32>, vector<16xi32> -> vector<16xi32>
      %ne3A_628 = arith.cmpi ne, %shift_right_arithmetic3A_624, %gather3A_627 : vector<16xi32>
      %eq3A_629 = arith.constant 15 : i32
      %eq3A_630 = vector.broadcast %eq3A_629 : i32 to vector<16xi32>
      %eq3A_631 = arith.cmpi eq, %iota3A, %eq3A_630 : vector<16xi32>
      %or3A_632 = arith.ori %ne3A_628, %eq3A_631 : vector<16xi1>
      %and3A_633 = arith.constant 16383 : i32
      %and3A_634 = vector.broadcast %and3A_633 : i32 to vector<16xi32>
      %and3A_635 = arith.andi %sort3A_620, %and3A_634 : vector<16xi32>
      %add3A_636 = arith.constant 1 : i32
      %add3A_637 = vector.broadcast %add3A_636 : i32 to vector<16xi32>
      %add3A_638 = arith.addi %and3A_635, %add3A_637 : vector<16xi32>
      tpu.vector_store_idx %arg10[%shift_right_arithmetic3A_624], %add3A_638 masked %or3A_632 : memref<100352xi32, #tpu.memory_space<vmem>>[vector<16xi32>], vector<16xi32>, vector<16xi1>
    }
    %scan3A_25 = arith.constant 32 : i32
    %dma_wait3A = arith.constant 0 : i32
    %dma_wait3A_26 = tpu.memref_slice %arg11[%dma_wait3A] : memref<512xi32, #tpu.memory_space<vmem>> -> memref<64xi32, #tpu.memory_space<vmem>>
    %dma_wait3A_27 = arith.constant 0 : i32
    %dma_wait3A_28 = arith.constant 0 : i32
    %dma_wait3A_29 = tpu.memref_slice %arg4[%dma_wait3A_27, %dma_wait3A_28] : memref<100000x128xf32, #tpu.memory_space<hbm>> -> memref<100000x128xf32, #tpu.memory_space<hbm>>
    tpu.wait_indirect_dma semaphore(%arg16 : memref<!tpu.dma_semaphore, #tpu.memory_space<semaphore_mem>>) src(%dma_wait3A_29 : memref<100000x128xf32, #tpu.memory_space<hbm>>) dst(%arg14 : memref<64x128xf32, #tpu.memory_space<vmem>>)
    %add3A_30 = arith.constant 0 : i32
    %add3A_31 = arith.addi %mul3A_2, %add3A_30 : i32
    %dma_start3A_32 = arith.constant 0 : i32
    %dma_start3A_33 = tpu.memref_slice %arg8[%add3A_31, %dma_start3A_32] : memref<18432x128xf32, #tpu.memory_space<hbm>> -> memref<64x128xf32, #tpu.memory_space<hbm>>
    %dma_start3A_34 = arith.constant 0 : i32
    %dma_start3A_35 = tpu.memref_slice %arg8[%add3A_31, %dma_start3A_34] : memref<18432x128xf32, #tpu.memory_space<hbm>> -> memref<64x128xf32, #tpu.memory_space<hbm>>
    tpu.enqueue_dma source(%arg14 : memref<64x128xf32, #tpu.memory_space<vmem>>) target(%dma_start3A_35 : memref<64x128xf32, #tpu.memory_space<hbm>>) target_semaphore(%arg18 : memref<!tpu.dma_semaphore, #tpu.memory_space<semaphore_mem>>)
    %dma_start3A_36 = arith.constant 64 : i32
    %dma_start3A_37 = tpu.memref_slice %arg11[%dma_start3A_36] : memref<512xi32, #tpu.memory_space<vmem>> -> memref<64xi32, #tpu.memory_space<vmem>>
    %dma_start3A_38 = arith.constant 0 : i32
    %dma_start3A_39 = arith.constant 0 : i32
    %dma_start3A_40 = tpu.memref_slice %arg4[%dma_start3A_38, %dma_start3A_39] : memref<100000x128xf32, #tpu.memory_space<hbm>> -> memref<100000x128xf32, #tpu.memory_space<hbm>>
    tpu.enqueue_indirect_dma source(%dma_start3A_40 : memref<100000x128xf32, #tpu.memory_space<hbm>>) target(%arg15 : memref<64x128xf32, #tpu.memory_space<vmem>>) offsets(%dma_start3A_37 : memref<64xi32, #tpu.memory_space<vmem>>) semaphore(%arg17 : memref<!tpu.dma_semaphore, #tpu.memory_space<semaphore_mem>>)
    "tpu.region"() ({
      %run_scoped3A = tpu.sem_alloc : memref<!tpu.dma_semaphore, #tpu.memory_space<semaphore_mem>>
      %dma_start3A_490 = arith.constant 2048 : i32
      %dma_start3A_491 = tpu.memref_slice %arg2[%dma_start3A_490] : memref<16384xi32, #tpu.memory_space<hbm>> -> memref<2048xi32, #tpu.memory_space<hbm>>
      %dma_start3A_492 = arith.constant 2048 : i32
      %dma_start3A_493 = tpu.memref_slice %arg2[%dma_start3A_492] : memref<16384xi32, #tpu.memory_space<hbm>> -> memref<2048xi32, #tpu.memory_space<hbm>>
      tpu.enqueue_dma source(%dma_start3A_493 : memref<2048xi32, #tpu.memory_space<hbm>>) target(%arg12 : memref<2048xi32, #tpu.memory_space<vmem>>) target_semaphore(%run_scoped3A : memref<!tpu.dma_semaphore, #tpu.memory_space<semaphore_mem>>)
      %dma_wait3A_494 = arith.constant 2048 : i32
      %dma_wait3A_495 = tpu.memref_slice %arg2[%dma_wait3A_494] : memref<16384xi32, #tpu.memory_space<hbm>> -> memref<2048xi32, #tpu.memory_space<hbm>>
      %dma_wait3A_496 = arith.constant 2048 : i32
      %dma_wait3A_497 = tpu.memref_slice %arg2[%dma_wait3A_496] : memref<16384xi32, #tpu.memory_space<hbm>> -> memref<2048xi32, #tpu.memory_space<hbm>>
      tpu.wait_dma2 semaphore(%run_scoped3A : memref<!tpu.dma_semaphore, #tpu.memory_space<semaphore_mem>>) src(%dma_wait3A_497 : memref<2048xi32, #tpu.memory_space<hbm>>) dst(%arg12 : memref<2048xi32, #tpu.memory_space<vmem>>)
      tpu.yield
    }) : () -> ()
    %scan3A_41 = arith.constant 0 : i32
    %scan3A_42 = arith.constant 0 : i32
    %scan3A_43 = arith.constant 32 : i32
    %scan3A_44 = arith.addi %scan3A_42, %scan3A_43 : i32
    %scan3A_45 = arith.constant 1 : i32
    scf.for %scan3A_490 = %scan3A_42 to %scan3A_44 step %scan3A_45  : i32 {
      %mul3A_491 = arith.constant 4 : i32
      %mul3A_492 = arith.muli %scan3A_490, %mul3A_491 : i32
      %add3A_493 = arith.constant 0 : i32
      %add3A_494 = arith.addi %mul3A_492, %add3A_493 : i32
      %mul3A_495 = arith.constant 16 : i32
      %mul3A_496 = arith.muli %add3A_494, %mul3A_495 : i32
      %get3A_497 = arith.index_cast %mul3A_496 : i32 to index
      %get3A_498 = tpu.vector_load %arg12[%get3A_497] {strides = array<i32>} : memref<2048xi32, #tpu.memory_space<vmem>>, vector<16xi32>,
      %mul3A_499 = arith.constant 16 : i32
      %mul3A_500 = arith.muli %add3A_494, %mul3A_499 : i32
      %add3A_501 = arith.constant 2048 : i32
      %add3A_502 = arith.addi %add3A_501, %mul3A_500 : i32
      %add3A_503 = vector.broadcast %add3A_502 : i32 to vector<16xi32>
      %add3A_504 = arith.addi %add3A_503, %iota3A : vector<16xi32>
      %shift_left3A = arith.constant 14 : i32
      %shift_left3A_505 = vector.broadcast %shift_left3A : i32 to vector<16xi32>
      %shift_left3A_506 = arith.shli %get3A_498, %shift_left3A_505 : vector<16xi32>
      %or3A = arith.ori %shift_left3A_506, %add3A_504 : vector<16xi32>
      %sort3A = arith.constant dense<true> : vector<16xi1>
      %sort3A_507, %sort3A_508, %sort3A_509 = tpu.sort %or3A, %or3A masked %sort3A : (vector<16xi32>, vector<16xi32>, vector<16xi1>) -> (vector<16xi1>, vector<16xi32>, vector<16xi32>)
      %shift_right_arithmetic3A = arith.constant 14 : i32
      %shift_right_arithmetic3A_510 = vector.broadcast %shift_right_arithmetic3A : i32 to vector<16xi32>
      %shift_right_arithmetic3A_511 = arith.shrsi %sort3A_508, %shift_right_arithmetic3A_510 : vector<16xi32>
      %broadcast_in_dim3A_512 = vector.shape_cast %min3A_7 : vector<16xi32> to vector<16x1xi32>
      %gather3A = vector.shape_cast %broadcast_in_dim3A_512 : vector<16x1xi32> to vector<16xi32>
      %gather3A_513 = tpu.dynamic_gather %shift_right_arithmetic3A_511[%gather3A] in [0] : vector<16xi32>, vector<16xi32> -> vector<16xi32>
      %ne3A = arith.cmpi ne, %shift_right_arithmetic3A_511, %gather3A_513 : vector<16xi32>
      %eq3A = arith.constant 15 : i32
      %eq3A_514 = vector.broadcast %eq3A : i32 to vector<16xi32>
      %eq3A_515 = arith.cmpi eq, %iota3A, %eq3A_514 : vector<16xi32>
      %or3A_516 = arith.ori %ne3A, %eq3A_515 : vector<16xi1>
      %and3A = arith.constant 16383 : i32
      %and3A_517 = vector.broadcast %and3A : i32 to vector<16xi32>
      %and3A_518 = arith.andi %sort3A_508, %and3A_517 : vector<16xi32>
      %add3A_519 = arith.constant 1 : i32
      %add3A_520 = vector.broadcast %add3A_519 : i32 to vector<16xi32>
      %add3A_521 = arith.addi %and3A_518, %add3A_520 : vector<16xi32>
      tpu.vector_store_idx %arg10[%shift_right_arithmetic3A_511], %add3A_521 masked %or3A_516 : memref<100352xi32, #tpu.memory_space<vmem>>[vector<16xi32>], vector<16xi32>, vector<16xi1>
      %mul3A_522 = arith.constant 4 : i32
      %mul3A_523 = arith.muli %scan3A_490, %mul3A_522 : i32
      %add3A_524 = arith.constant 1 : i32
      %add3A_525 = arith.addi %mul3A_523, %add3A_524 : i32
      %mul3A_526 = arith.constant 16 : i32
      %mul3A_527 = arith.muli %add3A_525, %mul3A_526 : i32
      %get3A_528 = arith.index_cast %mul3A_527 : i32 to index
      %get3A_529 = tpu.vector_load %arg12[%get3A_528] {strides = array<i32>} : memref<2048xi32, #tpu.memory_space<vmem>>, vector<16xi32>,
      %mul3A_530 = arith.constant 16 : i32
      %mul3A_531 = arith.muli %add3A_525, %mul3A_530 : i32
      %add3A_532 = arith.constant 2048 : i32
      %add3A_533 = arith.addi %add3A_532, %mul3A_531 : i32
      %add3A_534 = vector.broadcast %add3A_533 : i32 to vector<16xi32>
      %add3A_535 = arith.addi %add3A_534, %iota3A : vector<16xi32>
      %shift_left3A_536 = arith.constant 14 : i32
      %shift_left3A_537 = vector.broadcast %shift_left3A_536 : i32 to vector<16xi32>
      %shift_left3A_538 = arith.shli %get3A_529, %shift_left3A_537 : vector<16xi32>
      %or3A_539 = arith.ori %shift_left3A_538, %add3A_535 : vector<16xi32>
      %sort3A_540 = arith.constant dense<true> : vector<16xi1>
      %sort3A_541, %sort3A_542, %sort3A_543 = tpu.sort %or3A_539, %or3A_539 masked %sort3A_540 : (vector<16xi32>, vector<16xi32>, vector<16xi1>) -> (vector<16xi1>, vector<16xi32>, vector<16xi32>)
      %shift_right_arithmetic3A_544 = arith.constant 14 : i32
      %shift_right_arithmetic3A_545 = vector.broadcast %shift_right_arithmetic3A_544 : i32 to vector<16xi32>
      %shift_right_arithmetic3A_546 = arith.shrsi %sort3A_542, %shift_right_arithmetic3A_545 : vector<16xi32>
      %broadcast_in_dim3A_547 = vector.shape_cast %min3A_7 : vector<16xi32> to vector<16x1xi32>
      %gather3A_548 = vector.shape_cast %broadcast_in_dim3A_547 : vector<16x1xi32> to vector<16xi32>
      %gather3A_549 = tpu.dynamic_gather %shift_right_arithmetic3A_546[%gather3A_548] in [0] : vector<16xi32>, vector<16xi32> -> vector<16xi32>
      %ne3A_550 = arith.cmpi ne, %shift_right_arithmetic3A_546, %gather3A_549 : vector<16xi32>
      %eq3A_551 = arith.constant 15 : i32
      %eq3A_552 = vector.broadcast %eq3A_551 : i32 to vector<16xi32>
      %eq3A_553 = arith.cmpi eq, %iota3A, %eq3A_552 : vector<16xi32>
      %or3A_554 = arith.ori %ne3A_550, %eq3A_553 : vector<16xi1>
      %and3A_555 = arith.constant 16383 : i32
      %and3A_556 = vector.broadcast %and3A_555 : i32 to vector<16xi32>
      %and3A_557 = arith.andi %sort3A_542, %and3A_556 : vector<16xi32>
      %add3A_558 = arith.constant 1 : i32
      %add3A_559 = vector.broadcast %add3A_558 : i32 to vector<16xi32>
      %add3A_560 = arith.addi %and3A_557, %add3A_559 : vector<16xi32>
      tpu.vector_store_idx %arg10[%shift_right_arithmetic3A_546], %add3A_560 masked %or3A_554 : memref<100352xi32, #tpu.memory_space<vmem>>[vector<16xi32>], vector<16xi32>, vector<16xi1>
      %mul3A_561 = arith.constant 4 : i32
      %mul3A_562 = arith.muli %scan3A_490, %mul3A_561 : i32
      %add3A_563 = arith.constant 2 : i32
      %add3A_564 = arith.addi %mul3A_562, %add3A_563 : i32
      %mul3A_565 = arith.constant 16 : i32
      %mul3A_566 = arith.muli %add3A_564, %mul3A_565 : i32
      %get3A_567 = arith.index_cast %mul3A_566 : i32 to index
      %get3A_568 = tpu.vector_load %arg12[%get3A_567] {strides = array<i32>} : memref<2048xi32, #tpu.memory_space<vmem>>, vector<16xi32>,
      %mul3A_569 = arith.constant 16 : i32
      %mul3A_570 = arith.muli %add3A_564, %mul3A_569 : i32
      %add3A_571 = arith.constant 2048 : i32
      %add3A_572 = arith.addi %add3A_571, %mul3A_570 : i32
      %add3A_573 = vector.broadcast %add3A_572 : i32 to vector<16xi32>
      %add3A_574 = arith.addi %add3A_573, %iota3A : vector<16xi32>
      %shift_left3A_575 = arith.constant 14 : i32
      %shift_left3A_576 = vector.broadcast %shift_left3A_575 : i32 to vector<16xi32>
      %shift_left3A_577 = arith.shli %get3A_568, %shift_left3A_576 : vector<16xi32>
      %or3A_578 = arith.ori %shift_left3A_577, %add3A_574 : vector<16xi32>
      %sort3A_579 = arith.constant dense<true> : vector<16xi1>
      %sort3A_580, %sort3A_581, %sort3A_582 = tpu.sort %or3A_578, %or3A_578 masked %sort3A_579 : (vector<16xi32>, vector<16xi32>, vector<16xi1>) -> (vector<16xi1>, vector<16xi32>, vector<16xi32>)
      %shift_right_arithmetic3A_583 = arith.constant 14 : i32
      %shift_right_arithmetic3A_584 = vector.broadcast %shift_right_arithmetic3A_583 : i32 to vector<16xi32>
      %shift_right_arithmetic3A_585 = arith.shrsi %sort3A_581, %shift_right_arithmetic3A_584 : vector<16xi32>
      %broadcast_in_dim3A_586 = vector.shape_cast %min3A_7 : vector<16xi32> to vector<16x1xi32>
      %gather3A_587 = vector.shape_cast %broadcast_in_dim3A_586 : vector<16x1xi32> to vector<16xi32>
      %gather3A_588 = tpu.dynamic_gather %shift_right_arithmetic3A_585[%gather3A_587] in [0] : vector<16xi32>, vector<16xi32> -> vector<16xi32>
      %ne3A_589 = arith.cmpi ne, %shift_right_arithmetic3A_585, %gather3A_588 : vector<16xi32>
      %eq3A_590 = arith.constant 15 : i32
      %eq3A_591 = vector.broadcast %eq3A_590 : i32 to vector<16xi32>
      %eq3A_592 = arith.cmpi eq, %iota3A, %eq3A_591 : vector<16xi32>
      %or3A_593 = arith.ori %ne3A_589, %eq3A_592 : vector<16xi1>
      %and3A_594 = arith.constant 16383 : i32
      %and3A_595 = vector.broadcast %and3A_594 : i32 to vector<16xi32>
      %and3A_596 = arith.andi %sort3A_581, %and3A_595 : vector<16xi32>
      %add3A_597 = arith.constant 1 : i32
      %add3A_598 = vector.broadcast %add3A_597 : i32 to vector<16xi32>
      %add3A_599 = arith.addi %and3A_596, %add3A_598 : vector<16xi32>
      tpu.vector_store_idx %arg10[%shift_right_arithmetic3A_585], %add3A_599 masked %or3A_593 : memref<100352xi32, #tpu.memory_space<vmem>>[vector<16xi32>], vector<16xi32>, vector<16xi1>
      %mul3A_600 = arith.constant 4 : i32
      %mul3A_601 = arith.muli %scan3A_490, %mul3A_600 : i32
      %add3A_602 = arith.constant 3 : i32
      %add3A_603 = arith.addi %mul3A_601, %add3A_602 : i32
      %mul3A_604 = arith.constant 16 : i32
      %mul3A_605 = arith.muli %add3A_603, %mul3A_604 : i32
      %get3A_606 = arith.index_cast %mul3A_605 : i32 to index
      %get3A_607 = tpu.vector_load %arg12[%get3A_606] {strides = array<i32>} : memref<2048xi32, #tpu.memory_space<vmem>>, vector<16xi32>,
      %mul3A_608 = arith.constant 16 : i32
      %mul3A_609 = arith.muli %add3A_603, %mul3A_608 : i32
      %add3A_610 = arith.constant 2048 : i32
      %add3A_611 = arith.addi %add3A_610, %mul3A_609 : i32
      %add3A_612 = vector.broadcast %add3A_611 : i32 to vector<16xi32>
      %add3A_613 = arith.addi %add3A_612, %iota3A : vector<16xi32>
      %shift_left3A_614 = arith.constant 14 : i32
      %shift_left3A_615 = vector.broadcast %shift_left3A_614 : i32 to vector<16xi32>
      %shift_left3A_616 = arith.shli %get3A_607, %shift_left3A_615 : vector<16xi32>
      %or3A_617 = arith.ori %shift_left3A_616, %add3A_613 : vector<16xi32>
      %sort3A_618 = arith.constant dense<true> : vector<16xi1>
      %sort3A_619, %sort3A_620, %sort3A_621 = tpu.sort %or3A_617, %or3A_617 masked %sort3A_618 : (vector<16xi32>, vector<16xi32>, vector<16xi1>) -> (vector<16xi1>, vector<16xi32>, vector<16xi32>)
      %shift_right_arithmetic3A_622 = arith.constant 14 : i32
      %shift_right_arithmetic3A_623 = vector.broadcast %shift_right_arithmetic3A_622 : i32 to vector<16xi32>
      %shift_right_arithmetic3A_624 = arith.shrsi %sort3A_620, %shift_right_arithmetic3A_623 : vector<16xi32>
      %broadcast_in_dim3A_625 = vector.shape_cast %min3A_7 : vector<16xi32> to vector<16x1xi32>
      %gather3A_626 = vector.shape_cast %broadcast_in_dim3A_625 : vector<16x1xi32> to vector<16xi32>
      %gather3A_627 = tpu.dynamic_gather %shift_right_arithmetic3A_624[%gather3A_626] in [0] : vector<16xi32>, vector<16xi32> -> vector<16xi32>
      %ne3A_628 = arith.cmpi ne, %shift_right_arithmetic3A_624, %gather3A_627 : vector<16xi32>
      %eq3A_629 = arith.constant 15 : i32
      %eq3A_630 = vector.broadcast %eq3A_629 : i32 to vector<16xi32>
      %eq3A_631 = arith.cmpi eq, %iota3A, %eq3A_630 : vector<16xi32>
      %or3A_632 = arith.ori %ne3A_628, %eq3A_631 : vector<16xi1>
      %and3A_633 = arith.constant 16383 : i32
      %and3A_634 = vector.broadcast %and3A_633 : i32 to vector<16xi32>
      %and3A_635 = arith.andi %sort3A_620, %and3A_634 : vector<16xi32>
      %add3A_636 = arith.constant 1 : i32
      %add3A_637 = vector.broadcast %add3A_636 : i32 to vector<16xi32>
      %add3A_638 = arith.addi %and3A_635, %add3A_637 : vector<16xi32>
      tpu.vector_store_idx %arg10[%shift_right_arithmetic3A_624], %add3A_638 masked %or3A_632 : memref<100352xi32, #tpu.memory_space<vmem>>[vector<16xi32>], vector<16xi32>, vector<16xi1>
    }
    %scan3A_46 = arith.constant 32 : i32
    %dma_wait3A_47 = arith.constant 64 : i32
    %dma_wait3A_48 = tpu.memref_slice %arg11[%dma_wait3A_47] : memref<512xi32, #tpu.memory_space<vmem>> -> memref<64xi32, #tpu.memory_space<vmem>>
    %dma_wait3A_49 = arith.constant 0 : i32
    %dma_wait3A_50 = arith.constant 0 : i32
    %dma_wait3A_51 = tpu.memref_slice %arg4[%dma_wait3A_49, %dma_wait3A_50] : memref<100000x128xf32, #tpu.memory_space<hbm>> -> memref<100000x128xf32, #tpu.memory_space<hbm>>
    tpu.wait_indirect_dma semaphore(%arg17 : memref<!tpu.dma_semaphore, #tpu.memory_space<semaphore_mem>>) src(%dma_wait3A_51 : memref<100000x128xf32, #tpu.memory_space<hbm>>) dst(%arg15 : memref<64x128xf32, #tpu.memory_space<vmem>>)
    %add3A_52 = arith.constant 64 : i32
    %add3A_53 = arith.addi %mul3A_2, %add3A_52 : i32
    %dma_start3A_54 = arith.constant 0 : i32
    %dma_start3A_55 = tpu.memref_slice %arg8[%add3A_53, %dma_start3A_54] : memref<18432x128xf32, #tpu.memory_space<hbm>> -> memref<64x128xf32, #tpu.memory_space<hbm>>
    %dma_start3A_56 = arith.constant 0 : i32
    %dma_start3A_57 = tpu.memref_slice %arg8[%add3A_53, %dma_start3A_56] : memref<18432x128xf32, #tpu.memory_space<hbm>> -> memref<64x128xf32, #tpu.memory_space<hbm>>
    tpu.enqueue_dma source(%arg15 : memref<64x128xf32, #tpu.memory_space<vmem>>) target(%dma_start3A_57 : memref<64x128xf32, #tpu.memory_space<hbm>>) target_semaphore(%arg19 : memref<!tpu.dma_semaphore, #tpu.memory_space<semaphore_mem>>)
    %dma_wait3A_58 = arith.constant 0 : i32
    %dma_wait3A_59 = tpu.memref_slice %arg8[%add3A_31, %dma_wait3A_58] : memref<18432x128xf32, #tpu.memory_space<hbm>> -> memref<64x128xf32, #tpu.memory_space<hbm>>
    %dma_wait3A_60 = arith.constant 0 : i32
    %dma_wait3A_61 = tpu.memref_slice %arg8[%add3A_31, %dma_wait3A_60] : memref<18432x128xf32, #tpu.memory_space<hbm>> -> memref<64x128xf32, #tpu.memory_space<hbm>>
    tpu.wait_dma2 semaphore(%arg18 : memref<!tpu.dma_semaphore, #tpu.memory_space<semaphore_mem>>) src(%arg14 : memref<64x128xf32, #tpu.memory_space<vmem>>) dst(%dma_wait3A_61 : memref<64x128xf32, #tpu.memory_space<hbm>>)
    %dma_start3A_62 = arith.constant 128 : i32
    %dma_start3A_63 = tpu.memref_slice %arg11[%dma_start3A_62] : memref<512xi32, #tpu.memory_space<vmem>> -> memref<64xi32, #tpu.memory_space<vmem>>
    %dma_start3A_64 = arith.constant 0 : i32
    %dma_start3A_65 = arith.constant 0 : i32
    %dma_start3A_66 = tpu.memref_slice %arg4[%dma_start3A_64, %dma_start3A_65] : memref<100000x128xf32, #tpu.memory_space<hbm>> -> memref<100000x128xf32, #tpu.memory_space<hbm>>
    tpu.enqueue_indirect_dma source(%dma_start3A_66 : memref<100000x128xf32, #tpu.memory_space<hbm>>) target(%arg14 : memref<64x128xf32, #tpu.memory_space<vmem>>) offsets(%dma_start3A_63 : memref<64xi32, #tpu.memory_space<vmem>>) semaphore(%arg16 : memref<!tpu.dma_semaphore, #tpu.memory_space<semaphore_mem>>)
    "tpu.region"() ({
      %run_scoped3A = tpu.sem_alloc : memref<!tpu.dma_semaphore, #tpu.memory_space<semaphore_mem>>
      %dma_start3A_490 = arith.constant 4096 : i32
      %dma_start3A_491 = tpu.memref_slice %arg2[%dma_start3A_490] : memref<16384xi32, #tpu.memory_space<hbm>> -> memref<2048xi32, #tpu.memory_space<hbm>>
      %dma_start3A_492 = arith.constant 4096 : i32
      %dma_start3A_493 = tpu.memref_slice %arg2[%dma_start3A_492] : memref<16384xi32, #tpu.memory_space<hbm>> -> memref<2048xi32, #tpu.memory_space<hbm>>
      tpu.enqueue_dma source(%dma_start3A_493 : memref<2048xi32, #tpu.memory_space<hbm>>) target(%arg12 : memref<2048xi32, #tpu.memory_space<vmem>>) target_semaphore(%run_scoped3A : memref<!tpu.dma_semaphore, #tpu.memory_space<semaphore_mem>>)
      %dma_wait3A_494 = arith.constant 4096 : i32
      %dma_wait3A_495 = tpu.memref_slice %arg2[%dma_wait3A_494] : memref<16384xi32, #tpu.memory_space<hbm>> -> memref<2048xi32, #tpu.memory_space<hbm>>
      %dma_wait3A_496 = arith.constant 4096 : i32
      %dma_wait3A_497 = tpu.memref_slice %arg2[%dma_wait3A_496] : memref<16384xi32, #tpu.memory_space<hbm>> -> memref<2048xi32, #tpu.memory_space<hbm>>
      tpu.wait_dma2 semaphore(%run_scoped3A : memref<!tpu.dma_semaphore, #tpu.memory_space<semaphore_mem>>) src(%dma_wait3A_497 : memref<2048xi32, #tpu.memory_space<hbm>>) dst(%arg12 : memref<2048xi32, #tpu.memory_space<vmem>>)
      tpu.yield
    }) : () -> ()
    %scan3A_67 = arith.constant 0 : i32
    %scan3A_68 = arith.constant 0 : i32
    %scan3A_69 = arith.constant 32 : i32
    %scan3A_70 = arith.addi %scan3A_68, %scan3A_69 : i32
    %scan3A_71 = arith.constant 1 : i32
    scf.for %scan3A_490 = %scan3A_68 to %scan3A_70 step %scan3A_71  : i32 {
      %mul3A_491 = arith.constant 4 : i32
      %mul3A_492 = arith.muli %scan3A_490, %mul3A_491 : i32
      %add3A_493 = arith.constant 0 : i32
      %add3A_494 = arith.addi %mul3A_492, %add3A_493 : i32
      %mul3A_495 = arith.constant 16 : i32
      %mul3A_496 = arith.muli %add3A_494, %mul3A_495 : i32
      %get3A_497 = arith.index_cast %mul3A_496 : i32 to index
      %get3A_498 = tpu.vector_load %arg12[%get3A_497] {strides = array<i32>} : memref<2048xi32, #tpu.memory_space<vmem>>, vector<16xi32>,
      %mul3A_499 = arith.constant 16 : i32
      %mul3A_500 = arith.muli %add3A_494, %mul3A_499 : i32
      %add3A_501 = arith.constant 4096 : i32
      %add3A_502 = arith.addi %add3A_501, %mul3A_500 : i32
      %add3A_503 = vector.broadcast %add3A_502 : i32 to vector<16xi32>
      %add3A_504 = arith.addi %add3A_503, %iota3A : vector<16xi32>
      %shift_left3A = arith.constant 14 : i32
      %shift_left3A_505 = vector.broadcast %shift_left3A : i32 to vector<16xi32>
      %shift_left3A_506 = arith.shli %get3A_498, %shift_left3A_505 : vector<16xi32>
      %or3A = arith.ori %shift_left3A_506, %add3A_504 : vector<16xi32>
      %sort3A = arith.constant dense<true> : vector<16xi1>
      %sort3A_507, %sort3A_508, %sort3A_509 = tpu.sort %or3A, %or3A masked %sort3A : (vector<16xi32>, vector<16xi32>, vector<16xi1>) -> (vector<16xi1>, vector<16xi32>, vector<16xi32>)
      %shift_right_arithmetic3A = arith.constant 14 : i32
      %shift_right_arithmetic3A_510 = vector.broadcast %shift_right_arithmetic3A : i32 to vector<16xi32>
      %shift_right_arithmetic3A_511 = arith.shrsi %sort3A_508, %shift_right_arithmetic3A_510 : vector<16xi32>
      %broadcast_in_dim3A_512 = vector.shape_cast %min3A_7 : vector<16xi32> to vector<16x1xi32>
      %gather3A = vector.shape_cast %broadcast_in_dim3A_512 : vector<16x1xi32> to vector<16xi32>
      %gather3A_513 = tpu.dynamic_gather %shift_right_arithmetic3A_511[%gather3A] in [0] : vector<16xi32>, vector<16xi32> -> vector<16xi32>
      %ne3A = arith.cmpi ne, %shift_right_arithmetic3A_511, %gather3A_513 : vector<16xi32>
      %eq3A = arith.constant 15 : i32
      %eq3A_514 = vector.broadcast %eq3A : i32 to vector<16xi32>
      %eq3A_515 = arith.cmpi eq, %iota3A, %eq3A_514 : vector<16xi32>
      %or3A_516 = arith.ori %ne3A, %eq3A_515 : vector<16xi1>
      %and3A = arith.constant 16383 : i32
      %and3A_517 = vector.broadcast %and3A : i32 to vector<16xi32>
      %and3A_518 = arith.andi %sort3A_508, %and3A_517 : vector<16xi32>
      %add3A_519 = arith.constant 1 : i32
      %add3A_520 = vector.broadcast %add3A_519 : i32 to vector<16xi32>
      %add3A_521 = arith.addi %and3A_518, %add3A_520 : vector<16xi32>
      tpu.vector_store_idx %arg10[%shift_right_arithmetic3A_511], %add3A_521 masked %or3A_516 : memref<100352xi32, #tpu.memory_space<vmem>>[vector<16xi32>], vector<16xi32>, vector<16xi1>
      %mul3A_522 = arith.constant 4 : i32
      %mul3A_523 = arith.muli %scan3A_490, %mul3A_522 : i32
      %add3A_524 = arith.constant 1 : i32
      %add3A_525 = arith.addi %mul3A_523, %add3A_524 : i32
      %mul3A_526 = arith.constant 16 : i32
      %mul3A_527 = arith.muli %add3A_525, %mul3A_526 : i32
      %get3A_528 = arith.index_cast %mul3A_527 : i32 to index
      %get3A_529 = tpu.vector_load %arg12[%get3A_528] {strides = array<i32>} : memref<2048xi32, #tpu.memory_space<vmem>>, vector<16xi32>,
      %mul3A_530 = arith.constant 16 : i32
      %mul3A_531 = arith.muli %add3A_525, %mul3A_530 : i32
      %add3A_532 = arith.constant 4096 : i32
      %add3A_533 = arith.addi %add3A_532, %mul3A_531 : i32
      %add3A_534 = vector.broadcast %add3A_533 : i32 to vector<16xi32>
      %add3A_535 = arith.addi %add3A_534, %iota3A : vector<16xi32>
      %shift_left3A_536 = arith.constant 14 : i32
      %shift_left3A_537 = vector.broadcast %shift_left3A_536 : i32 to vector<16xi32>
      %shift_left3A_538 = arith.shli %get3A_529, %shift_left3A_537 : vector<16xi32>
      %or3A_539 = arith.ori %shift_left3A_538, %add3A_535 : vector<16xi32>
      %sort3A_540 = arith.constant dense<true> : vector<16xi1>
      %sort3A_541, %sort3A_542, %sort3A_543 = tpu.sort %or3A_539, %or3A_539 masked %sort3A_540 : (vector<16xi32>, vector<16xi32>, vector<16xi1>) -> (vector<16xi1>, vector<16xi32>, vector<16xi32>)
      %shift_right_arithmetic3A_544 = arith.constant 14 : i32
      %shift_right_arithmetic3A_545 = vector.broadcast %shift_right_arithmetic3A_544 : i32 to vector<16xi32>
      %shift_right_arithmetic3A_546 = arith.shrsi %sort3A_542, %shift_right_arithmetic3A_545 : vector<16xi32>
      %broadcast_in_dim3A_547 = vector.shape_cast %min3A_7 : vector<16xi32> to vector<16x1xi32>
      %gather3A_548 = vector.shape_cast %broadcast_in_dim3A_547 : vector<16x1xi32> to vector<16xi32>
      %gather3A_549 = tpu.dynamic_gather %shift_right_arithmetic3A_546[%gather3A_548] in [0] : vector<16xi32>, vector<16xi32> -> vector<16xi32>
      %ne3A_550 = arith.cmpi ne, %shift_right_arithmetic3A_546, %gather3A_549 : vector<16xi32>
      %eq3A_551 = arith.constant 15 : i32
      %eq3A_552 = vector.broadcast %eq3A_551 : i32 to vector<16xi32>
      %eq3A_553 = arith.cmpi eq, %iota3A, %eq3A_552 : vector<16xi32>
      %or3A_554 = arith.ori %ne3A_550, %eq3A_553 : vector<16xi1>
      %and3A_555 = arith.constant 16383 : i32
      %and3A_556 = vector.broadcast %and3A_555 : i32 to vector<16xi32>
      %and3A_557 = arith.andi %sort3A_542, %and3A_556 : vector<16xi32>
      %add3A_558 = arith.constant 1 : i32
      %add3A_559 = vector.broadcast %add3A_558 : i32 to vector<16xi32>
      %add3A_560 = arith.addi %and3A_557, %add3A_559 : vector<16xi32>
      tpu.vector_store_idx %arg10[%shift_right_arithmetic3A_546], %add3A_560 masked %or3A_554 : memref<100352xi32, #tpu.memory_space<vmem>>[vector<16xi32>], vector<16xi32>, vector<16xi1>
      %mul3A_561 = arith.constant 4 : i32
      %mul3A_562 = arith.muli %scan3A_490, %mul3A_561 : i32
      %add3A_563 = arith.constant 2 : i32
      %add3A_564 = arith.addi %mul3A_562, %add3A_563 : i32
      %mul3A_565 = arith.constant 16 : i32
      %mul3A_566 = arith.muli %add3A_564, %mul3A_565 : i32
      %get3A_567 = arith.index_cast %mul3A_566 : i32 to index
      %get3A_568 = tpu.vector_load %arg12[%get3A_567] {strides = array<i32>} : memref<2048xi32, #tpu.memory_space<vmem>>, vector<16xi32>,
      %mul3A_569 = arith.constant 16 : i32
      %mul3A_570 = arith.muli %add3A_564, %mul3A_569 : i32
      %add3A_571 = arith.constant 4096 : i32
      %add3A_572 = arith.addi %add3A_571, %mul3A_570 : i32
      %add3A_573 = vector.broadcast %add3A_572 : i32 to vector<16xi32>
      %add3A_574 = arith.addi %add3A_573, %iota3A : vector<16xi32>
      %shift_left3A_575 = arith.constant 14 : i32
      %shift_left3A_576 = vector.broadcast %shift_left3A_575 : i32 to vector<16xi32>
      %shift_left3A_577 = arith.shli %get3A_568, %shift_left3A_576 : vector<16xi32>
      %or3A_578 = arith.ori %shift_left3A_577, %add3A_574 : vector<16xi32>
      %sort3A_579 = arith.constant dense<true> : vector<16xi1>
      %sort3A_580, %sort3A_581, %sort3A_582 = tpu.sort %or3A_578, %or3A_578 masked %sort3A_579 : (vector<16xi32>, vector<16xi32>, vector<16xi1>) -> (vector<16xi1>, vector<16xi32>, vector<16xi32>)
      %shift_right_arithmetic3A_583 = arith.constant 14 : i32
      %shift_right_arithmetic3A_584 = vector.broadcast %shift_right_arithmetic3A_583 : i32 to vector<16xi32>
      %shift_right_arithmetic3A_585 = arith.shrsi %sort3A_581, %shift_right_arithmetic3A_584 : vector<16xi32>
      %broadcast_in_dim3A_586 = vector.shape_cast %min3A_7 : vector<16xi32> to vector<16x1xi32>
      %gather3A_587 = vector.shape_cast %broadcast_in_dim3A_586 : vector<16x1xi32> to vector<16xi32>
      %gather3A_588 = tpu.dynamic_gather %shift_right_arithmetic3A_585[%gather3A_587] in [0] : vector<16xi32>, vector<16xi32> -> vector<16xi32>
      %ne3A_589 = arith.cmpi ne, %shift_right_arithmetic3A_585, %gather3A_588 : vector<16xi32>
      %eq3A_590 = arith.constant 15 : i32
      %eq3A_591 = vector.broadcast %eq3A_590 : i32 to vector<16xi32>
      %eq3A_592 = arith.cmpi eq, %iota3A, %eq3A_591 : vector<16xi32>
      %or3A_593 = arith.ori %ne3A_589, %eq3A_592 : vector<16xi1>
      %and3A_594 = arith.constant 16383 : i32
      %and3A_595 = vector.broadcast %and3A_594 : i32 to vector<16xi32>
      %and3A_596 = arith.andi %sort3A_581, %and3A_595 : vector<16xi32>
      %add3A_597 = arith.constant 1 : i32
      %add3A_598 = vector.broadcast %add3A_597 : i32 to vector<16xi32>
      %add3A_599 = arith.addi %and3A_596, %add3A_598 : vector<16xi32>
      tpu.vector_store_idx %arg10[%shift_right_arithmetic3A_585], %add3A_599 masked %or3A_593 : memref<100352xi32, #tpu.memory_space<vmem>>[vector<16xi32>], vector<16xi32>, vector<16xi1>
      %mul3A_600 = arith.constant 4 : i32
      %mul3A_601 = arith.muli %scan3A_490, %mul3A_600 : i32
      %add3A_602 = arith.constant 3 : i32
      %add3A_603 = arith.addi %mul3A_601, %add3A_602 : i32
      %mul3A_604 = arith.constant 16 : i32
      %mul3A_605 = arith.muli %add3A_603, %mul3A_604 : i32
      %get3A_606 = arith.index_cast %mul3A_605 : i32 to index
      %get3A_607 = tpu.vector_load %arg12[%get3A_606] {strides = array<i32>} : memref<2048xi32, #tpu.memory_space<vmem>>, vector<16xi32>,
      %mul3A_608 = arith.constant 16 : i32
      %mul3A_609 = arith.muli %add3A_603, %mul3A_608 : i32
      %add3A_610 = arith.constant 4096 : i32
      %add3A_611 = arith.addi %add3A_610, %mul3A_609 : i32
      %add3A_612 = vector.broadcast %add3A_611 : i32 to vector<16xi32>
      %add3A_613 = arith.addi %add3A_612, %iota3A : vector<16xi32>
      %shift_left3A_614 = arith.constant 14 : i32
      %shift_left3A_615 = vector.broadcast %shift_left3A_614 : i32 to vector<16xi32>
      %shift_left3A_616 = arith.shli %get3A_607, %shift_left3A_615 : vector<16xi32>
      %or3A_617 = arith.ori %shift_left3A_616, %add3A_613 : vector<16xi32>
      %sort3A_618 = arith.constant dense<true> : vector<16xi1>
      %sort3A_619, %sort3A_620, %sort3A_621 = tpu.sort %or3A_617, %or3A_617 masked %sort3A_618 : (vector<16xi32>, vector<16xi32>, vector<16xi1>) -> (vector<16xi1>, vector<16xi32>, vector<16xi32>)
      %shift_right_arithmetic3A_622 = arith.constant 14 : i32
      %shift_right_arithmetic3A_623 = vector.broadcast %shift_right_arithmetic3A_622 : i32 to vector<16xi32>
      %shift_right_arithmetic3A_624 = arith.shrsi %sort3A_620, %shift_right_arithmetic3A_623 : vector<16xi32>
      %broadcast_in_dim3A_625 = vector.shape_cast %min3A_7 : vector<16xi32> to vector<16x1xi32>
      %gather3A_626 = vector.shape_cast %broadcast_in_dim3A_625 : vector<16x1xi32> to vector<16xi32>
      %gather3A_627 = tpu.dynamic_gather %shift_right_arithmetic3A_624[%gather3A_626] in [0] : vector<16xi32>, vector<16xi32> -> vector<16xi32>
      %ne3A_628 = arith.cmpi ne, %shift_right_arithmetic3A_624, %gather3A_627 : vector<16xi32>
      %eq3A_629 = arith.constant 15 : i32
      %eq3A_630 = vector.broadcast %eq3A_629 : i32 to vector<16xi32>
      %eq3A_631 = arith.cmpi eq, %iota3A, %eq3A_630 : vector<16xi32>
      %or3A_632 = arith.ori %ne3A_628, %eq3A_631 : vector<16xi1>
      %and3A_633 = arith.constant 16383 : i32
      %and3A_634 = vector.broadcast %and3A_633 : i32 to vector<16xi32>
      %and3A_635 = arith.andi %sort3A_620, %and3A_634 : vector<16xi32>
      %add3A_636 = arith.constant 1 : i32
      %add3A_637 = vector.broadcast %add3A_636 : i32 to vector<16xi32>
      %add3A_638 = arith.addi %and3A_635, %add3A_637 : vector<16xi32>
      tpu.vector_store_idx %arg10[%shift_right_arithmetic3A_624], %add3A_638 masked %or3A_632 : memref<100352xi32, #tpu.memory_space<vmem>>[vector<16xi32>], vector<16xi32>, vector<16xi1>
    }
    %scan3A_72 = arith.constant 32 : i32
    %dma_wait3A_73 = arith.constant 128 : i32
    %dma_wait3A_74 = tpu.memref_slice %arg11[%dma_wait3A_73] : memref<512xi32, #tpu.memory_space<vmem>> -> memref<64xi32, #tpu.memory_space<vmem>>
    %dma_wait3A_75 = arith.constant 0 : i32
    %dma_wait3A_76 = arith.constant 0 : i32
    %dma_wait3A_77 = tpu.memref_slice %arg4[%dma_wait3A_75, %dma_wait3A_76] : memref<100000x128xf32, #tpu.memory_space<hbm>> -> memref<100000x128xf32, #tpu.memory_space<hbm>>
    tpu.wait_indirect_dma semaphore(%arg16 : memref<!tpu.dma_semaphore, #tpu.memory_space<semaphore_mem>>) src(%dma_wait3A_77 : memref<100000x128xf32, #tpu.memory_space<hbm>>) dst(%arg14 : memref<64x128xf32, #tpu.memory_space<vmem>>)
    %add3A_78 = arith.constant 128 : i32
    %add3A_79 = arith.addi %mul3A_2, %add3A_78 : i32
    %dma_start3A_80 = arith.constant 0 : i32
    %dma_start3A_81 = tpu.memref_slice %arg8[%add3A_79, %dma_start3A_80] : memref<18432x128xf32, #tpu.memory_space<hbm>> -> memref<64x128xf32, #tpu.memory_space<hbm>>
    %dma_start3A_82 = arith.constant 0 : i32
    %dma_start3A_83 = tpu.memref_slice %arg8[%add3A_79, %dma_start3A_82] : memref<18432x128xf32, #tpu.memory_space<hbm>> -> memref<64x128xf32, #tpu.memory_space<hbm>>
    tpu.enqueue_dma source(%arg14 : memref<64x128xf32, #tpu.memory_space<vmem>>) target(%dma_start3A_83 : memref<64x128xf32, #tpu.memory_space<hbm>>) target_semaphore(%arg18 : memref<!tpu.dma_semaphore, #tpu.memory_space<semaphore_mem>>)
    %dma_wait3A_84 = arith.constant 0 : i32
    %dma_wait3A_85 = tpu.memref_slice %arg8[%add3A_53, %dma_wait3A_84] : memref<18432x128xf32, #tpu.memory_space<hbm>> -> memref<64x128xf32, #tpu.memory_space<hbm>>
    %dma_wait3A_86 = arith.constant 0 : i32
    %dma_wait3A_87 = tpu.memref_slice %arg8[%add3A_53, %dma_wait3A_86] : memref<18432x128xf32, #tpu.memory_space<hbm>> -> memref<64x128xf32, #tpu.memory_space<hbm>>
    tpu.wait_dma2 semaphore(%arg19 : memref<!tpu.dma_semaphore, #tpu.memory_space<semaphore_mem>>) src(%arg15 : memref<64x128xf32, #tpu.memory_space<vmem>>) dst(%dma_wait3A_87 : memref<64x128xf32, #tpu.memory_space<hbm>>)
    %dma_start3A_88 = arith.constant 192 : i32
    %dma_start3A_89 = tpu.memref_slice %arg11[%dma_start3A_88] : memref<512xi32, #tpu.memory_space<vmem>> -> memref<64xi32, #tpu.memory_space<vmem>>
    %dma_start3A_90 = arith.constant 0 : i32
    %dma_start3A_91 = arith.constant 0 : i32
    %dma_start3A_92 = tpu.memref_slice %arg4[%dma_start3A_90, %dma_start3A_91] : memref<100000x128xf32, #tpu.memory_space<hbm>> -> memref<100000x128xf32, #tpu.memory_space<hbm>>
    tpu.enqueue_indirect_dma source(%dma_start3A_92 : memref<100000x128xf32, #tpu.memory_space<hbm>>) target(%arg15 : memref<64x128xf32, #tpu.memory_space<vmem>>) offsets(%dma_start3A_89 : memref<64xi32, #tpu.memory_space<vmem>>) semaphore(%arg17 : memref<!tpu.dma_semaphore, #tpu.memory_space<semaphore_mem>>)
    "tpu.region"() ({
      %run_scoped3A = tpu.sem_alloc : memref<!tpu.dma_semaphore, #tpu.memory_space<semaphore_mem>>
      %dma_start3A_490 = arith.constant 6144 : i32
      %dma_start3A_491 = tpu.memref_slice %arg2[%dma_start3A_490] : memref<16384xi32, #tpu.memory_space<hbm>> -> memref<2048xi32, #tpu.memory_space<hbm>>
      %dma_start3A_492 = arith.constant 6144 : i32
      %dma_start3A_493 = tpu.memref_slice %arg2[%dma_start3A_492] : memref<16384xi32, #tpu.memory_space<hbm>> -> memref<2048xi32, #tpu.memory_space<hbm>>
      tpu.enqueue_dma source(%dma_start3A_493 : memref<2048xi32, #tpu.memory_space<hbm>>) target(%arg12 : memref<2048xi32, #tpu.memory_space<vmem>>) target_semaphore(%run_scoped3A : memref<!tpu.dma_semaphore, #tpu.memory_space<semaphore_mem>>)
      %dma_wait3A_494 = arith.constant 6144 : i32
      %dma_wait3A_495 = tpu.memref_slice %arg2[%dma_wait3A_494] : memref<16384xi32, #tpu.memory_space<hbm>> -> memref<2048xi32, #tpu.memory_space<hbm>>
      %dma_wait3A_496 = arith.constant 6144 : i32
      %dma_wait3A_497 = tpu.memref_slice %arg2[%dma_wait3A_496] : memref<16384xi32, #tpu.memory_space<hbm>> -> memref<2048xi32, #tpu.memory_space<hbm>>
      tpu.wait_dma2 semaphore(%run_scoped3A : memref<!tpu.dma_semaphore, #tpu.memory_space<semaphore_mem>>) src(%dma_wait3A_497 : memref<2048xi32, #tpu.memory_space<hbm>>) dst(%arg12 : memref<2048xi32, #tpu.memory_space<vmem>>)
      tpu.yield
    }) : () -> ()
    %scan3A_93 = arith.constant 0 : i32
    %scan3A_94 = arith.constant 0 : i32
    %scan3A_95 = arith.constant 32 : i32
    %scan3A_96 = arith.addi %scan3A_94, %scan3A_95 : i32
    %scan3A_97 = arith.constant 1 : i32
    scf.for %scan3A_490 = %scan3A_94 to %scan3A_96 step %scan3A_97  : i32 {
      %mul3A_491 = arith.constant 4 : i32
      %mul3A_492 = arith.muli %scan3A_490, %mul3A_491 : i32
      %add3A_493 = arith.constant 0 : i32
      %add3A_494 = arith.addi %mul3A_492, %add3A_493 : i32
      %mul3A_495 = arith.constant 16 : i32
      %mul3A_496 = arith.muli %add3A_494, %mul3A_495 : i32
      %get3A_497 = arith.index_cast %mul3A_496 : i32 to index
      %get3A_498 = tpu.vector_load %arg12[%get3A_497] {strides = array<i32>} : memref<2048xi32, #tpu.memory_space<vmem>>, vector<16xi32>,
      %mul3A_499 = arith.constant 16 : i32
      %mul3A_500 = arith.muli %add3A_494, %mul3A_499 : i32
      %add3A_501 = arith.constant 6144 : i32
      %add3A_502 = arith.addi %add3A_501, %mul3A_500 : i32
      %add3A_503 = vector.broadcast %add3A_502 : i32 to vector<16xi32>
      %add3A_504 = arith.addi %add3A_503, %iota3A : vector<16xi32>
      %shift_left3A = arith.constant 14 : i32
      %shift_left3A_505 = vector.broadcast %shift_left3A : i32 to vector<16xi32>
      %shift_left3A_506 = arith.shli %get3A_498, %shift_left3A_505 : vector<16xi32>
      %or3A = arith.ori %shift_left3A_506, %add3A_504 : vector<16xi32>
      %sort3A = arith.constant dense<true> : vector<16xi1>
      %sort3A_507, %sort3A_508, %sort3A_509 = tpu.sort %or3A, %or3A masked %sort3A : (vector<16xi32>, vector<16xi32>, vector<16xi1>) -> (vector<16xi1>, vector<16xi32>, vector<16xi32>)
      %shift_right_arithmetic3A = arith.constant 14 : i32
      %shift_right_arithmetic3A_510 = vector.broadcast %shift_right_arithmetic3A : i32 to vector<16xi32>
      %shift_right_arithmetic3A_511 = arith.shrsi %sort3A_508, %shift_right_arithmetic3A_510 : vector<16xi32>
      %broadcast_in_dim3A_512 = vector.shape_cast %min3A_7 : vector<16xi32> to vector<16x1xi32>
      %gather3A = vector.shape_cast %broadcast_in_dim3A_512 : vector<16x1xi32> to vector<16xi32>
      %gather3A_513 = tpu.dynamic_gather %shift_right_arithmetic3A_511[%gather3A] in [0] : vector<16xi32>, vector<16xi32> -> vector<16xi32>
      %ne3A = arith.cmpi ne, %shift_right_arithmetic3A_511, %gather3A_513 : vector<16xi32>
      %eq3A = arith.constant 15 : i32
      %eq3A_514 = vector.broadcast %eq3A : i32 to vector<16xi32>
      %eq3A_515 = arith.cmpi eq, %iota3A, %eq3A_514 : vector<16xi32>
      %or3A_516 = arith.ori %ne3A, %eq3A_515 : vector<16xi1>
      %and3A = arith.constant 16383 : i32
      %and3A_517 = vector.broadcast %and3A : i32 to vector<16xi32>
      %and3A_518 = arith.andi %sort3A_508, %and3A_517 : vector<16xi32>
      %add3A_519 = arith.constant 1 : i32
      %add3A_520 = vector.broadcast %add3A_519 : i32 to vector<16xi32>
      %add3A_521 = arith.addi %and3A_518, %add3A_520 : vector<16xi32>
      tpu.vector_store_idx %arg10[%shift_right_arithmetic3A_511], %add3A_521 masked %or3A_516 : memref<100352xi32, #tpu.memory_space<vmem>>[vector<16xi32>], vector<16xi32>, vector<16xi1>
      %mul3A_522 = arith.constant 4 : i32
      %mul3A_523 = arith.muli %scan3A_490, %mul3A_522 : i32
      %add3A_524 = arith.constant 1 : i32
      %add3A_525 = arith.addi %mul3A_523, %add3A_524 : i32
      %mul3A_526 = arith.constant 16 : i32
      %mul3A_527 = arith.muli %add3A_525, %mul3A_526 : i32
      %get3A_528 = arith.index_cast %mul3A_527 : i32 to index
      %get3A_529 = tpu.vector_load %arg12[%get3A_528] {strides = array<i32>} : memref<2048xi32, #tpu.memory_space<vmem>>, vector<16xi32>,
      %mul3A_530 = arith.constant 16 : i32
      %mul3A_531 = arith.muli %add3A_525, %mul3A_530 : i32
      %add3A_532 = arith.constant 6144 : i32
      %add3A_533 = arith.addi %add3A_532, %mul3A_531 : i32
      %add3A_534 = vector.broadcast %add3A_533 : i32 to vector<16xi32>
      %add3A_535 = arith.addi %add3A_534, %iota3A : vector<16xi32>
      %shift_left3A_536 = arith.constant 14 : i32
      %shift_left3A_537 = vector.broadcast %shift_left3A_536 : i32 to vector<16xi32>
      %shift_left3A_538 = arith.shli %get3A_529, %shift_left3A_537 : vector<16xi32>
      %or3A_539 = arith.ori %shift_left3A_538, %add3A_535 : vector<16xi32>
      %sort3A_540 = arith.constant dense<true> : vector<16xi1>
      %sort3A_541, %sort3A_542, %sort3A_543 = tpu.sort %or3A_539, %or3A_539 masked %sort3A_540 : (vector<16xi32>, vector<16xi32>, vector<16xi1>) -> (vector<16xi1>, vector<16xi32>, vector<16xi32>)
      %shift_right_arithmetic3A_544 = arith.constant 14 : i32
      %shift_right_arithmetic3A_545 = vector.broadcast %shift_right_arithmetic3A_544 : i32 to vector<16xi32>
      %shift_right_arithmetic3A_546 = arith.shrsi %sort3A_542, %shift_right_arithmetic3A_545 : vector<16xi32>
      %broadcast_in_dim3A_547 = vector.shape_cast %min3A_7 : vector<16xi32> to vector<16x1xi32>
      %gather3A_548 = vector.shape_cast %broadcast_in_dim3A_547 : vector<16x1xi32> to vector<16xi32>
      %gather3A_549 = tpu.dynamic_gather %shift_right_arithmetic3A_546[%gather3A_548] in [0] : vector<16xi32>, vector<16xi32> -> vector<16xi32>
      %ne3A_550 = arith.cmpi ne, %shift_right_arithmetic3A_546, %gather3A_549 : vector<16xi32>
      %eq3A_551 = arith.constant 15 : i32
      %eq3A_552 = vector.broadcast %eq3A_551 : i32 to vector<16xi32>
      %eq3A_553 = arith.cmpi eq, %iota3A, %eq3A_552 : vector<16xi32>
      %or3A_554 = arith.ori %ne3A_550, %eq3A_553 : vector<16xi1>
      %and3A_555 = arith.constant 16383 : i32
      %and3A_556 = vector.broadcast %and3A_555 : i32 to vector<16xi32>
      %and3A_557 = arith.andi %sort3A_542, %and3A_556 : vector<16xi32>
      %add3A_558 = arith.constant 1 : i32
      %add3A_559 = vector.broadcast %add3A_558 : i32 to vector<16xi32>
      %add3A_560 = arith.addi %and3A_557, %add3A_559 : vector<16xi32>
      tpu.vector_store_idx %arg10[%shift_right_arithmetic3A_546], %add3A_560 masked %or3A_554 : memref<100352xi32, #tpu.memory_space<vmem>>[vector<16xi32>], vector<16xi32>, vector<16xi1>
      %mul3A_561 = arith.constant 4 : i32
      %mul3A_562 = arith.muli %scan3A_490, %mul3A_561 : i32
      %add3A_563 = arith.constant 2 : i32
      %add3A_564 = arith.addi %mul3A_562, %add3A_563 : i32
      %mul3A_565 = arith.constant 16 : i32
      %mul3A_566 = arith.muli %add3A_564, %mul3A_565 : i32
      %get3A_567 = arith.index_cast %mul3A_566 : i32 to index
      %get3A_568 = tpu.vector_load %arg12[%get3A_567] {strides = array<i32>} : memref<2048xi32, #tpu.memory_space<vmem>>, vector<16xi32>,
      %mul3A_569 = arith.constant 16 : i32
      %mul3A_570 = arith.muli %add3A_564, %mul3A_569 : i32
      %add3A_571 = arith.constant 6144 : i32
      %add3A_572 = arith.addi %add3A_571, %mul3A_570 : i32
      %add3A_573 = vector.broadcast %add3A_572 : i32 to vector<16xi32>
      %add3A_574 = arith.addi %add3A_573, %iota3A : vector<16xi32>
      %shift_left3A_575 = arith.constant 14 : i32
      %shift_left3A_576 = vector.broadcast %shift_left3A_575 : i32 to vector<16xi32>
      %shift_left3A_577 = arith.shli %get3A_568, %shift_left3A_576 : vector<16xi32>
      %or3A_578 = arith.ori %shift_left3A_577, %add3A_574 : vector<16xi32>
      %sort3A_579 = arith.constant dense<true> : vector<16xi1>
      %sort3A_580, %sort3A_581, %sort3A_582 = tpu.sort %or3A_578, %or3A_578 masked %sort3A_579 : (vector<16xi32>, vector<16xi32>, vector<16xi1>) -> (vector<16xi1>, vector<16xi32>, vector<16xi32>)
      %shift_right_arithmetic3A_583 = arith.constant 14 : i32
      %shift_right_arithmetic3A_584 = vector.broadcast %shift_right_arithmetic3A_583 : i32 to vector<16xi32>
      %shift_right_arithmetic3A_585 = arith.shrsi %sort3A_581, %shift_right_arithmetic3A_584 : vector<16xi32>
      %broadcast_in_dim3A_586 = vector.shape_cast %min3A_7 : vector<16xi32> to vector<16x1xi32>
      %gather3A_587 = vector.shape_cast %broadcast_in_dim3A_586 : vector<16x1xi32> to vector<16xi32>
      %gather3A_588 = tpu.dynamic_gather %shift_right_arithmetic3A_585[%gather3A_587] in [0] : vector<16xi32>, vector<16xi32> -> vector<16xi32>
      %ne3A_589 = arith.cmpi ne, %shift_right_arithmetic3A_585, %gather3A_588 : vector<16xi32>
      %eq3A_590 = arith.constant 15 : i32
      %eq3A_591 = vector.broadcast %eq3A_590 : i32 to vector<16xi32>
      %eq3A_592 = arith.cmpi eq, %iota3A, %eq3A_591 : vector<16xi32>
      %or3A_593 = arith.ori %ne3A_589, %eq3A_592 : vector<16xi1>
      %and3A_594 = arith.constant 16383 : i32
      %and3A_595 = vector.broadcast %and3A_594 : i32 to vector<16xi32>
      %and3A_596 = arith.andi %sort3A_581, %and3A_595 : vector<16xi32>
      %add3A_597 = arith.constant 1 : i32
      %add3A_598 = vector.broadcast %add3A_597 : i32 to vector<16xi32>
      %add3A_599 = arith.addi %and3A_596, %add3A_598 : vector<16xi32>
      tpu.vector_store_idx %arg10[%shift_right_arithmetic3A_585], %add3A_599 masked %or3A_593 : memref<100352xi32, #tpu.memory_space<vmem>>[vector<16xi32>], vector<16xi32>, vector<16xi1>
      %mul3A_600 = arith.constant 4 : i32
      %mul3A_601 = arith.muli %scan3A_490, %mul3A_600 : i32
      %add3A_602 = arith.constant 3 : i32
      %add3A_603 = arith.addi %mul3A_601, %add3A_602 : i32
      %mul3A_604 = arith.constant 16 : i32
      %mul3A_605 = arith.muli %add3A_603, %mul3A_604 : i32
      %get3A_606 = arith.index_cast %mul3A_605 : i32 to index
      %get3A_607 = tpu.vector_load %arg12[%get3A_606] {strides = array<i32>} : memref<2048xi32, #tpu.memory_space<vmem>>, vector<16xi32>,
      %mul3A_608 = arith.constant 16 : i32
      %mul3A_609 = arith.muli %add3A_603, %mul3A_608 : i32
      %add3A_610 = arith.constant 6144 : i32
      %add3A_611 = arith.addi %add3A_610, %mul3A_609 : i32
      %add3A_612 = vector.broadcast %add3A_611 : i32 to vector<16xi32>
      %add3A_613 = arith.addi %add3A_612, %iota3A : vector<16xi32>
      %shift_left3A_614 = arith.constant 14 : i32
      %shift_left3A_615 = vector.broadcast %shift_left3A_614 : i32 to vector<16xi32>
      %shift_left3A_616 = arith.shli %get3A_607, %shift_left3A_615 : vector<16xi32>
      %or3A_617 = arith.ori %shift_left3A_616, %add3A_613 : vector<16xi32>
      %sort3A_618 = arith.constant dense<true> : vector<16xi1>
      %sort3A_619, %sort3A_620, %sort3A_621 = tpu.sort %or3A_617, %or3A_617 masked %sort3A_618 : (vector<16xi32>, vector<16xi32>, vector<16xi1>) -> (vector<16xi1>, vector<16xi32>, vector<16xi32>)
      %shift_right_arithmetic3A_622 = arith.constant 14 : i32
      %shift_right_arithmetic3A_623 = vector.broadcast %shift_right_arithmetic3A_622 : i32 to vector<16xi32>
      %shift_right_arithmetic3A_624 = arith.shrsi %sort3A_620, %shift_right_arithmetic3A_623 : vector<16xi32>
      %broadcast_in_dim3A_625 = vector.shape_cast %min3A_7 : vector<16xi32> to vector<16x1xi32>
      %gather3A_626 = vector.shape_cast %broadcast_in_dim3A_625 : vector<16x1xi32> to vector<16xi32>
      %gather3A_627 = tpu.dynamic_gather %shift_right_arithmetic3A_624[%gather3A_626] in [0] : vector<16xi32>, vector<16xi32> -> vector<16xi32>
      %ne3A_628 = arith.cmpi ne, %shift_right_arithmetic3A_624, %gather3A_627 : vector<16xi32>
      %eq3A_629 = arith.constant 15 : i32
      %eq3A_630 = vector.broadcast %eq3A_629 : i32 to vector<16xi32>
      %eq3A_631 = arith.cmpi eq, %iota3A, %eq3A_630 : vector<16xi32>
      %or3A_632 = arith.ori %ne3A_628, %eq3A_631 : vector<16xi1>
      %and3A_633 = arith.constant 16383 : i32
      %and3A_634 = vector.broadcast %and3A_633 : i32 to vector<16xi32>
      %and3A_635 = arith.andi %sort3A_620, %and3A_634 : vector<16xi32>
      %add3A_636 = arith.constant 1 : i32
      %add3A_637 = vector.broadcast %add3A_636 : i32 to vector<16xi32>
      %add3A_638 = arith.addi %and3A_635, %add3A_637 : vector<16xi32>
      tpu.vector_store_idx %arg10[%shift_right_arithmetic3A_624], %add3A_638 masked %or3A_632 : memref<100352xi32, #tpu.memory_space<vmem>>[vector<16xi32>], vector<16xi32>, vector<16xi1>
    }
    %scan3A_98 = arith.constant 32 : i32
    %dma_wait3A_99 = arith.constant 192 : i32
    %dma_wait3A_100 = tpu.memref_slice %arg11[%dma_wait3A_99] : memref<512xi32, #tpu.memory_space<vmem>> -> memref<64xi32, #tpu.memory_space<vmem>>
    %dma_wait3A_101 = arith.constant 0 : i32
    %dma_wait3A_102 = arith.constant 0 : i32
    %dma_wait3A_103 = tpu.memref_slice %arg4[%dma_wait3A_101, %dma_wait3A_102] : memref<100000x128xf32, #tpu.memory_space<hbm>> -> memref<100000x128xf32, #tpu.memory_space<hbm>>
    tpu.wait_indirect_dma semaphore(%arg17 : memref<!tpu.dma_semaphore, #tpu.memory_space<semaphore_mem>>) src(%dma_wait3A_103 : memref<100000x128xf32, #tpu.memory_space<hbm>>) dst(%arg15 : memref<64x128xf32, #tpu.memory_space<vmem>>)
    %add3A_104 = arith.constant 192 : i32
    %add3A_105 = arith.addi %mul3A_2, %add3A_104 : i32
    %dma_start3A_106 = arith.constant 0 : i32
    %dma_start3A_107 = tpu.memref_slice %arg8[%add3A_105, %dma_start3A_106] : memref<18432x128xf32, #tpu.memory_space<hbm>> -> memref<64x128xf32, #tpu.memory_space<hbm>>
    %dma_start3A_108 = arith.constant 0 : i32
    %dma_start3A_109 = tpu.memref_slice %arg8[%add3A_105, %dma_start3A_108] : memref<18432x128xf32, #tpu.memory_space<hbm>> -> memref<64x128xf32, #tpu.memory_space<hbm>>
    tpu.enqueue_dma source(%arg15 : memref<64x128xf32, #tpu.memory_space<vmem>>) target(%dma_start3A_109 : memref<64x128xf32, #tpu.memory_space<hbm>>) target_semaphore(%arg19 : memref<!tpu.dma_semaphore, #tpu.memory_space<semaphore_mem>>)
    %dma_wait3A_110 = arith.constant 0 : i32
    %dma_wait3A_111 = tpu.memref_slice %arg8[%add3A_79, %dma_wait3A_110] : memref<18432x128xf32, #tpu.memory_space<hbm>> -> memref<64x128xf32, #tpu.memory_space<hbm>>
    %dma_wait3A_112 = arith.constant 0 : i32
    %dma_wait3A_113 = tpu.memref_slice %arg8[%add3A_79, %dma_wait3A_112] : memref<18432x128xf32, #tpu.memory_space<hbm>> -> memref<64x128xf32, #tpu.memory_space<hbm>>
    tpu.wait_dma2 semaphore(%arg18 : memref<!tpu.dma_semaphore, #tpu.memory_space<semaphore_mem>>) src(%arg14 : memref<64x128xf32, #tpu.memory_space<vmem>>) dst(%dma_wait3A_113 : memref<64x128xf32, #tpu.memory_space<hbm>>)
    %dma_start3A_114 = arith.constant 256 : i32
    %dma_start3A_115 = tpu.memref_slice %arg11[%dma_start3A_114] : memref<512xi32, #tpu.memory_space<vmem>> -> memref<64xi32, #tpu.memory_space<vmem>>
    %dma_start3A_116 = arith.constant 0 : i32
    %dma_start3A_117 = arith.constant 0 : i32
    %dma_start3A_118 = tpu.memref_slice %arg4[%dma_start3A_116, %dma_start3A_117] : memref<100000x128xf32, #tpu.memory_space<hbm>> -> memref<100000x128xf32, #tpu.memory_space<hbm>>
    tpu.enqueue_indirect_dma source(%dma_start3A_118 : memref<100000x128xf32, #tpu.memory_space<hbm>>) target(%arg14 : memref<64x128xf32, #tpu.memory_space<vmem>>) offsets(%dma_start3A_115 : memref<64xi32, #tpu.memory_space<vmem>>) semaphore(%arg16 : memref<!tpu.dma_semaphore, #tpu.memory_space<semaphore_mem>>)
    "tpu.region"() ({
      %run_scoped3A = tpu.sem_alloc : memref<!tpu.dma_semaphore, #tpu.memory_space<semaphore_mem>>
      %dma_start3A_490 = arith.constant 8192 : i32
      %dma_start3A_491 = tpu.memref_slice %arg2[%dma_start3A_490] : memref<16384xi32, #tpu.memory_space<hbm>> -> memref<2048xi32, #tpu.memory_space<hbm>>
      %dma_start3A_492 = arith.constant 8192 : i32
      %dma_start3A_493 = tpu.memref_slice %arg2[%dma_start3A_492] : memref<16384xi32, #tpu.memory_space<hbm>> -> memref<2048xi32, #tpu.memory_space<hbm>>
      tpu.enqueue_dma source(%dma_start3A_493 : memref<2048xi32, #tpu.memory_space<hbm>>) target(%arg12 : memref<2048xi32, #tpu.memory_space<vmem>>) target_semaphore(%run_scoped3A : memref<!tpu.dma_semaphore, #tpu.memory_space<semaphore_mem>>)
      %dma_wait3A_494 = arith.constant 8192 : i32
      %dma_wait3A_495 = tpu.memref_slice %arg2[%dma_wait3A_494] : memref<16384xi32, #tpu.memory_space<hbm>> -> memref<2048xi32, #tpu.memory_space<hbm>>
      %dma_wait3A_496 = arith.constant 8192 : i32
      %dma_wait3A_497 = tpu.memref_slice %arg2[%dma_wait3A_496] : memref<16384xi32, #tpu.memory_space<hbm>> -> memref<2048xi32, #tpu.memory_space<hbm>>
      tpu.wait_dma2 semaphore(%run_scoped3A : memref<!tpu.dma_semaphore, #tpu.memory_space<semaphore_mem>>) src(%dma_wait3A_497 : memref<2048xi32, #tpu.memory_space<hbm>>) dst(%arg12 : memref<2048xi32, #tpu.memory_space<vmem>>)
      tpu.yield
    }) : () -> ()
    %scan3A_119 = arith.constant 0 : i32
    %scan3A_120 = arith.constant 0 : i32
    %scan3A_121 = arith.constant 32 : i32
    %scan3A_122 = arith.addi %scan3A_120, %scan3A_121 : i32
    %scan3A_123 = arith.constant 1 : i32
    scf.for %scan3A_490 = %scan3A_120 to %scan3A_122 step %scan3A_123  : i32 {
      %mul3A_491 = arith.constant 4 : i32
      %mul3A_492 = arith.muli %scan3A_490, %mul3A_491 : i32
      %add3A_493 = arith.constant 0 : i32
      %add3A_494 = arith.addi %mul3A_492, %add3A_493 : i32
      %mul3A_495 = arith.constant 16 : i32
      %mul3A_496 = arith.muli %add3A_494, %mul3A_495 : i32
      %get3A_497 = arith.index_cast %mul3A_496 : i32 to index
      %get3A_498 = tpu.vector_load %arg12[%get3A_497] {strides = array<i32>} : memref<2048xi32, #tpu.memory_space<vmem>>, vector<16xi32>,
      %mul3A_499 = arith.constant 16 : i32
      %mul3A_500 = arith.muli %add3A_494, %mul3A_499 : i32
      %add3A_501 = arith.constant 8192 : i32
      %add3A_502 = arith.addi %add3A_501, %mul3A_500 : i32
      %add3A_503 = vector.broadcast %add3A_502 : i32 to vector<16xi32>
      %add3A_504 = arith.addi %add3A_503, %iota3A : vector<16xi32>
      %shift_left3A = arith.constant 14 : i32
      %shift_left3A_505 = vector.broadcast %shift_left3A : i32 to vector<16xi32>
      %shift_left3A_506 = arith.shli %get3A_498, %shift_left3A_505 : vector<16xi32>
      %or3A = arith.ori %shift_left3A_506, %add3A_504 : vector<16xi32>
      %sort3A = arith.constant dense<true> : vector<16xi1>
      %sort3A_507, %sort3A_508, %sort3A_509 = tpu.sort %or3A, %or3A masked %sort3A : (vector<16xi32>, vector<16xi32>, vector<16xi1>) -> (vector<16xi1>, vector<16xi32>, vector<16xi32>)
      %shift_right_arithmetic3A = arith.constant 14 : i32
      %shift_right_arithmetic3A_510 = vector.broadcast %shift_right_arithmetic3A : i32 to vector<16xi32>
      %shift_right_arithmetic3A_511 = arith.shrsi %sort3A_508, %shift_right_arithmetic3A_510 : vector<16xi32>
      %broadcast_in_dim3A_512 = vector.shape_cast %min3A_7 : vector<16xi32> to vector<16x1xi32>
      %gather3A = vector.shape_cast %broadcast_in_dim3A_512 : vector<16x1xi32> to vector<16xi32>
      %gather3A_513 = tpu.dynamic_gather %shift_right_arithmetic3A_511[%gather3A] in [0] : vector<16xi32>, vector<16xi32> -> vector<16xi32>
      %ne3A = arith.cmpi ne, %shift_right_arithmetic3A_511, %gather3A_513 : vector<16xi32>
      %eq3A = arith.constant 15 : i32
      %eq3A_514 = vector.broadcast %eq3A : i32 to vector<16xi32>
      %eq3A_515 = arith.cmpi eq, %iota3A, %eq3A_514 : vector<16xi32>
      %or3A_516 = arith.ori %ne3A, %eq3A_515 : vector<16xi1>
      %and3A = arith.constant 16383 : i32
      %and3A_517 = vector.broadcast %and3A : i32 to vector<16xi32>
      %and3A_518 = arith.andi %sort3A_508, %and3A_517 : vector<16xi32>
      %add3A_519 = arith.constant 1 : i32
      %add3A_520 = vector.broadcast %add3A_519 : i32 to vector<16xi32>
      %add3A_521 = arith.addi %and3A_518, %add3A_520 : vector<16xi32>
      tpu.vector_store_idx %arg10[%shift_right_arithmetic3A_511], %add3A_521 masked %or3A_516 : memref<100352xi32, #tpu.memory_space<vmem>>[vector<16xi32>], vector<16xi32>, vector<16xi1>
      %mul3A_522 = arith.constant 4 : i32
      %mul3A_523 = arith.muli %scan3A_490, %mul3A_522 : i32
      %add3A_524 = arith.constant 1 : i32
      %add3A_525 = arith.addi %mul3A_523, %add3A_524 : i32
      %mul3A_526 = arith.constant 16 : i32
      %mul3A_527 = arith.muli %add3A_525, %mul3A_526 : i32
      %get3A_528 = arith.index_cast %mul3A_527 : i32 to index
      %get3A_529 = tpu.vector_load %arg12[%get3A_528] {strides = array<i32>} : memref<2048xi32, #tpu.memory_space<vmem>>, vector<16xi32>,
      %mul3A_530 = arith.constant 16 : i32
      %mul3A_531 = arith.muli %add3A_525, %mul3A_530 : i32
      %add3A_532 = arith.constant 8192 : i32
      %add3A_533 = arith.addi %add3A_532, %mul3A_531 : i32
      %add3A_534 = vector.broadcast %add3A_533 : i32 to vector<16xi32>
      %add3A_535 = arith.addi %add3A_534, %iota3A : vector<16xi32>
      %shift_left3A_536 = arith.constant 14 : i32
      %shift_left3A_537 = vector.broadcast %shift_left3A_536 : i32 to vector<16xi32>
      %shift_left3A_538 = arith.shli %get3A_529, %shift_left3A_537 : vector<16xi32>
      %or3A_539 = arith.ori %shift_left3A_538, %add3A_535 : vector<16xi32>
      %sort3A_540 = arith.constant dense<true> : vector<16xi1>
      %sort3A_541, %sort3A_542, %sort3A_543 = tpu.sort %or3A_539, %or3A_539 masked %sort3A_540 : (vector<16xi32>, vector<16xi32>, vector<16xi1>) -> (vector<16xi1>, vector<16xi32>, vector<16xi32>)
      %shift_right_arithmetic3A_544 = arith.constant 14 : i32
      %shift_right_arithmetic3A_545 = vector.broadcast %shift_right_arithmetic3A_544 : i32 to vector<16xi32>
      %shift_right_arithmetic3A_546 = arith.shrsi %sort3A_542, %shift_right_arithmetic3A_545 : vector<16xi32>
      %broadcast_in_dim3A_547 = vector.shape_cast %min3A_7 : vector<16xi32> to vector<16x1xi32>
      %gather3A_548 = vector.shape_cast %broadcast_in_dim3A_547 : vector<16x1xi32> to vector<16xi32>
      %gather3A_549 = tpu.dynamic_gather %shift_right_arithmetic3A_546[%gather3A_548] in [0] : vector<16xi32>, vector<16xi32> -> vector<16xi32>
      %ne3A_550 = arith.cmpi ne, %shift_right_arithmetic3A_546, %gather3A_549 : vector<16xi32>
      %eq3A_551 = arith.constant 15 : i32
      %eq3A_552 = vector.broadcast %eq3A_551 : i32 to vector<16xi32>
      %eq3A_553 = arith.cmpi eq, %iota3A, %eq3A_552 : vector<16xi32>
      %or3A_554 = arith.ori %ne3A_550, %eq3A_553 : vector<16xi1>
      %and3A_555 = arith.constant 16383 : i32
      %and3A_556 = vector.broadcast %and3A_555 : i32 to vector<16xi32>
      %and3A_557 = arith.andi %sort3A_542, %and3A_556 : vector<16xi32>
      %add3A_558 = arith.constant 1 : i32
      %add3A_559 = vector.broadcast %add3A_558 : i32 to vector<16xi32>
      %add3A_560 = arith.addi %and3A_557, %add3A_559 : vector<16xi32>
      tpu.vector_store_idx %arg10[%shift_right_arithmetic3A_546], %add3A_560 masked %or3A_554 : memref<100352xi32, #tpu.memory_space<vmem>>[vector<16xi32>], vector<16xi32>, vector<16xi1>
      %mul3A_561 = arith.constant 4 : i32
      %mul3A_562 = arith.muli %scan3A_490, %mul3A_561 : i32
      %add3A_563 = arith.constant 2 : i32
      %add3A_564 = arith.addi %mul3A_562, %add3A_563 : i32
      %mul3A_565 = arith.constant 16 : i32
      %mul3A_566 = arith.muli %add3A_564, %mul3A_565 : i32
      %get3A_567 = arith.index_cast %mul3A_566 : i32 to index
      %get3A_568 = tpu.vector_load %arg12[%get3A_567] {strides = array<i32>} : memref<2048xi32, #tpu.memory_space<vmem>>, vector<16xi32>,
      %mul3A_569 = arith.constant 16 : i32
      %mul3A_570 = arith.muli %add3A_564, %mul3A_569 : i32
      %add3A_571 = arith.constant 8192 : i32
      %add3A_572 = arith.addi %add3A_571, %mul3A_570 : i32
      %add3A_573 = vector.broadcast %add3A_572 : i32 to vector<16xi32>
      %add3A_574 = arith.addi %add3A_573, %iota3A : vector<16xi32>
      %shift_left3A_575 = arith.constant 14 : i32
      %shift_left3A_576 = vector.broadcast %shift_left3A_575 : i32 to vector<16xi32>
      %shift_left3A_577 = arith.shli %get3A_568, %shift_left3A_576 : vector<16xi32>
      %or3A_578 = arith.ori %shift_left3A_577, %add3A_574 : vector<16xi32>
      %sort3A_579 = arith.constant dense<true> : vector<16xi1>
      %sort3A_580, %sort3A_581, %sort3A_582 = tpu.sort %or3A_578, %or3A_578 masked %sort3A_579 : (vector<16xi32>, vector<16xi32>, vector<16xi1>) -> (vector<16xi1>, vector<16xi32>, vector<16xi32>)
      %shift_right_arithmetic3A_583 = arith.constant 14 : i32
      %shift_right_arithmetic3A_584 = vector.broadcast %shift_right_arithmetic3A_583 : i32 to vector<16xi32>
      %shift_right_arithmetic3A_585 = arith.shrsi %sort3A_581, %shift_right_arithmetic3A_584 : vector<16xi32>
      %broadcast_in_dim3A_586 = vector.shape_cast %min3A_7 : vector<16xi32> to vector<16x1xi32>
      %gather3A_587 = vector.shape_cast %broadcast_in_dim3A_586 : vector<16x1xi32> to vector<16xi32>
      %gather3A_588 = tpu.dynamic_gather %shift_right_arithmetic3A_585[%gather3A_587] in [0] : vector<16xi32>, vector<16xi32> -> vector<16xi32>
      %ne3A_589 = arith.cmpi ne, %shift_right_arithmetic3A_585, %gather3A_588 : vector<16xi32>
      %eq3A_590 = arith.constant 15 : i32
      %eq3A_591 = vector.broadcast %eq3A_590 : i32 to vector<16xi32>
      %eq3A_592 = arith.cmpi eq, %iota3A, %eq3A_591 : vector<16xi32>
      %or3A_593 = arith.ori %ne3A_589, %eq3A_592 : vector<16xi1>
      %and3A_594 = arith.constant 16383 : i32
      %and3A_595 = vector.broadcast %and3A_594 : i32 to vector<16xi32>
      %and3A_596 = arith.andi %sort3A_581, %and3A_595 : vector<16xi32>
      %add3A_597 = arith.constant 1 : i32
      %add3A_598 = vector.broadcast %add3A_597 : i32 to vector<16xi32>
      %add3A_599 = arith.addi %and3A_596, %add3A_598 : vector<16xi32>
      tpu.vector_store_idx %arg10[%shift_right_arithmetic3A_585], %add3A_599 masked %or3A_593 : memref<100352xi32, #tpu.memory_space<vmem>>[vector<16xi32>], vector<16xi32>, vector<16xi1>
      %mul3A_600 = arith.constant 4 : i32
      %mul3A_601 = arith.muli %scan3A_490, %mul3A_600 : i32
      %add3A_602 = arith.constant 3 : i32
      %add3A_603 = arith.addi %mul3A_601, %add3A_602 : i32
      %mul3A_604 = arith.constant 16 : i32
      %mul3A_605 = arith.muli %add3A_603, %mul3A_604 : i32
      %get3A_606 = arith.index_cast %mul3A_605 : i32 to index
      %get3A_607 = tpu.vector_load %arg12[%get3A_606] {strides = array<i32>} : memref<2048xi32, #tpu.memory_space<vmem>>, vector<16xi32>,
      %mul3A_608 = arith.constant 16 : i32
      %mul3A_609 = arith.muli %add3A_603, %mul3A_608 : i32
      %add3A_610 = arith.constant 8192 : i32
      %add3A_611 = arith.addi %add3A_610, %mul3A_609 : i32
      %add3A_612 = vector.broadcast %add3A_611 : i32 to vector<16xi32>
      %add3A_613 = arith.addi %add3A_612, %iota3A : vector<16xi32>
      %shift_left3A_614 = arith.constant 14 : i32
      %shift_left3A_615 = vector.broadcast %shift_left3A_614 : i32 to vector<16xi32>
      %shift_left3A_616 = arith.shli %get3A_607, %shift_left3A_615 : vector<16xi32>
      %or3A_617 = arith.ori %shift_left3A_616, %add3A_613 : vector<16xi32>
      %sort3A_618 = arith.constant dense<true> : vector<16xi1>
      %sort3A_619, %sort3A_620, %sort3A_621 = tpu.sort %or3A_617, %or3A_617 masked %sort3A_618 : (vector<16xi32>, vector<16xi32>, vector<16xi1>) -> (vector<16xi1>, vector<16xi32>, vector<16xi32>)
      %shift_right_arithmetic3A_622 = arith.constant 14 : i32
      %shift_right_arithmetic3A_623 = vector.broadcast %shift_right_arithmetic3A_622 : i32 to vector<16xi32>
      %shift_right_arithmetic3A_624 = arith.shrsi %sort3A_620, %shift_right_arithmetic3A_623 : vector<16xi32>
      %broadcast_in_dim3A_625 = vector.shape_cast %min3A_7 : vector<16xi32> to vector<16x1xi32>
      %gather3A_626 = vector.shape_cast %broadcast_in_dim3A_625 : vector<16x1xi32> to vector<16xi32>
      %gather3A_627 = tpu.dynamic_gather %shift_right_arithmetic3A_624[%gather3A_626] in [0] : vector<16xi32>, vector<16xi32> -> vector<16xi32>
      %ne3A_628 = arith.cmpi ne, %shift_right_arithmetic3A_624, %gather3A_627 : vector<16xi32>
      %eq3A_629 = arith.constant 15 : i32
      %eq3A_630 = vector.broadcast %eq3A_629 : i32 to vector<16xi32>
      %eq3A_631 = arith.cmpi eq, %iota3A, %eq3A_630 : vector<16xi32>
      %or3A_632 = arith.ori %ne3A_628, %eq3A_631 : vector<16xi1>
      %and3A_633 = arith.constant 16383 : i32
      %and3A_634 = vector.broadcast %and3A_633 : i32 to vector<16xi32>
      %and3A_635 = arith.andi %sort3A_620, %and3A_634 : vector<16xi32>
      %add3A_636 = arith.constant 1 : i32
      %add3A_637 = vector.broadcast %add3A_636 : i32 to vector<16xi32>
      %add3A_638 = arith.addi %and3A_635, %add3A_637 : vector<16xi32>
      tpu.vector_store_idx %arg10[%shift_right_arithmetic3A_624], %add3A_638 masked %or3A_632 : memref<100352xi32, #tpu.memory_space<vmem>>[vector<16xi32>], vector<16xi32>, vector<16xi1>
    }
    %scan3A_124 = arith.constant 32 : i32
    %dma_wait3A_125 = arith.constant 256 : i32
    %dma_wait3A_126 = tpu.memref_slice %arg11[%dma_wait3A_125] : memref<512xi32, #tpu.memory_space<vmem>> -> memref<64xi32, #tpu.memory_space<vmem>>
    %dma_wait3A_127 = arith.constant 0 : i32
    %dma_wait3A_128 = arith.constant 0 : i32
    %dma_wait3A_129 = tpu.memref_slice %arg4[%dma_wait3A_127, %dma_wait3A_128] : memref<100000x128xf32, #tpu.memory_space<hbm>> -> memref<100000x128xf32, #tpu.memory_space<hbm>>
    tpu.wait_indirect_dma semaphore(%arg16 : memref<!tpu.dma_semaphore, #tpu.memory_space<semaphore_mem>>) src(%dma_wait3A_129 : memref<100000x128xf32, #tpu.memory_space<hbm>>) dst(%arg14 : memref<64x128xf32, #tpu.memory_space<vmem>>)
    %add3A_130 = arith.constant 256 : i32
    %add3A_131 = arith.addi %mul3A_2, %add3A_130 : i32
    %dma_start3A_132 = arith.constant 0 : i32
    %dma_start3A_133 = tpu.memref_slice %arg8[%add3A_131, %dma_start3A_132] : memref<18432x128xf32, #tpu.memory_space<hbm>> -> memref<64x128xf32, #tpu.memory_space<hbm>>
    %dma_start3A_134 = arith.constant 0 : i32
    %dma_start3A_135 = tpu.memref_slice %arg8[%add3A_131, %dma_start3A_134] : memref<18432x128xf32, #tpu.memory_space<hbm>> -> memref<64x128xf32, #tpu.memory_space<hbm>>
    tpu.enqueue_dma source(%arg14 : memref<64x128xf32, #tpu.memory_space<vmem>>) target(%dma_start3A_135 : memref<64x128xf32, #tpu.memory_space<hbm>>) target_semaphore(%arg18 : memref<!tpu.dma_semaphore, #tpu.memory_space<semaphore_mem>>)
    %dma_wait3A_136 = arith.constant 0 : i32
    %dma_wait3A_137 = tpu.memref_slice %arg8[%add3A_105, %dma_wait3A_136] : memref<18432x128xf32, #tpu.memory_space<hbm>> -> memref<64x128xf32, #tpu.memory_space<hbm>>
    %dma_wait3A_138 = arith.constant 0 : i32
    %dma_wait3A_139 = tpu.memref_slice %arg8[%add3A_105, %dma_wait3A_138] : memref<18432x128xf32, #tpu.memory_space<hbm>> -> memref<64x128xf32, #tpu.memory_space<hbm>>
    tpu.wait_dma2 semaphore(%arg19 : memref<!tpu.dma_semaphore, #tpu.memory_space<semaphore_mem>>) src(%arg15 : memref<64x128xf32, #tpu.memory_space<vmem>>) dst(%dma_wait3A_139 : memref<64x128xf32, #tpu.memory_space<hbm>>)
    %dma_start3A_140 = arith.constant 320 : i32
    %dma_start3A_141 = tpu.memref_slice %arg11[%dma_start3A_140] : memref<512xi32, #tpu.memory_space<vmem>> -> memref<64xi32, #tpu.memory_space<vmem>>
    %dma_start3A_142 = arith.constant 0 : i32
    %dma_start3A_143 = arith.constant 0 : i32
    %dma_start3A_144 = tpu.memref_slice %arg4[%dma_start3A_142, %dma_start3A_143] : memref<100000x128xf32, #tpu.memory_space<hbm>> -> memref<100000x128xf32, #tpu.memory_space<hbm>>
    tpu.enqueue_indirect_dma source(%dma_start3A_144 : memref<100000x128xf32, #tpu.memory_space<hbm>>) target(%arg15 : memref<64x128xf32, #tpu.memory_space<vmem>>) offsets(%dma_start3A_141 : memref<64xi32, #tpu.memory_space<vmem>>) semaphore(%arg17 : memref<!tpu.dma_semaphore, #tpu.memory_space<semaphore_mem>>)
    "tpu.region"() ({
      %run_scoped3A = tpu.sem_alloc : memref<!tpu.dma_semaphore, #tpu.memory_space<semaphore_mem>>
      %dma_start3A_490 = arith.constant 10240 : i32
      %dma_start3A_491 = tpu.memref_slice %arg2[%dma_start3A_490] : memref<16384xi32, #tpu.memory_space<hbm>> -> memref<2048xi32, #tpu.memory_space<hbm>>
      %dma_start3A_492 = arith.constant 10240 : i32
      %dma_start3A_493 = tpu.memref_slice %arg2[%dma_start3A_492] : memref<16384xi32, #tpu.memory_space<hbm>> -> memref<2048xi32, #tpu.memory_space<hbm>>
      tpu.enqueue_dma source(%dma_start3A_493 : memref<2048xi32, #tpu.memory_space<hbm>>) target(%arg12 : memref<2048xi32, #tpu.memory_space<vmem>>) target_semaphore(%run_scoped3A : memref<!tpu.dma_semaphore, #tpu.memory_space<semaphore_mem>>)
      %dma_wait3A_494 = arith.constant 10240 : i32
      %dma_wait3A_495 = tpu.memref_slice %arg2[%dma_wait3A_494] : memref<16384xi32, #tpu.memory_space<hbm>> -> memref<2048xi32, #tpu.memory_space<hbm>>
      %dma_wait3A_496 = arith.constant 10240 : i32
      %dma_wait3A_497 = tpu.memref_slice %arg2[%dma_wait3A_496] : memref<16384xi32, #tpu.memory_space<hbm>> -> memref<2048xi32, #tpu.memory_space<hbm>>
      tpu.wait_dma2 semaphore(%run_scoped3A : memref<!tpu.dma_semaphore, #tpu.memory_space<semaphore_mem>>) src(%dma_wait3A_497 : memref<2048xi32, #tpu.memory_space<hbm>>) dst(%arg12 : memref<2048xi32, #tpu.memory_space<vmem>>)
      tpu.yield
    }) : () -> ()
    %scan3A_145 = arith.constant 0 : i32
    %scan3A_146 = arith.constant 0 : i32
    %scan3A_147 = arith.constant 32 : i32
    %scan3A_148 = arith.addi %scan3A_146, %scan3A_147 : i32
    %scan3A_149 = arith.constant 1 : i32
    scf.for %scan3A_490 = %scan3A_146 to %scan3A_148 step %scan3A_149  : i32 {
      %mul3A_491 = arith.constant 4 : i32
      %mul3A_492 = arith.muli %scan3A_490, %mul3A_491 : i32
      %add3A_493 = arith.constant 0 : i32
      %add3A_494 = arith.addi %mul3A_492, %add3A_493 : i32
      %mul3A_495 = arith.constant 16 : i32
      %mul3A_496 = arith.muli %add3A_494, %mul3A_495 : i32
      %get3A_497 = arith.index_cast %mul3A_496 : i32 to index
      %get3A_498 = tpu.vector_load %arg12[%get3A_497] {strides = array<i32>} : memref<2048xi32, #tpu.memory_space<vmem>>, vector<16xi32>,
      %mul3A_499 = arith.constant 16 : i32
      %mul3A_500 = arith.muli %add3A_494, %mul3A_499 : i32
      %add3A_501 = arith.constant 10240 : i32
      %add3A_502 = arith.addi %add3A_501, %mul3A_500 : i32
      %add3A_503 = vector.broadcast %add3A_502 : i32 to vector<16xi32>
      %add3A_504 = arith.addi %add3A_503, %iota3A : vector<16xi32>
      %shift_left3A = arith.constant 14 : i32
      %shift_left3A_505 = vector.broadcast %shift_left3A : i32 to vector<16xi32>
      %shift_left3A_506 = arith.shli %get3A_498, %shift_left3A_505 : vector<16xi32>
      %or3A = arith.ori %shift_left3A_506, %add3A_504 : vector<16xi32>
      %sort3A = arith.constant dense<true> : vector<16xi1>
      %sort3A_507, %sort3A_508, %sort3A_509 = tpu.sort %or3A, %or3A masked %sort3A : (vector<16xi32>, vector<16xi32>, vector<16xi1>) -> (vector<16xi1>, vector<16xi32>, vector<16xi32>)
      %shift_right_arithmetic3A = arith.constant 14 : i32
      %shift_right_arithmetic3A_510 = vector.broadcast %shift_right_arithmetic3A : i32 to vector<16xi32>
      %shift_right_arithmetic3A_511 = arith.shrsi %sort3A_508, %shift_right_arithmetic3A_510 : vector<16xi32>
      %broadcast_in_dim3A_512 = vector.shape_cast %min3A_7 : vector<16xi32> to vector<16x1xi32>
      %gather3A = vector.shape_cast %broadcast_in_dim3A_512 : vector<16x1xi32> to vector<16xi32>
      %gather3A_513 = tpu.dynamic_gather %shift_right_arithmetic3A_511[%gather3A] in [0] : vector<16xi32>, vector<16xi32> -> vector<16xi32>
      %ne3A = arith.cmpi ne, %shift_right_arithmetic3A_511, %gather3A_513 : vector<16xi32>
      %eq3A = arith.constant 15 : i32
      %eq3A_514 = vector.broadcast %eq3A : i32 to vector<16xi32>
      %eq3A_515 = arith.cmpi eq, %iota3A, %eq3A_514 : vector<16xi32>
      %or3A_516 = arith.ori %ne3A, %eq3A_515 : vector<16xi1>
      %and3A = arith.constant 16383 : i32
      %and3A_517 = vector.broadcast %and3A : i32 to vector<16xi32>
      %and3A_518 = arith.andi %sort3A_508, %and3A_517 : vector<16xi32>
      %add3A_519 = arith.constant 1 : i32
      %add3A_520 = vector.broadcast %add3A_519 : i32 to vector<16xi32>
      %add3A_521 = arith.addi %and3A_518, %add3A_520 : vector<16xi32>
      tpu.vector_store_idx %arg10[%shift_right_arithmetic3A_511], %add3A_521 masked %or3A_516 : memref<100352xi32, #tpu.memory_space<vmem>>[vector<16xi32>], vector<16xi32>, vector<16xi1>
      %mul3A_522 = arith.constant 4 : i32
      %mul3A_523 = arith.muli %scan3A_490, %mul3A_522 : i32
      %add3A_524 = arith.constant 1 : i32
      %add3A_525 = arith.addi %mul3A_523, %add3A_524 : i32
      %mul3A_526 = arith.constant 16 : i32
      %mul3A_527 = arith.muli %add3A_525, %mul3A_526 : i32
      %get3A_528 = arith.index_cast %mul3A_527 : i32 to index
      %get3A_529 = tpu.vector_load %arg12[%get3A_528] {strides = array<i32>} : memref<2048xi32, #tpu.memory_space<vmem>>, vector<16xi32>,
      %mul3A_530 = arith.constant 16 : i32
      %mul3A_531 = arith.muli %add3A_525, %mul3A_530 : i32
      %add3A_532 = arith.constant 10240 : i32
      %add3A_533 = arith.addi %add3A_532, %mul3A_531 : i32
      %add3A_534 = vector.broadcast %add3A_533 : i32 to vector<16xi32>
      %add3A_535 = arith.addi %add3A_534, %iota3A : vector<16xi32>
      %shift_left3A_536 = arith.constant 14 : i32
      %shift_left3A_537 = vector.broadcast %shift_left3A_536 : i32 to vector<16xi32>
      %shift_left3A_538 = arith.shli %get3A_529, %shift_left3A_537 : vector<16xi32>
      %or3A_539 = arith.ori %shift_left3A_538, %add3A_535 : vector<16xi32>
      %sort3A_540 = arith.constant dense<true> : vector<16xi1>
      %sort3A_541, %sort3A_542, %sort3A_543 = tpu.sort %or3A_539, %or3A_539 masked %sort3A_540 : (vector<16xi32>, vector<16xi32>, vector<16xi1>) -> (vector<16xi1>, vector<16xi32>, vector<16xi32>)
      %shift_right_arithmetic3A_544 = arith.constant 14 : i32
      %shift_right_arithmetic3A_545 = vector.broadcast %shift_right_arithmetic3A_544 : i32 to vector<16xi32>
      %shift_right_arithmetic3A_546 = arith.shrsi %sort3A_542, %shift_right_arithmetic3A_545 : vector<16xi32>
      %broadcast_in_dim3A_547 = vector.shape_cast %min3A_7 : vector<16xi32> to vector<16x1xi32>
      %gather3A_548 = vector.shape_cast %broadcast_in_dim3A_547 : vector<16x1xi32> to vector<16xi32>
      %gather3A_549 = tpu.dynamic_gather %shift_right_arithmetic3A_546[%gather3A_548] in [0] : vector<16xi32>, vector<16xi32> -> vector<16xi32>
      %ne3A_550 = arith.cmpi ne, %shift_right_arithmetic3A_546, %gather3A_549 : vector<16xi32>
      %eq3A_551 = arith.constant 15 : i32
      %eq3A_552 = vector.broadcast %eq3A_551 : i32 to vector<16xi32>
      %eq3A_553 = arith.cmpi eq, %iota3A, %eq3A_552 : vector<16xi32>
      %or3A_554 = arith.ori %ne3A_550, %eq3A_553 : vector<16xi1>
      %and3A_555 = arith.constant 16383 : i32
      %and3A_556 = vector.broadcast %and3A_555 : i32 to vector<16xi32>
      %and3A_557 = arith.andi %sort3A_542, %and3A_556 : vector<16xi32>
      %add3A_558 = arith.constant 1 : i32
      %add3A_559 = vector.broadcast %add3A_558 : i32 to vector<16xi32>
      %add3A_560 = arith.addi %and3A_557, %add3A_559 : vector<16xi32>
      tpu.vector_store_idx %arg10[%shift_right_arithmetic3A_546], %add3A_560 masked %or3A_554 : memref<100352xi32, #tpu.memory_space<vmem>>[vector<16xi32>], vector<16xi32>, vector<16xi1>
      %mul3A_561 = arith.constant 4 : i32
      %mul3A_562 = arith.muli %scan3A_490, %mul3A_561 : i32
      %add3A_563 = arith.constant 2 : i32
      %add3A_564 = arith.addi %mul3A_562, %add3A_563 : i32
      %mul3A_565 = arith.constant 16 : i32
      %mul3A_566 = arith.muli %add3A_564, %mul3A_565 : i32
      %get3A_567 = arith.index_cast %mul3A_566 : i32 to index
      %get3A_568 = tpu.vector_load %arg12[%get3A_567] {strides = array<i32>} : memref<2048xi32, #tpu.memory_space<vmem>>, vector<16xi32>,
      %mul3A_569 = arith.constant 16 : i32
      %mul3A_570 = arith.muli %add3A_564, %mul3A_569 : i32
      %add3A_571 = arith.constant 10240 : i32
      %add3A_572 = arith.addi %add3A_571, %mul3A_570 : i32
      %add3A_573 = vector.broadcast %add3A_572 : i32 to vector<16xi32>
      %add3A_574 = arith.addi %add3A_573, %iota3A : vector<16xi32>
      %shift_left3A_575 = arith.constant 14 : i32
      %shift_left3A_576 = vector.broadcast %shift_left3A_575 : i32 to vector<16xi32>
      %shift_left3A_577 = arith.shli %get3A_568, %shift_left3A_576 : vector<16xi32>
      %or3A_578 = arith.ori %shift_left3A_577, %add3A_574 : vector<16xi32>
      %sort3A_579 = arith.constant dense<true> : vector<16xi1>
      %sort3A_580, %sort3A_581, %sort3A_582 = tpu.sort %or3A_578, %or3A_578 masked %sort3A_579 : (vector<16xi32>, vector<16xi32>, vector<16xi1>) -> (vector<16xi1>, vector<16xi32>, vector<16xi32>)
      %shift_right_arithmetic3A_583 = arith.constant 14 : i32
      %shift_right_arithmetic3A_584 = vector.broadcast %shift_right_arithmetic3A_583 : i32 to vector<16xi32>
      %shift_right_arithmetic3A_585 = arith.shrsi %sort3A_581, %shift_right_arithmetic3A_584 : vector<16xi32>
      %broadcast_in_dim3A_586 = vector.shape_cast %min3A_7 : vector<16xi32> to vector<16x1xi32>
      %gather3A_587 = vector.shape_cast %broadcast_in_dim3A_586 : vector<16x1xi32> to vector<16xi32>
      %gather3A_588 = tpu.dynamic_gather %shift_right_arithmetic3A_585[%gather3A_587] in [0] : vector<16xi32>, vector<16xi32> -> vector<16xi32>
      %ne3A_589 = arith.cmpi ne, %shift_right_arithmetic3A_585, %gather3A_588 : vector<16xi32>
      %eq3A_590 = arith.constant 15 : i32
      %eq3A_591 = vector.broadcast %eq3A_590 : i32 to vector<16xi32>
      %eq3A_592 = arith.cmpi eq, %iota3A, %eq3A_591 : vector<16xi32>
      %or3A_593 = arith.ori %ne3A_589, %eq3A_592 : vector<16xi1>
      %and3A_594 = arith.constant 16383 : i32
      %and3A_595 = vector.broadcast %and3A_594 : i32 to vector<16xi32>
      %and3A_596 = arith.andi %sort3A_581, %and3A_595 : vector<16xi32>
      %add3A_597 = arith.constant 1 : i32
      %add3A_598 = vector.broadcast %add3A_597 : i32 to vector<16xi32>
      %add3A_599 = arith.addi %and3A_596, %add3A_598 : vector<16xi32>
      tpu.vector_store_idx %arg10[%shift_right_arithmetic3A_585], %add3A_599 masked %or3A_593 : memref<100352xi32, #tpu.memory_space<vmem>>[vector<16xi32>], vector<16xi32>, vector<16xi1>
      %mul3A_600 = arith.constant 4 : i32
      %mul3A_601 = arith.muli %scan3A_490, %mul3A_600 : i32
      %add3A_602 = arith.constant 3 : i32
      %add3A_603 = arith.addi %mul3A_601, %add3A_602 : i32
      %mul3A_604 = arith.constant 16 : i32
      %mul3A_605 = arith.muli %add3A_603, %mul3A_604 : i32
      %get3A_606 = arith.index_cast %mul3A_605 : i32 to index
      %get3A_607 = tpu.vector_load %arg12[%get3A_606] {strides = array<i32>} : memref<2048xi32, #tpu.memory_space<vmem>>, vector<16xi32>,
      %mul3A_608 = arith.constant 16 : i32
      %mul3A_609 = arith.muli %add3A_603, %mul3A_608 : i32
      %add3A_610 = arith.constant 10240 : i32
      %add3A_611 = arith.addi %add3A_610, %mul3A_609 : i32
      %add3A_612 = vector.broadcast %add3A_611 : i32 to vector<16xi32>
      %add3A_613 = arith.addi %add3A_612, %iota3A : vector<16xi32>
      %shift_left3A_614 = arith.constant 14 : i32
      %shift_left3A_615 = vector.broadcast %shift_left3A_614 : i32 to vector<16xi32>
      %shift_left3A_616 = arith.shli %get3A_607, %shift_left3A_615 : vector<16xi32>
      %or3A_617 = arith.ori %shift_left3A_616, %add3A_613 : vector<16xi32>
      %sort3A_618 = arith.constant dense<true> : vector<16xi1>
      %sort3A_619, %sort3A_620, %sort3A_621 = tpu.sort %or3A_617, %or3A_617 masked %sort3A_618 : (vector<16xi32>, vector<16xi32>, vector<16xi1>) -> (vector<16xi1>, vector<16xi32>, vector<16xi32>)
      %shift_right_arithmetic3A_622 = arith.constant 14 : i32
      %shift_right_arithmetic3A_623 = vector.broadcast %shift_right_arithmetic3A_622 : i32 to vector<16xi32>
      %shift_right_arithmetic3A_624 = arith.shrsi %sort3A_620, %shift_right_arithmetic3A_623 : vector<16xi32>
      %broadcast_in_dim3A_625 = vector.shape_cast %min3A_7 : vector<16xi32> to vector<16x1xi32>
      %gather3A_626 = vector.shape_cast %broadcast_in_dim3A_625 : vector<16x1xi32> to vector<16xi32>
      %gather3A_627 = tpu.dynamic_gather %shift_right_arithmetic3A_624[%gather3A_626] in [0] : vector<16xi32>, vector<16xi32> -> vector<16xi32>
      %ne3A_628 = arith.cmpi ne, %shift_right_arithmetic3A_624, %gather3A_627 : vector<16xi32>
      %eq3A_629 = arith.constant 15 : i32
      %eq3A_630 = vector.broadcast %eq3A_629 : i32 to vector<16xi32>
      %eq3A_631 = arith.cmpi eq, %iota3A, %eq3A_630 : vector<16xi32>
      %or3A_632 = arith.ori %ne3A_628, %eq3A_631 : vector<16xi1>
      %and3A_633 = arith.constant 16383 : i32
      %and3A_634 = vector.broadcast %and3A_633 : i32 to vector<16xi32>
      %and3A_635 = arith.andi %sort3A_620, %and3A_634 : vector<16xi32>
      %add3A_636 = arith.constant 1 : i32
      %add3A_637 = vector.broadcast %add3A_636 : i32 to vector<16xi32>
      %add3A_638 = arith.addi %and3A_635, %add3A_637 : vector<16xi32>
      tpu.vector_store_idx %arg10[%shift_right_arithmetic3A_624], %add3A_638 masked %or3A_632 : memref<100352xi32, #tpu.memory_space<vmem>>[vector<16xi32>], vector<16xi32>, vector<16xi1>
    }
    %scan3A_150 = arith.constant 32 : i32
    %dma_wait3A_151 = arith.constant 320 : i32
    %dma_wait3A_152 = tpu.memref_slice %arg11[%dma_wait3A_151] : memref<512xi32, #tpu.memory_space<vmem>> -> memref<64xi32, #tpu.memory_space<vmem>>
    %dma_wait3A_153 = arith.constant 0 : i32
    %dma_wait3A_154 = arith.constant 0 : i32
    %dma_wait3A_155 = tpu.memref_slice %arg4[%dma_wait3A_153, %dma_wait3A_154] : memref<100000x128xf32, #tpu.memory_space<hbm>> -> memref<100000x128xf32, #tpu.memory_space<hbm>>
    tpu.wait_indirect_dma semaphore(%arg17 : memref<!tpu.dma_semaphore, #tpu.memory_space<semaphore_mem>>) src(%dma_wait3A_155 : memref<100000x128xf32, #tpu.memory_space<hbm>>) dst(%arg15 : memref<64x128xf32, #tpu.memory_space<vmem>>)
    %add3A_156 = arith.constant 320 : i32
    %add3A_157 = arith.addi %mul3A_2, %add3A_156 : i32
    %dma_start3A_158 = arith.constant 0 : i32
    %dma_start3A_159 = tpu.memref_slice %arg8[%add3A_157, %dma_start3A_158] : memref<18432x128xf32, #tpu.memory_space<hbm>> -> memref<64x128xf32, #tpu.memory_space<hbm>>
    %dma_start3A_160 = arith.constant 0 : i32
    %dma_start3A_161 = tpu.memref_slice %arg8[%add3A_157, %dma_start3A_160] : memref<18432x128xf32, #tpu.memory_space<hbm>> -> memref<64x128xf32, #tpu.memory_space<hbm>>
    tpu.enqueue_dma source(%arg15 : memref<64x128xf32, #tpu.memory_space<vmem>>) target(%dma_start3A_161 : memref<64x128xf32, #tpu.memory_space<hbm>>) target_semaphore(%arg19 : memref<!tpu.dma_semaphore, #tpu.memory_space<semaphore_mem>>)
    %dma_wait3A_162 = arith.constant 0 : i32
    %dma_wait3A_163 = tpu.memref_slice %arg8[%add3A_131, %dma_wait3A_162] : memref<18432x128xf32, #tpu.memory_space<hbm>> -> memref<64x128xf32, #tpu.memory_space<hbm>>
    %dma_wait3A_164 = arith.constant 0 : i32
    %dma_wait3A_165 = tpu.memref_slice %arg8[%add3A_131, %dma_wait3A_164] : memref<18432x128xf32, #tpu.memory_space<hbm>> -> memref<64x128xf32, #tpu.memory_space<hbm>>
    tpu.wait_dma2 semaphore(%arg18 : memref<!tpu.dma_semaphore, #tpu.memory_space<semaphore_mem>>) src(%arg14 : memref<64x128xf32, #tpu.memory_space<vmem>>) dst(%dma_wait3A_165 : memref<64x128xf32, #tpu.memory_space<hbm>>)
    %dma_start3A_166 = arith.constant 384 : i32
    %dma_start3A_167 = tpu.memref_slice %arg11[%dma_start3A_166] : memref<512xi32, #tpu.memory_space<vmem>> -> memref<64xi32, #tpu.memory_space<vmem>>
    %dma_start3A_168 = arith.constant 0 : i32
    %dma_start3A_169 = arith.constant 0 : i32
    %dma_start3A_170 = tpu.memref_slice %arg4[%dma_start3A_168, %dma_start3A_169] : memref<100000x128xf32, #tpu.memory_space<hbm>> -> memref<100000x128xf32, #tpu.memory_space<hbm>>
    tpu.enqueue_indirect_dma source(%dma_start3A_170 : memref<100000x128xf32, #tpu.memory_space<hbm>>) target(%arg14 : memref<64x128xf32, #tpu.memory_space<vmem>>) offsets(%dma_start3A_167 : memref<64xi32, #tpu.memory_space<vmem>>) semaphore(%arg16 : memref<!tpu.dma_semaphore, #tpu.memory_space<semaphore_mem>>)
    "tpu.region"() ({
      %run_scoped3A = tpu.sem_alloc : memref<!tpu.dma_semaphore, #tpu.memory_space<semaphore_mem>>
      %dma_start3A_490 = arith.constant 12288 : i32
      %dma_start3A_491 = tpu.memref_slice %arg2[%dma_start3A_490] : memref<16384xi32, #tpu.memory_space<hbm>> -> memref<2048xi32, #tpu.memory_space<hbm>>
      %dma_start3A_492 = arith.constant 12288 : i32
      %dma_start3A_493 = tpu.memref_slice %arg2[%dma_start3A_492] : memref<16384xi32, #tpu.memory_space<hbm>> -> memref<2048xi32, #tpu.memory_space<hbm>>
      tpu.enqueue_dma source(%dma_start3A_493 : memref<2048xi32, #tpu.memory_space<hbm>>) target(%arg12 : memref<2048xi32, #tpu.memory_space<vmem>>) target_semaphore(%run_scoped3A : memref<!tpu.dma_semaphore, #tpu.memory_space<semaphore_mem>>)
      %dma_wait3A_494 = arith.constant 12288 : i32
      %dma_wait3A_495 = tpu.memref_slice %arg2[%dma_wait3A_494] : memref<16384xi32, #tpu.memory_space<hbm>> -> memref<2048xi32, #tpu.memory_space<hbm>>
      %dma_wait3A_496 = arith.constant 12288 : i32
      %dma_wait3A_497 = tpu.memref_slice %arg2[%dma_wait3A_496] : memref<16384xi32, #tpu.memory_space<hbm>> -> memref<2048xi32, #tpu.memory_space<hbm>>
      tpu.wait_dma2 semaphore(%run_scoped3A : memref<!tpu.dma_semaphore, #tpu.memory_space<semaphore_mem>>) src(%dma_wait3A_497 : memref<2048xi32, #tpu.memory_space<hbm>>) dst(%arg12 : memref<2048xi32, #tpu.memory_space<vmem>>)
      tpu.yield
    }) : () -> ()
    %scan3A_171 = arith.constant 0 : i32
    %scan3A_172 = arith.constant 0 : i32
    %scan3A_173 = arith.constant 32 : i32
    %scan3A_174 = arith.addi %scan3A_172, %scan3A_173 : i32
    %scan3A_175 = arith.constant 1 : i32
    scf.for %scan3A_490 = %scan3A_172 to %scan3A_174 step %scan3A_175  : i32 {
      %mul3A_491 = arith.constant 4 : i32
      %mul3A_492 = arith.muli %scan3A_490, %mul3A_491 : i32
      %add3A_493 = arith.constant 0 : i32
      %add3A_494 = arith.addi %mul3A_492, %add3A_493 : i32
      %mul3A_495 = arith.constant 16 : i32
      %mul3A_496 = arith.muli %add3A_494, %mul3A_495 : i32
      %get3A_497 = arith.index_cast %mul3A_496 : i32 to index
      %get3A_498 = tpu.vector_load %arg12[%get3A_497] {strides = array<i32>} : memref<2048xi32, #tpu.memory_space<vmem>>, vector<16xi32>,
      %mul3A_499 = arith.constant 16 : i32
      %mul3A_500 = arith.muli %add3A_494, %mul3A_499 : i32
      %add3A_501 = arith.constant 12288 : i32
      %add3A_502 = arith.addi %add3A_501, %mul3A_500 : i32
      %add3A_503 = vector.broadcast %add3A_502 : i32 to vector<16xi32>
      %add3A_504 = arith.addi %add3A_503, %iota3A : vector<16xi32>
      %shift_left3A = arith.constant 14 : i32
      %shift_left3A_505 = vector.broadcast %shift_left3A : i32 to vector<16xi32>
      %shift_left3A_506 = arith.shli %get3A_498, %shift_left3A_505 : vector<16xi32>
      %or3A = arith.ori %shift_left3A_506, %add3A_504 : vector<16xi32>
      %sort3A = arith.constant dense<true> : vector<16xi1>
      %sort3A_507, %sort3A_508, %sort3A_509 = tpu.sort %or3A, %or3A masked %sort3A : (vector<16xi32>, vector<16xi32>, vector<16xi1>) -> (vector<16xi1>, vector<16xi32>, vector<16xi32>)
      %shift_right_arithmetic3A = arith.constant 14 : i32
      %shift_right_arithmetic3A_510 = vector.broadcast %shift_right_arithmetic3A : i32 to vector<16xi32>
      %shift_right_arithmetic3A_511 = arith.shrsi %sort3A_508, %shift_right_arithmetic3A_510 : vector<16xi32>
      %broadcast_in_dim3A_512 = vector.shape_cast %min3A_7 : vector<16xi32> to vector<16x1xi32>
      %gather3A = vector.shape_cast %broadcast_in_dim3A_512 : vector<16x1xi32> to vector<16xi32>
      %gather3A_513 = tpu.dynamic_gather %shift_right_arithmetic3A_511[%gather3A] in [0] : vector<16xi32>, vector<16xi32> -> vector<16xi32>
      %ne3A = arith.cmpi ne, %shift_right_arithmetic3A_511, %gather3A_513 : vector<16xi32>
      %eq3A = arith.constant 15 : i32
      %eq3A_514 = vector.broadcast %eq3A : i32 to vector<16xi32>
      %eq3A_515 = arith.cmpi eq, %iota3A, %eq3A_514 : vector<16xi32>
      %or3A_516 = arith.ori %ne3A, %eq3A_515 : vector<16xi1>
      %and3A = arith.constant 16383 : i32
      %and3A_517 = vector.broadcast %and3A : i32 to vector<16xi32>
      %and3A_518 = arith.andi %sort3A_508, %and3A_517 : vector<16xi32>
      %add3A_519 = arith.constant 1 : i32
      %add3A_520 = vector.broadcast %add3A_519 : i32 to vector<16xi32>
      %add3A_521 = arith.addi %and3A_518, %add3A_520 : vector<16xi32>
      tpu.vector_store_idx %arg10[%shift_right_arithmetic3A_511], %add3A_521 masked %or3A_516 : memref<100352xi32, #tpu.memory_space<vmem>>[vector<16xi32>], vector<16xi32>, vector<16xi1>
      %mul3A_522 = arith.constant 4 : i32
      %mul3A_523 = arith.muli %scan3A_490, %mul3A_522 : i32
      %add3A_524 = arith.constant 1 : i32
      %add3A_525 = arith.addi %mul3A_523, %add3A_524 : i32
      %mul3A_526 = arith.constant 16 : i32
      %mul3A_527 = arith.muli %add3A_525, %mul3A_526 : i32
      %get3A_528 = arith.index_cast %mul3A_527 : i32 to index
      %get3A_529 = tpu.vector_load %arg12[%get3A_528] {strides = array<i32>} : memref<2048xi32, #tpu.memory_space<vmem>>, vector<16xi32>,
      %mul3A_530 = arith.constant 16 : i32
      %mul3A_531 = arith.muli %add3A_525, %mul3A_530 : i32
      %add3A_532 = arith.constant 12288 : i32
      %add3A_533 = arith.addi %add3A_532, %mul3A_531 : i32
      %add3A_534 = vector.broadcast %add3A_533 : i32 to vector<16xi32>
      %add3A_535 = arith.addi %add3A_534, %iota3A : vector<16xi32>
      %shift_left3A_536 = arith.constant 14 : i32
      %shift_left3A_537 = vector.broadcast %shift_left3A_536 : i32 to vector<16xi32>
      %shift_left3A_538 = arith.shli %get3A_529, %shift_left3A_537 : vector<16xi32>
      %or3A_539 = arith.ori %shift_left3A_538, %add3A_535 : vector<16xi32>
      %sort3A_540 = arith.constant dense<true> : vector<16xi1>
      %sort3A_541, %sort3A_542, %sort3A_543 = tpu.sort %or3A_539, %or3A_539 masked %sort3A_540 : (vector<16xi32>, vector<16xi32>, vector<16xi1>) -> (vector<16xi1>, vector<16xi32>, vector<16xi32>)
      %shift_right_arithmetic3A_544 = arith.constant 14 : i32
      %shift_right_arithmetic3A_545 = vector.broadcast %shift_right_arithmetic3A_544 : i32 to vector<16xi32>
      %shift_right_arithmetic3A_546 = arith.shrsi %sort3A_542, %shift_right_arithmetic3A_545 : vector<16xi32>
      %broadcast_in_dim3A_547 = vector.shape_cast %min3A_7 : vector<16xi32> to vector<16x1xi32>
      %gather3A_548 = vector.shape_cast %broadcast_in_dim3A_547 : vector<16x1xi32> to vector<16xi32>
      %gather3A_549 = tpu.dynamic_gather %shift_right_arithmetic3A_546[%gather3A_548] in [0] : vector<16xi32>, vector<16xi32> -> vector<16xi32>
      %ne3A_550 = arith.cmpi ne, %shift_right_arithmetic3A_546, %gather3A_549 : vector<16xi32>
      %eq3A_551 = arith.constant 15 : i32
      %eq3A_552 = vector.broadcast %eq3A_551 : i32 to vector<16xi32>
      %eq3A_553 = arith.cmpi eq, %iota3A, %eq3A_552 : vector<16xi32>
      %or3A_554 = arith.ori %ne3A_550, %eq3A_553 : vector<16xi1>
      %and3A_555 = arith.constant 16383 : i32
      %and3A_556 = vector.broadcast %and3A_555 : i32 to vector<16xi32>
      %and3A_557 = arith.andi %sort3A_542, %and3A_556 : vector<16xi32>
      %add3A_558 = arith.constant 1 : i32
      %add3A_559 = vector.broadcast %add3A_558 : i32 to vector<16xi32>
      %add3A_560 = arith.addi %and3A_557, %add3A_559 : vector<16xi32>
      tpu.vector_store_idx %arg10[%shift_right_arithmetic3A_546], %add3A_560 masked %or3A_554 : memref<100352xi32, #tpu.memory_space<vmem>>[vector<16xi32>], vector<16xi32>, vector<16xi1>
      %mul3A_561 = arith.constant 4 : i32
      %mul3A_562 = arith.muli %scan3A_490, %mul3A_561 : i32
      %add3A_563 = arith.constant 2 : i32
      %add3A_564 = arith.addi %mul3A_562, %add3A_563 : i32
      %mul3A_565 = arith.constant 16 : i32
      %mul3A_566 = arith.muli %add3A_564, %mul3A_565 : i32
      %get3A_567 = arith.index_cast %mul3A_566 : i32 to index
      %get3A_568 = tpu.vector_load %arg12[%get3A_567] {strides = array<i32>} : memref<2048xi32, #tpu.memory_space<vmem>>, vector<16xi32>,
      %mul3A_569 = arith.constant 16 : i32
      %mul3A_570 = arith.muli %add3A_564, %mul3A_569 : i32
      %add3A_571 = arith.constant 12288 : i32
      %add3A_572 = arith.addi %add3A_571, %mul3A_570 : i32
      %add3A_573 = vector.broadcast %add3A_572 : i32 to vector<16xi32>
      %add3A_574 = arith.addi %add3A_573, %iota3A : vector<16xi32>
      %shift_left3A_575 = arith.constant 14 : i32
      %shift_left3A_576 = vector.broadcast %shift_left3A_575 : i32 to vector<16xi32>
      %shift_left3A_577 = arith.shli %get3A_568, %shift_left3A_576 : vector<16xi32>
      %or3A_578 = arith.ori %shift_left3A_577, %add3A_574 : vector<16xi32>
      %sort3A_579 = arith.constant dense<true> : vector<16xi1>
      %sort3A_580, %sort3A_581, %sort3A_582 = tpu.sort %or3A_578, %or3A_578 masked %sort3A_579 : (vector<16xi32>, vector<16xi32>, vector<16xi1>) -> (vector<16xi1>, vector<16xi32>, vector<16xi32>)
      %shift_right_arithmetic3A_583 = arith.constant 14 : i32
      %shift_right_arithmetic3A_584 = vector.broadcast %shift_right_arithmetic3A_583 : i32 to vector<16xi32>
      %shift_right_arithmetic3A_585 = arith.shrsi %sort3A_581, %shift_right_arithmetic3A_584 : vector<16xi32>
      %broadcast_in_dim3A_586 = vector.shape_cast %min3A_7 : vector<16xi32> to vector<16x1xi32>
      %gather3A_587 = vector.shape_cast %broadcast_in_dim3A_586 : vector<16x1xi32> to vector<16xi32>
      %gather3A_588 = tpu.dynamic_gather %shift_right_arithmetic3A_585[%gather3A_587] in [0] : vector<16xi32>, vector<16xi32> -> vector<16xi32>
      %ne3A_589 = arith.cmpi ne, %shift_right_arithmetic3A_585, %gather3A_588 : vector<16xi32>
      %eq3A_590 = arith.constant 15 : i32
      %eq3A_591 = vector.broadcast %eq3A_590 : i32 to vector<16xi32>
      %eq3A_592 = arith.cmpi eq, %iota3A, %eq3A_591 : vector<16xi32>
      %or3A_593 = arith.ori %ne3A_589, %eq3A_592 : vector<16xi1>
      %and3A_594 = arith.constant 16383 : i32
      %and3A_595 = vector.broadcast %and3A_594 : i32 to vector<16xi32>
      %and3A_596 = arith.andi %sort3A_581, %and3A_595 : vector<16xi32>
      %add3A_597 = arith.constant 1 : i32
      %add3A_598 = vector.broadcast %add3A_597 : i32 to vector<16xi32>
      %add3A_599 = arith.addi %and3A_596, %add3A_598 : vector<16xi32>
      tpu.vector_store_idx %arg10[%shift_right_arithmetic3A_585], %add3A_599 masked %or3A_593 : memref<100352xi32, #tpu.memory_space<vmem>>[vector<16xi32>], vector<16xi32>, vector<16xi1>
      %mul3A_600 = arith.constant 4 : i32
      %mul3A_601 = arith.muli %scan3A_490, %mul3A_600 : i32
      %add3A_602 = arith.constant 3 : i32
      %add3A_603 = arith.addi %mul3A_601, %add3A_602 : i32
      %mul3A_604 = arith.constant 16 : i32
      %mul3A_605 = arith.muli %add3A_603, %mul3A_604 : i32
      %get3A_606 = arith.index_cast %mul3A_605 : i32 to index
      %get3A_607 = tpu.vector_load %arg12[%get3A_606] {strides = array<i32>} : memref<2048xi32, #tpu.memory_space<vmem>>, vector<16xi32>,
      %mul3A_608 = arith.constant 16 : i32
      %mul3A_609 = arith.muli %add3A_603, %mul3A_608 : i32
      %add3A_610 = arith.constant 12288 : i32
      %add3A_611 = arith.addi %add3A_610, %mul3A_609 : i32
      %add3A_612 = vector.broadcast %add3A_611 : i32 to vector<16xi32>
      %add3A_613 = arith.addi %add3A_612, %iota3A : vector<16xi32>
      %shift_left3A_614 = arith.constant 14 : i32
      %shift_left3A_615 = vector.broadcast %shift_left3A_614 : i32 to vector<16xi32>
      %shift_left3A_616 = arith.shli %get3A_607, %shift_left3A_615 : vector<16xi32>
      %or3A_617 = arith.ori %shift_left3A_616, %add3A_613 : vector<16xi32>
      %sort3A_618 = arith.constant dense<true> : vector<16xi1>
      %sort3A_619, %sort3A_620, %sort3A_621 = tpu.sort %or3A_617, %or3A_617 masked %sort3A_618 : (vector<16xi32>, vector<16xi32>, vector<16xi1>) -> (vector<16xi1>, vector<16xi32>, vector<16xi32>)
      %shift_right_arithmetic3A_622 = arith.constant 14 : i32
      %shift_right_arithmetic3A_623 = vector.broadcast %shift_right_arithmetic3A_622 : i32 to vector<16xi32>
      %shift_right_arithmetic3A_624 = arith.shrsi %sort3A_620, %shift_right_arithmetic3A_623 : vector<16xi32>
      %broadcast_in_dim3A_625 = vector.shape_cast %min3A_7 : vector<16xi32> to vector<16x1xi32>
      %gather3A_626 = vector.shape_cast %broadcast_in_dim3A_625 : vector<16x1xi32> to vector<16xi32>
      %gather3A_627 = tpu.dynamic_gather %shift_right_arithmetic3A_624[%gather3A_626] in [0] : vector<16xi32>, vector<16xi32> -> vector<16xi32>
      %ne3A_628 = arith.cmpi ne, %shift_right_arithmetic3A_624, %gather3A_627 : vector<16xi32>
      %eq3A_629 = arith.constant 15 : i32
      %eq3A_630 = vector.broadcast %eq3A_629 : i32 to vector<16xi32>
      %eq3A_631 = arith.cmpi eq, %iota3A, %eq3A_630 : vector<16xi32>
      %or3A_632 = arith.ori %ne3A_628, %eq3A_631 : vector<16xi1>
      %and3A_633 = arith.constant 16383 : i32
      %and3A_634 = vector.broadcast %and3A_633 : i32 to vector<16xi32>
      %and3A_635 = arith.andi %sort3A_620, %and3A_634 : vector<16xi32>
      %add3A_636 = arith.constant 1 : i32
      %add3A_637 = vector.broadcast %add3A_636 : i32 to vector<16xi32>
      %add3A_638 = arith.addi %and3A_635, %add3A_637 : vector<16xi32>
      tpu.vector_store_idx %arg10[%shift_right_arithmetic3A_624], %add3A_638 masked %or3A_632 : memref<100352xi32, #tpu.memory_space<vmem>>[vector<16xi32>], vector<16xi32>, vector<16xi1>
    }
    %scan3A_176 = arith.constant 32 : i32
    %dma_wait3A_177 = arith.constant 384 : i32
    %dma_wait3A_178 = tpu.memref_slice %arg11[%dma_wait3A_177] : memref<512xi32, #tpu.memory_space<vmem>> -> memref<64xi32, #tpu.memory_space<vmem>>
    %dma_wait3A_179 = arith.constant 0 : i32
    %dma_wait3A_180 = arith.constant 0 : i32
    %dma_wait3A_181 = tpu.memref_slice %arg4[%dma_wait3A_179, %dma_wait3A_180] : memref<100000x128xf32, #tpu.memory_space<hbm>> -> memref<100000x128xf32, #tpu.memory_space<hbm>>
    tpu.wait_indirect_dma semaphore(%arg16 : memref<!tpu.dma_semaphore, #tpu.memory_space<semaphore_mem>>) src(%dma_wait3A_181 : memref<100000x128xf32, #tpu.memory_space<hbm>>) dst(%arg14 : memref<64x128xf32, #tpu.memory_space<vmem>>)
    %add3A_182 = arith.constant 384 : i32
    %add3A_183 = arith.addi %mul3A_2, %add3A_182 : i32
    %dma_start3A_184 = arith.constant 0 : i32
    %dma_start3A_185 = tpu.memref_slice %arg8[%add3A_183, %dma_start3A_184] : memref<18432x128xf32, #tpu.memory_space<hbm>> -> memref<64x128xf32, #tpu.memory_space<hbm>>
    %dma_start3A_186 = arith.constant 0 : i32
    %dma_start3A_187 = tpu.memref_slice %arg8[%add3A_183, %dma_start3A_186] : memref<18432x128xf32, #tpu.memory_space<hbm>> -> memref<64x128xf32, #tpu.memory_space<hbm>>
    tpu.enqueue_dma source(%arg14 : memref<64x128xf32, #tpu.memory_space<vmem>>) target(%dma_start3A_187 : memref<64x128xf32, #tpu.memory_space<hbm>>) target_semaphore(%arg18 : memref<!tpu.dma_semaphore, #tpu.memory_space<semaphore_mem>>)
    %dma_wait3A_188 = arith.constant 0 : i32
    %dma_wait3A_189 = tpu.memref_slice %arg8[%add3A_157, %dma_wait3A_188] : memref<18432x128xf32, #tpu.memory_space<hbm>> -> memref<64x128xf32, #tpu.memory_space<hbm>>
    %dma_wait3A_190 = arith.constant 0 : i32
    %dma_wait3A_191 = tpu.memref_slice %arg8[%add3A_157, %dma_wait3A_190] : memref<18432x128xf32, #tpu.memory_space<hbm>> -> memref<64x128xf32, #tpu.memory_space<hbm>>
    tpu.wait_dma2 semaphore(%arg19 : memref<!tpu.dma_semaphore, #tpu.memory_space<semaphore_mem>>) src(%arg15 : memref<64x128xf32, #tpu.memory_space<vmem>>) dst(%dma_wait3A_191 : memref<64x128xf32, #tpu.memory_space<hbm>>)
    %dma_start3A_192 = arith.constant 448 : i32
    %dma_start3A_193 = tpu.memref_slice %arg11[%dma_start3A_192] : memref<512xi32, #tpu.memory_space<vmem>> -> memref<64xi32, #tpu.memory_space<vmem>>
    %dma_start3A_194 = arith.constant 0 : i32
    %dma_start3A_195 = arith.constant 0 : i32
    %dma_start3A_196 = tpu.memref_slice %arg4[%dma_start3A_194, %dma_start3A_195] : memref<100000x128xf32, #tpu.memory_space<hbm>> -> memref<100000x128xf32, #tpu.memory_space<hbm>>
    tpu.enqueue_indirect_dma source(%dma_start3A_196 : memref<100000x128xf32, #tpu.memory_space<hbm>>) target(%arg15 : memref<64x128xf32, #tpu.memory_space<vmem>>) offsets(%dma_start3A_193 : memref<64xi32, #tpu.memory_space<vmem>>) semaphore(%arg17 : memref<!tpu.dma_semaphore, #tpu.memory_space<semaphore_mem>>)
    "tpu.region"() ({
      %run_scoped3A = tpu.sem_alloc : memref<!tpu.dma_semaphore, #tpu.memory_space<semaphore_mem>>
      %dma_start3A_490 = arith.constant 14336 : i32
      %dma_start3A_491 = tpu.memref_slice %arg2[%dma_start3A_490] : memref<16384xi32, #tpu.memory_space<hbm>> -> memref<2048xi32, #tpu.memory_space<hbm>>
      %dma_start3A_492 = arith.constant 14336 : i32
      %dma_start3A_493 = tpu.memref_slice %arg2[%dma_start3A_492] : memref<16384xi32, #tpu.memory_space<hbm>> -> memref<2048xi32, #tpu.memory_space<hbm>>
      tpu.enqueue_dma source(%dma_start3A_493 : memref<2048xi32, #tpu.memory_space<hbm>>) target(%arg12 : memref<2048xi32, #tpu.memory_space<vmem>>) target_semaphore(%run_scoped3A : memref<!tpu.dma_semaphore, #tpu.memory_space<semaphore_mem>>)
      %dma_wait3A_494 = arith.constant 14336 : i32
      %dma_wait3A_495 = tpu.memref_slice %arg2[%dma_wait3A_494] : memref<16384xi32, #tpu.memory_space<hbm>> -> memref<2048xi32, #tpu.memory_space<hbm>>
      %dma_wait3A_496 = arith.constant 14336 : i32
      %dma_wait3A_497 = tpu.memref_slice %arg2[%dma_wait3A_496] : memref<16384xi32, #tpu.memory_space<hbm>> -> memref<2048xi32, #tpu.memory_space<hbm>>
      tpu.wait_dma2 semaphore(%run_scoped3A : memref<!tpu.dma_semaphore, #tpu.memory_space<semaphore_mem>>) src(%dma_wait3A_497 : memref<2048xi32, #tpu.memory_space<hbm>>) dst(%arg12 : memref<2048xi32, #tpu.memory_space<vmem>>)
      tpu.yield
    }) : () -> ()
    %scan3A_197 = arith.constant 0 : i32
    %scan3A_198 = arith.constant 0 : i32
    %scan3A_199 = arith.constant 32 : i32
    %scan3A_200 = arith.addi %scan3A_198, %scan3A_199 : i32
    %scan3A_201 = arith.constant 1 : i32
    scf.for %scan3A_490 = %scan3A_198 to %scan3A_200 step %scan3A_201  : i32 {
      %mul3A_491 = arith.constant 4 : i32
      %mul3A_492 = arith.muli %scan3A_490, %mul3A_491 : i32
      %add3A_493 = arith.constant 0 : i32
      %add3A_494 = arith.addi %mul3A_492, %add3A_493 : i32
      %mul3A_495 = arith.constant 16 : i32
      %mul3A_496 = arith.muli %add3A_494, %mul3A_495 : i32
      %get3A_497 = arith.index_cast %mul3A_496 : i32 to index
      %get3A_498 = tpu.vector_load %arg12[%get3A_497] {strides = array<i32>} : memref<2048xi32, #tpu.memory_space<vmem>>, vector<16xi32>,
      %mul3A_499 = arith.constant 16 : i32
      %mul3A_500 = arith.muli %add3A_494, %mul3A_499 : i32
      %add3A_501 = arith.constant 14336 : i32
      %add3A_502 = arith.addi %add3A_501, %mul3A_500 : i32
      %add3A_503 = vector.broadcast %add3A_502 : i32 to vector<16xi32>
      %add3A_504 = arith.addi %add3A_503, %iota3A : vector<16xi32>
      %shift_left3A = arith.constant 14 : i32
      %shift_left3A_505 = vector.broadcast %shift_left3A : i32 to vector<16xi32>
      %shift_left3A_506 = arith.shli %get3A_498, %shift_left3A_505 : vector<16xi32>
      %or3A = arith.ori %shift_left3A_506, %add3A_504 : vector<16xi32>
      %sort3A = arith.constant dense<true> : vector<16xi1>
      %sort3A_507, %sort3A_508, %sort3A_509 = tpu.sort %or3A, %or3A masked %sort3A : (vector<16xi32>, vector<16xi32>, vector<16xi1>) -> (vector<16xi1>, vector<16xi32>, vector<16xi32>)
      %shift_right_arithmetic3A = arith.constant 14 : i32
      %shift_right_arithmetic3A_510 = vector.broadcast %shift_right_arithmetic3A : i32 to vector<16xi32>
      %shift_right_arithmetic3A_511 = arith.shrsi %sort3A_508, %shift_right_arithmetic3A_510 : vector<16xi32>
      %broadcast_in_dim3A_512 = vector.shape_cast %min3A_7 : vector<16xi32> to vector<16x1xi32>
      %gather3A = vector.shape_cast %broadcast_in_dim3A_512 : vector<16x1xi32> to vector<16xi32>
      %gather3A_513 = tpu.dynamic_gather %shift_right_arithmetic3A_511[%gather3A] in [0] : vector<16xi32>, vector<16xi32> -> vector<16xi32>
      %ne3A = arith.cmpi ne, %shift_right_arithmetic3A_511, %gather3A_513 : vector<16xi32>
      %eq3A = arith.constant 15 : i32
      %eq3A_514 = vector.broadcast %eq3A : i32 to vector<16xi32>
      %eq3A_515 = arith.cmpi eq, %iota3A, %eq3A_514 : vector<16xi32>
      %or3A_516 = arith.ori %ne3A, %eq3A_515 : vector<16xi1>
      %and3A = arith.constant 16383 : i32
      %and3A_517 = vector.broadcast %and3A : i32 to vector<16xi32>
      %and3A_518 = arith.andi %sort3A_508, %and3A_517 : vector<16xi32>
      %add3A_519 = arith.constant 1 : i32
      %add3A_520 = vector.broadcast %add3A_519 : i32 to vector<16xi32>
      %add3A_521 = arith.addi %and3A_518, %add3A_520 : vector<16xi32>
      tpu.vector_store_idx %arg10[%shift_right_arithmetic3A_511], %add3A_521 masked %or3A_516 : memref<100352xi32, #tpu.memory_space<vmem>>[vector<16xi32>], vector<16xi32>, vector<16xi1>
      %mul3A_522 = arith.constant 4 : i32
      %mul3A_523 = arith.muli %scan3A_490, %mul3A_522 : i32
      %add3A_524 = arith.constant 1 : i32
      %add3A_525 = arith.addi %mul3A_523, %add3A_524 : i32
      %mul3A_526 = arith.constant 16 : i32
      %mul3A_527 = arith.muli %add3A_525, %mul3A_526 : i32
      %get3A_528 = arith.index_cast %mul3A_527 : i32 to index
      %get3A_529 = tpu.vector_load %arg12[%get3A_528] {strides = array<i32>} : memref<2048xi32, #tpu.memory_space<vmem>>, vector<16xi32>,
      %mul3A_530 = arith.constant 16 : i32
      %mul3A_531 = arith.muli %add3A_525, %mul3A_530 : i32
      %add3A_532 = arith.constant 14336 : i32
      %add3A_533 = arith.addi %add3A_532, %mul3A_531 : i32
      %add3A_534 = vector.broadcast %add3A_533 : i32 to vector<16xi32>
      %add3A_535 = arith.addi %add3A_534, %iota3A : vector<16xi32>
      %shift_left3A_536 = arith.constant 14 : i32
      %shift_left3A_537 = vector.broadcast %shift_left3A_536 : i32 to vector<16xi32>
      %shift_left3A_538 = arith.shli %get3A_529, %shift_left3A_537 : vector<16xi32>
      %or3A_539 = arith.ori %shift_left3A_538, %add3A_535 : vector<16xi32>
      %sort3A_540 = arith.constant dense<true> : vector<16xi1>
      %sort3A_541, %sort3A_542, %sort3A_543 = tpu.sort %or3A_539, %or3A_539 masked %sort3A_540 : (vector<16xi32>, vector<16xi32>, vector<16xi1>) -> (vector<16xi1>, vector<16xi32>, vector<16xi32>)
      %shift_right_arithmetic3A_544 = arith.constant 14 : i32
      %shift_right_arithmetic3A_545 = vector.broadcast %shift_right_arithmetic3A_544 : i32 to vector<16xi32>
      %shift_right_arithmetic3A_546 = arith.shrsi %sort3A_542, %shift_right_arithmetic3A_545 : vector<16xi32>
      %broadcast_in_dim3A_547 = vector.shape_cast %min3A_7 : vector<16xi32> to vector<16x1xi32>
      %gather3A_548 = vector.shape_cast %broadcast_in_dim3A_547 : vector<16x1xi32> to vector<16xi32>
      %gather3A_549 = tpu.dynamic_gather %shift_right_arithmetic3A_546[%gather3A_548] in [0] : vector<16xi32>, vector<16xi32> -> vector<16xi32>
      %ne3A_550 = arith.cmpi ne, %shift_right_arithmetic3A_546, %gather3A_549 : vector<16xi32>
      %eq3A_551 = arith.constant 15 : i32
      %eq3A_552 = vector.broadcast %eq3A_551 : i32 to vector<16xi32>
      %eq3A_553 = arith.cmpi eq, %iota3A, %eq3A_552 : vector<16xi32>
      %or3A_554 = arith.ori %ne3A_550, %eq3A_553 : vector<16xi1>
      %and3A_555 = arith.constant 16383 : i32
      %and3A_556 = vector.broadcast %and3A_555 : i32 to vector<16xi32>
      %and3A_557 = arith.andi %sort3A_542, %and3A_556 : vector<16xi32>
      %add3A_558 = arith.constant 1 : i32
      %add3A_559 = vector.broadcast %add3A_558 : i32 to vector<16xi32>
      %add3A_560 = arith.addi %and3A_557, %add3A_559 : vector<16xi32>
      tpu.vector_store_idx %arg10[%shift_right_arithmetic3A_546], %add3A_560 masked %or3A_554 : memref<100352xi32, #tpu.memory_space<vmem>>[vector<16xi32>], vector<16xi32>, vector<16xi1>
      %mul3A_561 = arith.constant 4 : i32
      %mul3A_562 = arith.muli %scan3A_490, %mul3A_561 : i32
      %add3A_563 = arith.constant 2 : i32
      %add3A_564 = arith.addi %mul3A_562, %add3A_563 : i32
      %mul3A_565 = arith.constant 16 : i32
      %mul3A_566 = arith.muli %add3A_564, %mul3A_565 : i32
      %get3A_567 = arith.index_cast %mul3A_566 : i32 to index
      %get3A_568 = tpu.vector_load %arg12[%get3A_567] {strides = array<i32>} : memref<2048xi32, #tpu.memory_space<vmem>>, vector<16xi32>,
      %mul3A_569 = arith.constant 16 : i32
      %mul3A_570 = arith.muli %add3A_564, %mul3A_569 : i32
      %add3A_571 = arith.constant 14336 : i32
      %add3A_572 = arith.addi %add3A_571, %mul3A_570 : i32
      %add3A_573 = vector.broadcast %add3A_572 : i32 to vector<16xi32>
      %add3A_574 = arith.addi %add3A_573, %iota3A : vector<16xi32>
      %shift_left3A_575 = arith.constant 14 : i32
      %shift_left3A_576 = vector.broadcast %shift_left3A_575 : i32 to vector<16xi32>
      %shift_left3A_577 = arith.shli %get3A_568, %shift_left3A_576 : vector<16xi32>
      %or3A_578 = arith.ori %shift_left3A_577, %add3A_574 : vector<16xi32>
      %sort3A_579 = arith.constant dense<true> : vector<16xi1>
      %sort3A_580, %sort3A_581, %sort3A_582 = tpu.sort %or3A_578, %or3A_578 masked %sort3A_579 : (vector<16xi32>, vector<16xi32>, vector<16xi1>) -> (vector<16xi1>, vector<16xi32>, vector<16xi32>)
      %shift_right_arithmetic3A_583 = arith.constant 14 : i32
      %shift_right_arithmetic3A_584 = vector.broadcast %shift_right_arithmetic3A_583 : i32 to vector<16xi32>
      %shift_right_arithmetic3A_585 = arith.shrsi %sort3A_581, %shift_right_arithmetic3A_584 : vector<16xi32>
      %broadcast_in_dim3A_586 = vector.shape_cast %min3A_7 : vector<16xi32> to vector<16x1xi32>
      %gather3A_587 = vector.shape_cast %broadcast_in_dim3A_586 : vector<16x1xi32> to vector<16xi32>
      %gather3A_588 = tpu.dynamic_gather %shift_right_arithmetic3A_585[%gather3A_587] in [0] : vector<16xi32>, vector<16xi32> -> vector<16xi32>
      %ne3A_589 = arith.cmpi ne, %shift_right_arithmetic3A_585, %gather3A_588 : vector<16xi32>
      %eq3A_590 = arith.constant 15 : i32
      %eq3A_591 = vector.broadcast %eq3A_590 : i32 to vector<16xi32>
      %eq3A_592 = arith.cmpi eq, %iota3A, %eq3A_591 : vector<16xi32>
      %or3A_593 = arith.ori %ne3A_589, %eq3A_592 : vector<16xi1>
      %and3A_594 = arith.constant 16383 : i32
      %and3A_595 = vector.broadcast %and3A_594 : i32 to vector<16xi32>
      %and3A_596 = arith.andi %sort3A_581, %and3A_595 : vector<16xi32>
      %add3A_597 = arith.constant 1 : i32
      %add3A_598 = vector.broadcast %add3A_597 : i32 to vector<16xi32>
      %add3A_599 = arith.addi %and3A_596, %add3A_598 : vector<16xi32>
      tpu.vector_store_idx %arg10[%shift_right_arithmetic3A_585], %add3A_599 masked %or3A_593 : memref<100352xi32, #tpu.memory_space<vmem>>[vector<16xi32>], vector<16xi32>, vector<16xi1>
      %mul3A_600 = arith.constant 4 : i32
      %mul3A_601 = arith.muli %scan3A_490, %mul3A_600 : i32
      %add3A_602 = arith.constant 3 : i32
      %add3A_603 = arith.addi %mul3A_601, %add3A_602 : i32
      %mul3A_604 = arith.constant 16 : i32
      %mul3A_605 = arith.muli %add3A_603, %mul3A_604 : i32
      %get3A_606 = arith.index_cast %mul3A_605 : i32 to index
      %get3A_607 = tpu.vector_load %arg12[%get3A_606] {strides = array<i32>} : memref<2048xi32, #tpu.memory_space<vmem>>, vector<16xi32>,
      %mul3A_608 = arith.constant 16 : i32
      %mul3A_609 = arith.muli %add3A_603, %mul3A_608 : i32
      %add3A_610 = arith.constant 14336 : i32
      %add3A_611 = arith.addi %add3A_610, %mul3A_609 : i32
      %add3A_612 = vector.broadcast %add3A_611 : i32 to vector<16xi32>
      %add3A_613 = arith.addi %add3A_612, %iota3A : vector<16xi32>
      %shift_left3A_614 = arith.constant 14 : i32
      %shift_left3A_615 = vector.broadcast %shift_left3A_614 : i32 to vector<16xi32>
      %shift_left3A_616 = arith.shli %get3A_607, %shift_left3A_615 : vector<16xi32>
      %or3A_617 = arith.ori %shift_left3A_616, %add3A_613 : vector<16xi32>
      %sort3A_618 = arith.constant dense<true> : vector<16xi1>
      %sort3A_619, %sort3A_620, %sort3A_621 = tpu.sort %or3A_617, %or3A_617 masked %sort3A_618 : (vector<16xi32>, vector<16xi32>, vector<16xi1>) -> (vector<16xi1>, vector<16xi32>, vector<16xi32>)
      %shift_right_arithmetic3A_622 = arith.constant 14 : i32
      %shift_right_arithmetic3A_623 = vector.broadcast %shift_right_arithmetic3A_622 : i32 to vector<16xi32>
      %shift_right_arithmetic3A_624 = arith.shrsi %sort3A_620, %shift_right_arithmetic3A_623 : vector<16xi32>
      %broadcast_in_dim3A_625 = vector.shape_cast %min3A_7 : vector<16xi32> to vector<16x1xi32>
      %gather3A_626 = vector.shape_cast %broadcast_in_dim3A_625 : vector<16x1xi32> to vector<16xi32>
      %gather3A_627 = tpu.dynamic_gather %shift_right_arithmetic3A_624[%gather3A_626] in [0] : vector<16xi32>, vector<16xi32> -> vector<16xi32>
      %ne3A_628 = arith.cmpi ne, %shift_right_arithmetic3A_624, %gather3A_627 : vector<16xi32>
      %eq3A_629 = arith.constant 15 : i32
      %eq3A_630 = vector.broadcast %eq3A_629 : i32 to vector<16xi32>
      %eq3A_631 = arith.cmpi eq, %iota3A, %eq3A_630 : vector<16xi32>
      %or3A_632 = arith.ori %ne3A_628, %eq3A_631 : vector<16xi1>
      %and3A_633 = arith.constant 16383 : i32
      %and3A_634 = vector.broadcast %and3A_633 : i32 to vector<16xi32>
      %and3A_635 = arith.andi %sort3A_620, %and3A_634 : vector<16xi32>
      %add3A_636 = arith.constant 1 : i32
      %add3A_637 = vector.broadcast %add3A_636 : i32 to vector<16xi32>
      %add3A_638 = arith.addi %and3A_635, %add3A_637 : vector<16xi32>
      tpu.vector_store_idx %arg10[%shift_right_arithmetic3A_624], %add3A_638 masked %or3A_632 : memref<100352xi32, #tpu.memory_space<vmem>>[vector<16xi32>], vector<16xi32>, vector<16xi1>
    }
    %scan3A_202 = arith.constant 32 : i32
    %dma_wait3A_203 = arith.constant 448 : i32
    %dma_wait3A_204 = tpu.memref_slice %arg11[%dma_wait3A_203] : memref<512xi32, #tpu.memory_space<vmem>> -> memref<64xi32, #tpu.memory_space<vmem>>
    %dma_wait3A_205 = arith.constant 0 : i32
    %dma_wait3A_206 = arith.constant 0 : i32
    %dma_wait3A_207 = tpu.memref_slice %arg4[%dma_wait3A_205, %dma_wait3A_206] : memref<100000x128xf32, #tpu.memory_space<hbm>> -> memref<100000x128xf32, #tpu.memory_space<hbm>>
    tpu.wait_indirect_dma semaphore(%arg17 : memref<!tpu.dma_semaphore, #tpu.memory_space<semaphore_mem>>) src(%dma_wait3A_207 : memref<100000x128xf32, #tpu.memory_space<hbm>>) dst(%arg15 : memref<64x128xf32, #tpu.memory_space<vmem>>)
    %add3A_208 = arith.constant 448 : i32
    %add3A_209 = arith.addi %mul3A_2, %add3A_208 : i32
    %dma_start3A_210 = arith.constant 0 : i32
    %dma_start3A_211 = tpu.memref_slice %arg8[%add3A_209, %dma_start3A_210] : memref<18432x128xf32, #tpu.memory_space<hbm>> -> memref<64x128xf32, #tpu.memory_space<hbm>>
    %dma_start3A_212 = arith.constant 0 : i32
    %dma_start3A_213 = tpu.memref_slice %arg8[%add3A_209, %dma_start3A_212] : memref<18432x128xf32, #tpu.memory_space<hbm>> -> memref<64x128xf32, #tpu.memory_space<hbm>>
    tpu.enqueue_dma source(%arg15 : memref<64x128xf32, #tpu.memory_space<vmem>>) target(%dma_start3A_213 : memref<64x128xf32, #tpu.memory_space<hbm>>) target_semaphore(%arg19 : memref<!tpu.dma_semaphore, #tpu.memory_space<semaphore_mem>>)
    %dma_wait3A_214 = arith.constant 0 : i32
    %dma_wait3A_215 = tpu.memref_slice %arg8[%add3A_183, %dma_wait3A_214] : memref<18432x128xf32, #tpu.memory_space<hbm>> -> memref<64x128xf32, #tpu.memory_space<hbm>>
    %dma_wait3A_216 = arith.constant 0 : i32
    %dma_wait3A_217 = tpu.memref_slice %arg8[%add3A_183, %dma_wait3A_216] : memref<18432x128xf32, #tpu.memory_space<hbm>> -> memref<64x128xf32, #tpu.memory_space<hbm>>
    tpu.wait_dma2 semaphore(%arg18 : memref<!tpu.dma_semaphore, #tpu.memory_space<semaphore_mem>>) src(%arg14 : memref<64x128xf32, #tpu.memory_space<vmem>>) dst(%dma_wait3A_217 : memref<64x128xf32, #tpu.memory_space<hbm>>)
    %dma_wait3A_218 = arith.constant 0 : i32
    %dma_wait3A_219 = tpu.memref_slice %arg8[%add3A_209, %dma_wait3A_218] : memref<18432x128xf32, #tpu.memory_space<hbm>> -> memref<64x128xf32, #tpu.memory_space<hbm>>
    %dma_wait3A_220 = arith.constant 0 : i32
    %dma_wait3A_221 = tpu.memref_slice %arg8[%add3A_209, %dma_wait3A_220] : memref<18432x128xf32, #tpu.memory_space<hbm>> -> memref<64x128xf32, #tpu.memory_space<hbm>>
    tpu.wait_dma2 semaphore(%arg19 : memref<!tpu.dma_semaphore, #tpu.memory_space<semaphore_mem>>) src(%arg15 : memref<64x128xf32, #tpu.memory_space<vmem>>) dst(%dma_wait3A_221 : memref<64x128xf32, #tpu.memory_space<hbm>>)
    %scan3A_222 = arith.constant 0 : i32
    %scan3A_223 = arith.constant 0 : i32
    %scan3A_224 = arith.constant 32 : i32
    %scan3A_225 = arith.addi %scan3A_223, %scan3A_224 : i32
    %scan3A_226 = arith.constant 1 : i32
    scf.for %scan3A_490 = %scan3A_223 to %scan3A_225 step %scan3A_226  : i32 {
      %mul3A_491 = arith.constant 16 : i32
      %mul3A_492 = arith.muli %scan3A_490, %mul3A_491 : i32
      %get3A_493 = arith.index_cast %mul3A_492 : i32 to index
      %get3A_494 = tpu.vector_load %arg11[%get3A_493] {strides = array<i32>} : memref<512xi32, #tpu.memory_space<vmem>>, vector<16xi32>,
      %gather3A = tpu.vector_load_idx %arg10[%get3A_494] : memref<100352xi32, #tpu.memory_space<vmem>>[vector<16xi32>], vector<16xi32>,
      %gt3A_495 = arith.constant 0 : i32
      %gt3A_496 = vector.broadcast %gt3A_495 : i32 to vector<16xi32>
      %gt3A_497 = arith.cmpi sgt, %gather3A, %gt3A_496 : vector<16xi32>
      %sub3A = arith.constant 1 : i32
      %sub3A_498 = vector.broadcast %sub3A : i32 to vector<16xi32>
      %sub3A_499 = arith.subi %gather3A, %sub3A_498 : vector<16xi32>
      %mul3A_500 = arith.constant 16 : i32
      %mul3A_501 = arith.muli %scan3A_490, %mul3A_500 : i32
      %add3A_502 = arith.addi %mul3A_2, %mul3A_501 : i32
      %add3A_503 = vector.broadcast %add3A_502 : i32 to vector<16xi32>
      %add3A_504 = arith.addi %add3A_503, %iota3A : vector<16xi32>
      %select_n3A = arith.select %gt3A_497, %sub3A_499, %add3A_504 : vector<16xi1>, vector<16xi32>
      %mul3A_505 = arith.constant 16 : i32
      %mul3A_506 = arith.muli %scan3A_490, %mul3A_505 : i32
      %swap3A_507 = arith.index_cast %mul3A_506 : i32 to index
      %swap3A_508 = tpu.vector_load %arg13[%swap3A_507] {strides = array<i32>} : memref<512xi32, #tpu.memory_space<vmem>>, vector<16xi32>,
      tpu.vector_store %arg13[%swap3A_507], %gather3A {strides = array<i32>} : memref<512xi32, #tpu.memory_space<vmem>>, vector<16xi32>,
      %mul3A_509 = arith.constant 16 : i32
      %mul3A_510 = arith.muli %scan3A_490, %mul3A_509 : i32
      %add3A_511 = vector.broadcast %mul3A_510 : i32 to vector<16xi32>
      %add3A_512 = arith.addi %add3A_511, %iota3A : vector<16xi32>
      %add3A_513 = arith.constant 0 : i32
      %add3A_514 = vector.broadcast %add3A_513 : i32 to vector<16xi32>
      %add3A_515 = arith.addi %add3A_512, %add3A_514 : vector<16xi32>
      %add3A_516 = arith.constant 0 : i32
      %add3A_517 = vector.broadcast %add3A_516 : i32 to vector<16xi32>
      %add3A_518 = arith.addi %add3A_517, %get3A_494 : vector<16xi32>
      tpu.vector_store_idx %arg20[%add3A_515], %add3A_518 masked %ge3A_10 : memref<2048xi32, #tpu.memory_space<vmem>>[vector<16xi32>], vector<16xi32>, vector<16xi1>
      %add3A_519 = arith.constant 0 : i32
      %add3A_520 = vector.broadcast %add3A_519 : i32 to vector<16xi32>
      %add3A_521 = arith.addi %add3A_512, %add3A_520 : vector<16xi32>
      %add3A_522 = arith.constant 0 : i32
      %add3A_523 = vector.broadcast %add3A_522 : i32 to vector<16xi32>
      %add3A_524 = arith.addi %add3A_523, %select_n3A : vector<16xi32>
      tpu.vector_store_idx %arg21[%add3A_521], %add3A_524 masked %ge3A_10 : memref<2048xi32, #tpu.memory_space<vmem>>[vector<16xi32>], vector<16xi32>, vector<16xi1>
      %add3A_525 = arith.constant 512 : i32
      %add3A_526 = vector.broadcast %add3A_525 : i32 to vector<16xi32>
      %add3A_527 = arith.addi %add3A_512, %add3A_526 : vector<16xi32>
      %add3A_528 = arith.constant 100000 : i32
      %add3A_529 = vector.broadcast %add3A_528 : i32 to vector<16xi32>
      %add3A_530 = arith.addi %add3A_529, %get3A_494 : vector<16xi32>
      tpu.vector_store_idx %arg20[%add3A_527], %add3A_530 masked %ge3A_10 : memref<2048xi32, #tpu.memory_space<vmem>>[vector<16xi32>], vector<16xi32>, vector<16xi1>
      %add3A_531 = arith.constant 512 : i32
      %add3A_532 = vector.broadcast %add3A_531 : i32 to vector<16xi32>
      %add3A_533 = arith.addi %add3A_512, %add3A_532 : vector<16xi32>
      %add3A_534 = arith.constant 16384 : i32
      %add3A_535 = vector.broadcast %add3A_534 : i32 to vector<16xi32>
      %add3A_536 = arith.addi %add3A_535, %select_n3A : vector<16xi32>
      tpu.vector_store_idx %arg21[%add3A_533], %add3A_536 masked %ge3A_10 : memref<2048xi32, #tpu.memory_space<vmem>>[vector<16xi32>], vector<16xi32>, vector<16xi1>
      %add3A_537 = arith.constant 1024 : i32
      %add3A_538 = vector.broadcast %add3A_537 : i32 to vector<16xi32>
      %add3A_539 = arith.addi %add3A_512, %add3A_538 : vector<16xi32>
      %add3A_540 = arith.constant 200000 : i32
      %add3A_541 = vector.broadcast %add3A_540 : i32 to vector<16xi32>
      %add3A_542 = arith.addi %add3A_541, %get3A_494 : vector<16xi32>
      tpu.vector_store_idx %arg20[%add3A_539], %add3A_542 masked %ge3A_10 : memref<2048xi32, #tpu.memory_space<vmem>>[vector<16xi32>], vector<16xi32>, vector<16xi1>
      %add3A_543 = arith.constant 1024 : i32
      %add3A_544 = vector.broadcast %add3A_543 : i32 to vector<16xi32>
      %add3A_545 = arith.addi %add3A_512, %add3A_544 : vector<16xi32>
      %add3A_546 = arith.constant 32768 : i32
      %add3A_547 = vector.broadcast %add3A_546 : i32 to vector<16xi32>
      %add3A_548 = arith.addi %add3A_547, %select_n3A : vector<16xi32>
      tpu.vector_store_idx %arg21[%add3A_545], %add3A_548 masked %ge3A_10 : memref<2048xi32, #tpu.memory_space<vmem>>[vector<16xi32>], vector<16xi32>, vector<16xi1>
      %add3A_549 = arith.constant 1536 : i32
      %add3A_550 = vector.broadcast %add3A_549 : i32 to vector<16xi32>
      %add3A_551 = arith.addi %add3A_512, %add3A_550 : vector<16xi32>
      %add3A_552 = arith.constant 300000 : i32
      %add3A_553 = vector.broadcast %add3A_552 : i32 to vector<16xi32>
      %add3A_554 = arith.addi %add3A_553, %get3A_494 : vector<16xi32>
      tpu.vector_store_idx %arg20[%add3A_551], %add3A_554 masked %ge3A_10 : memref<2048xi32, #tpu.memory_space<vmem>>[vector<16xi32>], vector<16xi32>, vector<16xi1>
      %add3A_555 = arith.constant 1536 : i32
      %add3A_556 = vector.broadcast %add3A_555 : i32 to vector<16xi32>
      %add3A_557 = arith.addi %add3A_512, %add3A_556 : vector<16xi32>
      %add3A_558 = arith.constant 49152 : i32
      %add3A_559 = vector.broadcast %add3A_558 : i32 to vector<16xi32>
      %add3A_560 = arith.addi %add3A_559, %select_n3A : vector<16xi32>
      tpu.vector_store_idx %arg21[%add3A_557], %add3A_560 masked %ge3A_10 : memref<2048xi32, #tpu.memory_space<vmem>>[vector<16xi32>], vector<16xi32>, vector<16xi1>
    }
    %scan3A_227 = arith.constant 32 : i32
    %scan3A_228 = arith.constant 0 : i32
    %scan3A_229 = arith.constant 0 : i32
    %scan3A_230 = arith.constant 32 : i32
    %scan3A_231 = arith.addi %scan3A_229, %scan3A_230 : i32
    %scan3A_232 = arith.constant 1 : i32
    scf.for %scan3A_490 = %scan3A_229 to %scan3A_231 step %scan3A_232  : i32 {
      %mul3A_491 = arith.constant 16 : i32
      %mul3A_492 = arith.muli %scan3A_490, %mul3A_491 : i32
      %add3A_493 = arith.addi %mul3A_2, %mul3A_492 : i32
      %add3A_494 = vector.broadcast %add3A_493 : i32 to vector<16xi32>
      %add3A_495 = arith.addi %add3A_494, %iota3A : vector<16xi32>
      %mul3A_496 = arith.constant 16 : i32
      %mul3A_497 = arith.muli %scan3A_490, %mul3A_496 : i32
      %swap3A_498 = arith.index_cast %mul3A_497 : i32 to index
      %swap3A_499 = tpu.vector_load %arg24[%swap3A_498] {strides = array<i32>} : memref<528xi32, #tpu.memory_space<vmem>>, vector<16xi32>,
      tpu.vector_store %arg24[%swap3A_498], %add3A_495 {strides = array<i32>} : memref<528xi32, #tpu.memory_space<vmem>>, vector<16xi32>,
      %mul3A_500 = arith.constant 16 : i32
      %mul3A_501 = arith.muli %scan3A_490, %mul3A_500 : i32
      %add3A_502 = arith.addi %mul3A_2, %mul3A_501 : i32
      %add3A_503 = vector.broadcast %add3A_502 : i32 to vector<16xi32>
      %add3A_504 = arith.addi %add3A_503, %iota3A : vector<16xi32>
      %jit3A = arith.constant 2048 : i32
      %eq3A = arith.constant 0 : i32
      %eq3A_505 = arith.cmpi eq, %jit3A, %eq3A : i32
      %jit3A_506 = arith.constant 1 : i32
      %select_n3A = arith.select %eq3A_505, %jit3A_506, %jit3A : i32
      %rem3A = vector.broadcast %select_n3A : i32 to vector<16xi32>
      %rem3A_507 = arith.remsi %add3A_504, %rem3A : vector<16xi32>
      %ne3A = arith.constant 0 : i32
      %ne3A_508 = vector.broadcast %ne3A : i32 to vector<16xi32>
      %ne3A_509 = arith.cmpi ne, %rem3A_507, %ne3A_508 : vector<16xi32>
      %lt3A = arith.constant 0 : i32
      %lt3A_510 = vector.broadcast %lt3A : i32 to vector<16xi32>
      %lt3A_511 = arith.cmpi slt, %rem3A_507, %lt3A_510 : vector<16xi32>
      %lt3A_512 = arith.constant 0 : i32
      %lt3A_513 = arith.cmpi slt, %select_n3A, %lt3A_512 : i32
      %ne3A_514 = vector.broadcast %lt3A_513 : i1 to vector<16xi1>
      %ne3A_515 = vector.broadcast %ne3A_514 : vector<16xi1> to vector<16xi1>
      %ne3A_516 = arith.xori %lt3A_511, %ne3A_515 : vector<16xi1>
      %and3A = arith.andi %ne3A_516, %ne3A_509 : vector<16xi1>
      %add3A_517 = vector.broadcast %select_n3A : i32 to vector<16xi32>
      %add3A_518 = arith.addi %rem3A_507, %add3A_517 : vector<16xi32>
      %select_n3A_519 = arith.select %and3A, %add3A_518, %rem3A_507 : vector<16xi1>, vector<16xi32>
      %add3A_520 = arith.constant 16384 : i32
      %add3A_521 = vector.broadcast %add3A_520 : i32 to vector<16xi32>
      %add3A_522 = arith.addi %add3A_521, %select_n3A_519 : vector<16xi32>
      %mul3A_523 = arith.constant 16 : i32
      %mul3A_524 = arith.muli %scan3A_490, %mul3A_523 : i32
      %swap3A_525 = arith.index_cast %mul3A_524 : i32 to index
      %swap3A_526 = tpu.vector_load %arg25[%swap3A_525] {strides = array<i32>} : memref<528xi32, #tpu.memory_space<vmem>>, vector<16xi32>,
      tpu.vector_store %arg25[%swap3A_525], %add3A_522 {strides = array<i32>} : memref<528xi32, #tpu.memory_space<vmem>>, vector<16xi32>,
    }
    %scan3A_233 = arith.constant 32 : i32
    %scan3A_234 = arith.constant 0 : i32
    %scan3A_235 = arith.constant 0 : i32
    %scan3A_236 = arith.constant 32 : i32
    %scan3A_237 = arith.addi %scan3A_235, %scan3A_236 : i32
    %scan3A_238 = arith.constant 1 : i32
    %scan3A_239 = scf.for %scan3A_490 = %scan3A_235 to %scan3A_237 step %scan3A_238 iter_args(%scan3A_491 = %scan3A_234) -> (i32)  : i32 {
      %mul3A_492 = arith.constant 16 : i32
      %mul3A_493 = arith.muli %scan3A_490, %mul3A_492 : i32
      %get3A_494 = arith.index_cast %mul3A_493 : i32 to index
      %get3A_495 = tpu.vector_load %arg13[%get3A_494] {strides = array<i32>} : memref<512xi32, #tpu.memory_space<vmem>>, vector<16xi32>,
      %gt3A_496 = arith.constant 0 : i32
      %gt3A_497 = vector.broadcast %gt3A_496 : i32 to vector<16xi32>
      %gt3A_498 = arith.cmpi sgt, %get3A_495, %gt3A_497 : vector<16xi32>
      %mul3A_499 = arith.constant 16 : i32
      %mul3A_500 = arith.muli %scan3A_490, %mul3A_499 : i32
      %add3A_501 = arith.addi %mul3A_2, %mul3A_500 : i32
      %add3A_502 = vector.broadcast %add3A_501 : i32 to vector<16xi32>
      %add3A_503 = arith.addi %add3A_502, %iota3A : vector<16xi32>
      %sub3A = arith.constant 1 : i32
      %sub3A_504 = vector.broadcast %sub3A : i32 to vector<16xi32>
      %sub3A_505 = arith.subi %get3A_495, %sub3A_504 : vector<16xi32>
      %swap3A_506 = arith.index_cast %scan3A_491 : i32 to index
      %swap3A_507 = tpu.vector_load %arg24[%swap3A_506] masked %gt3A_498 {strides = array<i32>} : memref<528xi32, #tpu.memory_space<vmem>>, vector<16xi32>, vector<16xi1>
      tpu.vector_store %arg24[%swap3A_506], %sub3A_505 masked %gt3A_498 {strides = array<i32>} : memref<528xi32, #tpu.memory_space<vmem>>, vector<16xi32>, vector<16xi1>
      %swap3A_508 = arith.index_cast %scan3A_491 : i32 to index
      %swap3A_509 = tpu.vector_load %arg25[%swap3A_508] masked %gt3A_498 {strides = array<i32>} : memref<528xi32, #tpu.memory_space<vmem>>, vector<16xi32>, vector<16xi1>
      tpu.vector_store %arg25[%swap3A_508], %add3A_503 masked %gt3A_498 {strides = array<i32>} : memref<528xi32, #tpu.memory_space<vmem>>, vector<16xi32>, vector<16xi1>
      %convert_element_type3A_510 = arith.extui %gt3A_498 : vector<16xi1> to vector<16xi32>
      %reduce_sum3A = arith.constant true
      %reduce_sum3A_511 = vector.broadcast %reduce_sum3A : i1 to vector<16xi1>
      %reduce_sum3A_512 = tpu.scan <sum>, %convert_element_type3A_510 masked %reduce_sum3A_511 : vector<16xi32>, vector<16xi1> -> vector<16xi32>
      %reduce_sum3A_513 = vector.extract %reduce_sum3A_512[15] : i32 from vector<16xi32>
      %add3A_514 = arith.addi %scan3A_491, %reduce_sum3A_513 : i32
      scf.yield %add3A_514 : i32
    }
    %scan3A_240 = arith.constant 32 : i32
    %get3A = arith.constant 0 : index
    %get3A_241 = tpu.vector_load %arg25[%get3A] {strides = array<i32>} : memref<528xi32, #tpu.memory_space<vmem>>, vector<16xi32>,
    %swap3A = arith.constant 0 : i32
    %swap3A_242 = arith.index_cast %swap3A : i32 to index
    %swap3A_243 = arith.constant 0 : index
    %swap3A_244 = tpu.vector_load %arg26[%swap3A_242, %swap3A_243] {strides = array<i32>} : memref<8x64xi32, #tpu.memory_space<vmem>>, vector<16xi32>,
    tpu.vector_store %arg26[%swap3A_242, %swap3A_243], %get3A_241 {strides = array<i32>} : memref<8x64xi32, #tpu.memory_space<vmem>>, vector<16xi32>,
    %get3A_245 = arith.constant 16 : index
    %get3A_246 = tpu.vector_load %arg25[%get3A_245] {strides = array<i32>} : memref<528xi32, #tpu.memory_space<vmem>>, vector<16xi32>,
    %swap3A_247 = arith.constant 0 : i32
    %swap3A_248 = arith.index_cast %swap3A_247 : i32 to index
    %swap3A_249 = arith.constant 16 : index
    %swap3A_250 = tpu.vector_load %arg26[%swap3A_248, %swap3A_249] {strides = array<i32>} : memref<8x64xi32, #tpu.memory_space<vmem>>, vector<16xi32>,
    tpu.vector_store %arg26[%swap3A_248, %swap3A_249], %get3A_246 {strides = array<i32>} : memref<8x64xi32, #tpu.memory_space<vmem>>, vector<16xi32>,
    %get3A_251 = arith.constant 32 : index
    %get3A_252 = tpu.vector_load %arg25[%get3A_251] {strides = array<i32>} : memref<528xi32, #tpu.memory_space<vmem>>, vector<16xi32>,
    %swap3A_253 = arith.constant 0 : i32
    %swap3A_254 = arith.index_cast %swap3A_253 : i32 to index
    %swap3A_255 = arith.constant 32 : index
    %swap3A_256 = tpu.vector_load %arg26[%swap3A_254, %swap3A_255] {strides = array<i32>} : memref<8x64xi32, #tpu.memory_space<vmem>>, vector<16xi32>,
    tpu.vector_store %arg26[%swap3A_254, %swap3A_255], %get3A_252 {strides = array<i32>} : memref<8x64xi32, #tpu.memory_space<vmem>>, vector<16xi32>,
    %get3A_257 = arith.constant 48 : index
    %get3A_258 = tpu.vector_load %arg25[%get3A_257] {strides = array<i32>} : memref<528xi32, #tpu.memory_space<vmem>>, vector<16xi32>,
    %swap3A_259 = arith.constant 0 : i32
    %swap3A_260 = arith.index_cast %swap3A_259 : i32 to index
    %swap3A_261 = arith.constant 48 : index
    %swap3A_262 = tpu.vector_load %arg26[%swap3A_260, %swap3A_261] {strides = array<i32>} : memref<8x64xi32, #tpu.memory_space<vmem>>, vector<16xi32>,
    tpu.vector_store %arg26[%swap3A_260, %swap3A_261], %get3A_258 {strides = array<i32>} : memref<8x64xi32, #tpu.memory_space<vmem>>, vector<16xi32>,
    %get3A_263 = arith.constant 64 : index
    %get3A_264 = tpu.vector_load %arg25[%get3A_263] {strides = array<i32>} : memref<528xi32, #tpu.memory_space<vmem>>, vector<16xi32>,
    %swap3A_265 = arith.constant 1 : i32
    %swap3A_266 = arith.index_cast %swap3A_265 : i32 to index
    %swap3A_267 = arith.constant 0 : index
    %swap3A_268 = tpu.vector_load %arg26[%swap3A_266, %swap3A_267] {strides = array<i32>} : memref<8x64xi32, #tpu.memory_space<vmem>>, vector<16xi32>,
    tpu.vector_store %arg26[%swap3A_266, %swap3A_267], %get3A_264 {strides = array<i32>} : memref<8x64xi32, #tpu.memory_space<vmem>>, vector<16xi32>,
    %get3A_269 = arith.constant 80 : index
    %get3A_270 = tpu.vector_load %arg25[%get3A_269] {strides = array<i32>} : memref<528xi32, #tpu.memory_space<vmem>>, vector<16xi32>,
    %swap3A_271 = arith.constant 1 : i32
    %swap3A_272 = arith.index_cast %swap3A_271 : i32 to index
    %swap3A_273 = arith.constant 16 : index
    %swap3A_274 = tpu.vector_load %arg26[%swap3A_272, %swap3A_273] {strides = array<i32>} : memref<8x64xi32, #tpu.memory_space<vmem>>, vector<16xi32>,
    tpu.vector_store %arg26[%swap3A_272, %swap3A_273], %get3A_270 {strides = array<i32>} : memref<8x64xi32, #tpu.memory_space<vmem>>, vector<16xi32>,
    %get3A_275 = arith.constant 96 : index
    %get3A_276 = tpu.vector_load %arg25[%get3A_275] {strides = array<i32>} : memref<528xi32, #tpu.memory_space<vmem>>, vector<16xi32>,
    %swap3A_277 = arith.constant 1 : i32
    %swap3A_278 = arith.index_cast %swap3A_277 : i32 to index
    %swap3A_279 = arith.constant 32 : index
    %swap3A_280 = tpu.vector_load %arg26[%swap3A_278, %swap3A_279] {strides = array<i32>} : memref<8x64xi32, #tpu.memory_space<vmem>>, vector<16xi32>,
    tpu.vector_store %arg26[%swap3A_278, %swap3A_279], %get3A_276 {strides = array<i32>} : memref<8x64xi32, #tpu.memory_space<vmem>>, vector<16xi32>,
    %get3A_281 = arith.constant 112 : index
    %get3A_282 = tpu.vector_load %arg25[%get3A_281] {strides = array<i32>} : memref<528xi32, #tpu.memory_space<vmem>>, vector<16xi32>,
    %swap3A_283 = arith.constant 1 : i32
    %swap3A_284 = arith.index_cast %swap3A_283 : i32 to index
    %swap3A_285 = arith.constant 48 : index
    %swap3A_286 = tpu.vector_load %arg26[%swap3A_284, %swap3A_285] {strides = array<i32>} : memref<8x64xi32, #tpu.memory_space<vmem>>, vector<16xi32>,
    tpu.vector_store %arg26[%swap3A_284, %swap3A_285], %get3A_282 {strides = array<i32>} : memref<8x64xi32, #tpu.memory_space<vmem>>, vector<16xi32>,
    %get3A_287 = arith.constant 128 : index
    %get3A_288 = tpu.vector_load %arg25[%get3A_287] {strides = array<i32>} : memref<528xi32, #tpu.memory_space<vmem>>, vector<16xi32>,
    %swap3A_289 = arith.constant 2 : i32
    %swap3A_290 = arith.index_cast %swap3A_289 : i32 to index
    %swap3A_291 = arith.constant 0 : index
    %swap3A_292 = tpu.vector_load %arg26[%swap3A_290, %swap3A_291] {strides = array<i32>} : memref<8x64xi32, #tpu.memory_space<vmem>>, vector<16xi32>,
    tpu.vector_store %arg26[%swap3A_290, %swap3A_291], %get3A_288 {strides = array<i32>} : memref<8x64xi32, #tpu.memory_space<vmem>>, vector<16xi32>,
    %get3A_293 = arith.constant 144 : index
    %get3A_294 = tpu.vector_load %arg25[%get3A_293] {strides = array<i32>} : memref<528xi32, #tpu.memory_space<vmem>>, vector<16xi32>,
    %swap3A_295 = arith.constant 2 : i32
    %swap3A_296 = arith.index_cast %swap3A_295 : i32 to index
    %swap3A_297 = arith.constant 16 : index
    %swap3A_298 = tpu.vector_load %arg26[%swap3A_296, %swap3A_297] {strides = array<i32>} : memref<8x64xi32, #tpu.memory_space<vmem>>, vector<16xi32>,
    tpu.vector_store %arg26[%swap3A_296, %swap3A_297], %get3A_294 {strides = array<i32>} : memref<8x64xi32, #tpu.memory_space<vmem>>, vector<16xi32>,
    %get3A_299 = arith.constant 160 : index
    %get3A_300 = tpu.vector_load %arg25[%get3A_299] {strides = array<i32>} : memref<528xi32, #tpu.memory_space<vmem>>, vector<16xi32>,
    %swap3A_301 = arith.constant 2 : i32
    %swap3A_302 = arith.index_cast %swap3A_301 : i32 to index
    %swap3A_303 = arith.constant 32 : index
    %swap3A_304 = tpu.vector_load %arg26[%swap3A_302, %swap3A_303] {strides = array<i32>} : memref<8x64xi32, #tpu.memory_space<vmem>>, vector<16xi32>,
    tpu.vector_store %arg26[%swap3A_302, %swap3A_303], %get3A_300 {strides = array<i32>} : memref<8x64xi32, #tpu.memory_space<vmem>>, vector<16xi32>,
    %get3A_305 = arith.constant 176 : index
    %get3A_306 = tpu.vector_load %arg25[%get3A_305] {strides = array<i32>} : memref<528xi32, #tpu.memory_space<vmem>>, vector<16xi32>,
    %swap3A_307 = arith.constant 2 : i32
    %swap3A_308 = arith.index_cast %swap3A_307 : i32 to index
    %swap3A_309 = arith.constant 48 : index
    %swap3A_310 = tpu.vector_load %arg26[%swap3A_308, %swap3A_309] {strides = array<i32>} : memref<8x64xi32, #tpu.memory_space<vmem>>, vector<16xi32>,
    tpu.vector_store %arg26[%swap3A_308, %swap3A_309], %get3A_306 {strides = array<i32>} : memref<8x64xi32, #tpu.memory_space<vmem>>, vector<16xi32>,
    %get3A_311 = arith.constant 192 : index
    %get3A_312 = tpu.vector_load %arg25[%get3A_311] {strides = array<i32>} : memref<528xi32, #tpu.memory_space<vmem>>, vector<16xi32>,
    %swap3A_313 = arith.constant 3 : i32
    %swap3A_314 = arith.index_cast %swap3A_313 : i32 to index
    %swap3A_315 = arith.constant 0 : index
    %swap3A_316 = tpu.vector_load %arg26[%swap3A_314, %swap3A_315] {strides = array<i32>} : memref<8x64xi32, #tpu.memory_space<vmem>>, vector<16xi32>,
    tpu.vector_store %arg26[%swap3A_314, %swap3A_315], %get3A_312 {strides = array<i32>} : memref<8x64xi32, #tpu.memory_space<vmem>>, vector<16xi32>,
    %get3A_317 = arith.constant 208 : index
    %get3A_318 = tpu.vector_load %arg25[%get3A_317] {strides = array<i32>} : memref<528xi32, #tpu.memory_space<vmem>>, vector<16xi32>,
    %swap3A_319 = arith.constant 3 : i32
    %swap3A_320 = arith.index_cast %swap3A_319 : i32 to index
    %swap3A_321 = arith.constant 16 : index
    %swap3A_322 = tpu.vector_load %arg26[%swap3A_320, %swap3A_321] {strides = array<i32>} : memref<8x64xi32, #tpu.memory_space<vmem>>, vector<16xi32>,
    tpu.vector_store %arg26[%swap3A_320, %swap3A_321], %get3A_318 {strides = array<i32>} : memref<8x64xi32, #tpu.memory_space<vmem>>, vector<16xi32>,
    %get3A_323 = arith.constant 224 : index
    %get3A_324 = tpu.vector_load %arg25[%get3A_323] {strides = array<i32>} : memref<528xi32, #tpu.memory_space<vmem>>, vector<16xi32>,
    %swap3A_325 = arith.constant 3 : i32
    %swap3A_326 = arith.index_cast %swap3A_325 : i32 to index
    %swap3A_327 = arith.constant 32 : index
    %swap3A_328 = tpu.vector_load %arg26[%swap3A_326, %swap3A_327] {strides = array<i32>} : memref<8x64xi32, #tpu.memory_space<vmem>>, vector<16xi32>,
    tpu.vector_store %arg26[%swap3A_326, %swap3A_327], %get3A_324 {strides = array<i32>} : memref<8x64xi32, #tpu.memory_space<vmem>>, vector<16xi32>,
    %get3A_329 = arith.constant 240 : index
    %get3A_330 = tpu.vector_load %arg25[%get3A_329] {strides = array<i32>} : memref<528xi32, #tpu.memory_space<vmem>>, vector<16xi32>,
    %swap3A_331 = arith.constant 3 : i32
    %swap3A_332 = arith.index_cast %swap3A_331 : i32 to index
    %swap3A_333 = arith.constant 48 : index
    %swap3A_334 = tpu.vector_load %arg26[%swap3A_332, %swap3A_333] {strides = array<i32>} : memref<8x64xi32, #tpu.memory_space<vmem>>, vector<16xi32>,
    tpu.vector_store %arg26[%swap3A_332, %swap3A_333], %get3A_330 {strides = array<i32>} : memref<8x64xi32, #tpu.memory_space<vmem>>, vector<16xi32>,
    %get3A_335 = arith.constant 256 : index
    %get3A_336 = tpu.vector_load %arg25[%get3A_335] {strides = array<i32>} : memref<528xi32, #tpu.memory_space<vmem>>, vector<16xi32>,
    %swap3A_337 = arith.constant 4 : i32
    %swap3A_338 = arith.index_cast %swap3A_337 : i32 to index
    %swap3A_339 = arith.constant 0 : index
    %swap3A_340 = tpu.vector_load %arg26[%swap3A_338, %swap3A_339] {strides = array<i32>} : memref<8x64xi32, #tpu.memory_space<vmem>>, vector<16xi32>,
    tpu.vector_store %arg26[%swap3A_338, %swap3A_339], %get3A_336 {strides = array<i32>} : memref<8x64xi32, #tpu.memory_space<vmem>>, vector<16xi32>,
    %get3A_341 = arith.constant 272 : index
    %get3A_342 = tpu.vector_load %arg25[%get3A_341] {strides = array<i32>} : memref<528xi32, #tpu.memory_space<vmem>>, vector<16xi32>,
    %swap3A_343 = arith.constant 4 : i32
    %swap3A_344 = arith.index_cast %swap3A_343 : i32 to index
    %swap3A_345 = arith.constant 16 : index
    %swap3A_346 = tpu.vector_load %arg26[%swap3A_344, %swap3A_345] {strides = array<i32>} : memref<8x64xi32, #tpu.memory_space<vmem>>, vector<16xi32>,
    tpu.vector_store %arg26[%swap3A_344, %swap3A_345], %get3A_342 {strides = array<i32>} : memref<8x64xi32, #tpu.memory_space<vmem>>, vector<16xi32>,
    %get3A_347 = arith.constant 288 : index
    %get3A_348 = tpu.vector_load %arg25[%get3A_347] {strides = array<i32>} : memref<528xi32, #tpu.memory_space<vmem>>, vector<16xi32>,
    %swap3A_349 = arith.constant 4 : i32
    %swap3A_350 = arith.index_cast %swap3A_349 : i32 to index
    %swap3A_351 = arith.constant 32 : index
    %swap3A_352 = tpu.vector_load %arg26[%swap3A_350, %swap3A_351] {strides = array<i32>} : memref<8x64xi32, #tpu.memory_space<vmem>>, vector<16xi32>,
    tpu.vector_store %arg26[%swap3A_350, %swap3A_351], %get3A_348 {strides = array<i32>} : memref<8x64xi32, #tpu.memory_space<vmem>>, vector<16xi32>,
    %get3A_353 = arith.constant 304 : index
    %get3A_354 = tpu.vector_load %arg25[%get3A_353] {strides = array<i32>} : memref<528xi32, #tpu.memory_space<vmem>>, vector<16xi32>,
    %swap3A_355 = arith.constant 4 : i32
    %swap3A_356 = arith.index_cast %swap3A_355 : i32 to index
    %swap3A_357 = arith.constant 48 : index
    %swap3A_358 = tpu.vector_load %arg26[%swap3A_356, %swap3A_357] {strides = array<i32>} : memref<8x64xi32, #tpu.memory_space<vmem>>, vector<16xi32>,
    tpu.vector_store %arg26[%swap3A_356, %swap3A_357], %get3A_354 {strides = array<i32>} : memref<8x64xi32, #tpu.memory_space<vmem>>, vector<16xi32>,
    %get3A_359 = arith.constant 320 : index
    %get3A_360 = tpu.vector_load %arg25[%get3A_359] {strides = array<i32>} : memref<528xi32, #tpu.memory_space<vmem>>, vector<16xi32>,
    %swap3A_361 = arith.constant 5 : i32
    %swap3A_362 = arith.index_cast %swap3A_361 : i32 to index
    %swap3A_363 = arith.constant 0 : index
    %swap3A_364 = tpu.vector_load %arg26[%swap3A_362, %swap3A_363] {strides = array<i32>} : memref<8x64xi32, #tpu.memory_space<vmem>>, vector<16xi32>,
    tpu.vector_store %arg26[%swap3A_362, %swap3A_363], %get3A_360 {strides = array<i32>} : memref<8x64xi32, #tpu.memory_space<vmem>>, vector<16xi32>,
    %get3A_365 = arith.constant 336 : index
    %get3A_366 = tpu.vector_load %arg25[%get3A_365] {strides = array<i32>} : memref<528xi32, #tpu.memory_space<vmem>>, vector<16xi32>,
    %swap3A_367 = arith.constant 5 : i32
    %swap3A_368 = arith.index_cast %swap3A_367 : i32 to index
    %swap3A_369 = arith.constant 16 : index
    %swap3A_370 = tpu.vector_load %arg26[%swap3A_368, %swap3A_369] {strides = array<i32>} : memref<8x64xi32, #tpu.memory_space<vmem>>, vector<16xi32>,
    tpu.vector_store %arg26[%swap3A_368, %swap3A_369], %get3A_366 {strides = array<i32>} : memref<8x64xi32, #tpu.memory_space<vmem>>, vector<16xi32>,
    %get3A_371 = arith.constant 352 : index
    %get3A_372 = tpu.vector_load %arg25[%get3A_371] {strides = array<i32>} : memref<528xi32, #tpu.memory_space<vmem>>, vector<16xi32>,
    %swap3A_373 = arith.constant 5 : i32
    %swap3A_374 = arith.index_cast %swap3A_373 : i32 to index
    %swap3A_375 = arith.constant 32 : index
    %swap3A_376 = tpu.vector_load %arg26[%swap3A_374, %swap3A_375] {strides = array<i32>} : memref<8x64xi32, #tpu.memory_space<vmem>>, vector<16xi32>,
    tpu.vector_store %arg26[%swap3A_374, %swap3A_375], %get3A_372 {strides = array<i32>} : memref<8x64xi32, #tpu.memory_space<vmem>>, vector<16xi32>,
    %get3A_377 = arith.constant 368 : index
    %get3A_378 = tpu.vector_load %arg25[%get3A_377] {strides = array<i32>} : memref<528xi32, #tpu.memory_space<vmem>>, vector<16xi32>,
    %swap3A_379 = arith.constant 5 : i32
    %swap3A_380 = arith.index_cast %swap3A_379 : i32 to index
    %swap3A_381 = arith.constant 48 : index
    %swap3A_382 = tpu.vector_load %arg26[%swap3A_380, %swap3A_381] {strides = array<i32>} : memref<8x64xi32, #tpu.memory_space<vmem>>, vector<16xi32>,
    tpu.vector_store %arg26[%swap3A_380, %swap3A_381], %get3A_378 {strides = array<i32>} : memref<8x64xi32, #tpu.memory_space<vmem>>, vector<16xi32>,
    %get3A_383 = arith.constant 384 : index
    %get3A_384 = tpu.vector_load %arg25[%get3A_383] {strides = array<i32>} : memref<528xi32, #tpu.memory_space<vmem>>, vector<16xi32>,
    %swap3A_385 = arith.constant 6 : i32
    %swap3A_386 = arith.index_cast %swap3A_385 : i32 to index
    %swap3A_387 = arith.constant 0 : index
    %swap3A_388 = tpu.vector_load %arg26[%swap3A_386, %swap3A_387] {strides = array<i32>} : memref<8x64xi32, #tpu.memory_space<vmem>>, vector<16xi32>,
    tpu.vector_store %arg26[%swap3A_386, %swap3A_387], %get3A_384 {strides = array<i32>} : memref<8x64xi32, #tpu.memory_space<vmem>>, vector<16xi32>,
    %get3A_389 = arith.constant 400 : index
    %get3A_390 = tpu.vector_load %arg25[%get3A_389] {strides = array<i32>} : memref<528xi32, #tpu.memory_space<vmem>>, vector<16xi32>,
    %swap3A_391 = arith.constant 6 : i32
    %swap3A_392 = arith.index_cast %swap3A_391 : i32 to index
    %swap3A_393 = arith.constant 16 : index
    %swap3A_394 = tpu.vector_load %arg26[%swap3A_392, %swap3A_393] {strides = array<i32>} : memref<8x64xi32, #tpu.memory_space<vmem>>, vector<16xi32>,
    tpu.vector_store %arg26[%swap3A_392, %swap3A_393], %get3A_390 {strides = array<i32>} : memref<8x64xi32, #tpu.memory_space<vmem>>, vector<16xi32>,
    %get3A_395 = arith.constant 416 : index
    %get3A_396 = tpu.vector_load %arg25[%get3A_395] {strides = array<i32>} : memref<528xi32, #tpu.memory_space<vmem>>, vector<16xi32>,
    %swap3A_397 = arith.constant 6 : i32
    %swap3A_398 = arith.index_cast %swap3A_397 : i32 to index
    %swap3A_399 = arith.constant 32 : index
    %swap3A_400 = tpu.vector_load %arg26[%swap3A_398, %swap3A_399] {strides = array<i32>} : memref<8x64xi32, #tpu.memory_space<vmem>>, vector<16xi32>,
    tpu.vector_store %arg26[%swap3A_398, %swap3A_399], %get3A_396 {strides = array<i32>} : memref<8x64xi32, #tpu.memory_space<vmem>>, vector<16xi32>,
    %get3A_401 = arith.constant 432 : index
    %get3A_402 = tpu.vector_load %arg25[%get3A_401] {strides = array<i32>} : memref<528xi32, #tpu.memory_space<vmem>>, vector<16xi32>,
    %swap3A_403 = arith.constant 6 : i32
    %swap3A_404 = arith.index_cast %swap3A_403 : i32 to index
    %swap3A_405 = arith.constant 48 : index
    %swap3A_406 = tpu.vector_load %arg26[%swap3A_404, %swap3A_405] {strides = array<i32>} : memref<8x64xi32, #tpu.memory_space<vmem>>, vector<16xi32>,
    tpu.vector_store %arg26[%swap3A_404, %swap3A_405], %get3A_402 {strides = array<i32>} : memref<8x64xi32, #tpu.memory_space<vmem>>, vector<16xi32>,
    %get3A_407 = arith.constant 448 : index
    %get3A_408 = tpu.vector_load %arg25[%get3A_407] {strides = array<i32>} : memref<528xi32, #tpu.memory_space<vmem>>, vector<16xi32>,
    %swap3A_409 = arith.constant 7 : i32
    %swap3A_410 = arith.index_cast %swap3A_409 : i32 to index
    %swap3A_411 = arith.constant 0 : index
    %swap3A_412 = tpu.vector_load %arg26[%swap3A_410, %swap3A_411] {strides = array<i32>} : memref<8x64xi32, #tpu.memory_space<vmem>>, vector<16xi32>,
    tpu.vector_store %arg26[%swap3A_410, %swap3A_411], %get3A_408 {strides = array<i32>} : memref<8x64xi32, #tpu.memory_space<vmem>>, vector<16xi32>,
    %get3A_413 = arith.constant 464 : index
    %get3A_414 = tpu.vector_load %arg25[%get3A_413] {strides = array<i32>} : memref<528xi32, #tpu.memory_space<vmem>>, vector<16xi32>,
    %swap3A_415 = arith.constant 7 : i32
    %swap3A_416 = arith.index_cast %swap3A_415 : i32 to index
    %swap3A_417 = arith.constant 16 : index
    %swap3A_418 = tpu.vector_load %arg26[%swap3A_416, %swap3A_417] {strides = array<i32>} : memref<8x64xi32, #tpu.memory_space<vmem>>, vector<16xi32>,
    tpu.vector_store %arg26[%swap3A_416, %swap3A_417], %get3A_414 {strides = array<i32>} : memref<8x64xi32, #tpu.memory_space<vmem>>, vector<16xi32>,
    %get3A_419 = arith.constant 480 : index
    %get3A_420 = tpu.vector_load %arg25[%get3A_419] {strides = array<i32>} : memref<528xi32, #tpu.memory_space<vmem>>, vector<16xi32>,
    %swap3A_421 = arith.constant 7 : i32
    %swap3A_422 = arith.index_cast %swap3A_421 : i32 to index
    %swap3A_423 = arith.constant 32 : index
    %swap3A_424 = tpu.vector_load %arg26[%swap3A_422, %swap3A_423] {strides = array<i32>} : memref<8x64xi32, #tpu.memory_space<vmem>>, vector<16xi32>,
    tpu.vector_store %arg26[%swap3A_422, %swap3A_423], %get3A_420 {strides = array<i32>} : memref<8x64xi32, #tpu.memory_space<vmem>>, vector<16xi32>,
    %get3A_425 = arith.constant 496 : index
    %get3A_426 = tpu.vector_load %arg25[%get3A_425] {strides = array<i32>} : memref<528xi32, #tpu.memory_space<vmem>>, vector<16xi32>,
    %swap3A_427 = arith.constant 7 : i32
    %swap3A_428 = arith.index_cast %swap3A_427 : i32 to index
    %swap3A_429 = arith.constant 48 : index
    %swap3A_430 = tpu.vector_load %arg26[%swap3A_428, %swap3A_429] {strides = array<i32>} : memref<8x64xi32, #tpu.memory_space<vmem>>, vector<16xi32>,
    tpu.vector_store %arg26[%swap3A_428, %swap3A_429], %get3A_426 {strides = array<i32>} : memref<8x64xi32, #tpu.memory_space<vmem>>, vector<16xi32>,
    %dma_start3A_431 = arith.constant 0 : i32
    %dma_start3A_432 = tpu.memref_slice %arg6[%dma_start3A_431] : memref<400000xf32, #tpu.memory_space<hbm>> -> memref<400000xf32, #tpu.memory_space<hbm>>
    tpu.enqueue_indirect_dma source(%dma_start3A_432 : memref<400000xf32, #tpu.memory_space<hbm>>) target(%arg22 : memref<2048xf32, #tpu.memory_space<vmem>>) offsets(%arg20 : memref<2048xi32, #tpu.memory_space<vmem>>) semaphore(%arg16 : memref<!tpu.dma_semaphore, #tpu.memory_space<semaphore_mem>>)
    %dma_start3A_433 = arith.constant 0 : i32
    %dma_start3A_434 = tpu.memref_slice %arg7[%dma_start3A_433] : memref<65536xf32, #tpu.memory_space<hbm>> -> memref<65536xf32, #tpu.memory_space<hbm>>
    tpu.enqueue_indirect_dma source(%dma_start3A_434 : memref<65536xf32, #tpu.memory_space<hbm>>) target(%arg23 : memref<2048xf32, #tpu.memory_space<vmem>>) offsets(%arg21 : memref<2048xi32, #tpu.memory_space<vmem>>) semaphore(%arg17 : memref<!tpu.dma_semaphore, #tpu.memory_space<semaphore_mem>>)
    %gt3A = arith.constant 0 : i32
    %gt3A_435 = arith.cmpi sgt, %scan3A_239, %gt3A : i32
    %convert_element_type3A = arith.extui %gt3A_435 : i1 to i32
    %cond3A = arith.constant 0 : i32
    %cond3A_436 = arith.cmpi ne, %convert_element_type3A, %cond3A : i32
    scf.if %cond3A_436 {
      "tpu.region"() ({
        %run_scoped3A_490 = tpu.sem_alloc : memref<!tpu.dma_semaphore, #tpu.memory_space<semaphore_mem>>
        %dma_start3A_491 = arith.constant 0 : i32
        %dma_start3A_492 = tpu.memref_slice %arg24[%dma_start3A_491] : memref<528xi32, #tpu.memory_space<vmem>> -> memref<64xi32, #tpu.memory_space<vmem>>
        %dma_start3A_493 = arith.constant 0 : i32
        %dma_start3A_494 = arith.constant 0 : i32
        %dma_start3A_495 = tpu.memref_slice %arg5[%dma_start3A_493, %dma_start3A_494] : memref<16384x128xf32, #tpu.memory_space<hbm>> -> memref<16384x128xf32, #tpu.memory_space<hbm>>
        tpu.enqueue_indirect_dma source(%dma_start3A_495 : memref<16384x128xf32, #tpu.memory_space<hbm>>) target(%arg14 : memref<64x128xf32, #tpu.memory_space<vmem>>) offsets(%dma_start3A_492 : memref<64xi32, #tpu.memory_space<vmem>>) semaphore(%run_scoped3A_490 : memref<!tpu.dma_semaphore, #tpu.memory_space<semaphore_mem>>)
        %dma_wait3A_496 = arith.constant 0 : i32
        %dma_wait3A_497 = tpu.memref_slice %arg24[%dma_wait3A_496] : memref<528xi32, #tpu.memory_space<vmem>> -> memref<64xi32, #tpu.memory_space<vmem>>
        %dma_wait3A_498 = arith.constant 0 : i32
        %dma_wait3A_499 = arith.constant 0 : i32
        %dma_wait3A_500 = tpu.memref_slice %arg5[%dma_wait3A_498, %dma_wait3A_499] : memref<16384x128xf32, #tpu.memory_space<hbm>> -> memref<16384x128xf32, #tpu.memory_space<hbm>>
        tpu.wait_indirect_dma semaphore(%run_scoped3A_490 : memref<!tpu.dma_semaphore, #tpu.memory_space<semaphore_mem>>) src(%dma_wait3A_500 : memref<16384x128xf32, #tpu.memory_space<hbm>>) dst(%arg14 : memref<64x128xf32, #tpu.memory_space<vmem>>)
        tpu.yield
      }) : () -> ()
      %run_scoped3A = arith.constant 0 : i32
      "tpu.region"() ({
        %run_scoped3A_490 = tpu.sem_alloc : memref<!tpu.dma_semaphore, #tpu.memory_space<semaphore_mem>>
        %dma_start3A_491 = arith.constant 0 : i32
        %dma_start3A_492 = tpu.memref_slice %arg26[%run_scoped3A, %dma_start3A_491] : memref<8x64xi32, #tpu.memory_space<vmem>> -> memref<1x64xi32, #tpu.memory_space<vmem>>
        %dma_start3A_493 = tpu.memref_squeeze %dma_start3A_492 : memref<1x64xi32, #tpu.memory_space<vmem>> -> memref<64xi32, #tpu.memory_space<vmem>>
        %dma_start3A_494 = arith.constant 0 : i32
        %dma_start3A_495 = arith.constant 0 : i32
        %dma_start3A_496 = tpu.memref_slice %arg8[%dma_start3A_494, %dma_start3A_495] : memref<18432x128xf32, #tpu.memory_space<hbm>> -> memref<18432x128xf32, #tpu.memory_space<hbm>>
        tpu.enqueue_indirect_dma source(%arg14 : memref<64x128xf32, #tpu.memory_space<vmem>>) target(%dma_start3A_496 : memref<18432x128xf32, #tpu.memory_space<hbm>>) offsets(%dma_start3A_493 : memref<64xi32, #tpu.memory_space<vmem>>) semaphore(%run_scoped3A_490 : memref<!tpu.dma_semaphore, #tpu.memory_space<semaphore_mem>>)
        %dma_wait3A_497 = arith.constant 0 : i32
        %dma_wait3A_498 = tpu.memref_slice %arg26[%run_scoped3A, %dma_wait3A_497] : memref<8x64xi32, #tpu.memory_space<vmem>> -> memref<1x64xi32, #tpu.memory_space<vmem>>
        %dma_wait3A_499 = tpu.memref_squeeze %dma_wait3A_498 : memref<1x64xi32, #tpu.memory_space<vmem>> -> memref<64xi32, #tpu.memory_space<vmem>>
        %dma_wait3A_500 = arith.constant 0 : i32
        %dma_wait3A_501 = arith.constant 0 : i32
        %dma_wait3A_502 = tpu.memref_slice %arg8[%dma_wait3A_500, %dma_wait3A_501] : memref<18432x128xf32, #tpu.memory_space<hbm>> -> memref<18432x128xf32, #tpu.memory_space<hbm>>
        tpu.wait_indirect_dma semaphore(%run_scoped3A_490 : memref<!tpu.dma_semaphore, #tpu.memory_space<semaphore_mem>>) src(%arg14 : memref<64x128xf32, #tpu.memory_space<vmem>>) dst(%dma_wait3A_502 : memref<18432x128xf32, #tpu.memory_space<hbm>>)
        tpu.yield
      }) : () -> ()
    } else {
    }
    %gt3A_437 = arith.constant 64 : i32
    %gt3A_438 = arith.cmpi sgt, %scan3A_239, %gt3A_437 : i32
    %convert_element_type3A_439 = arith.extui %gt3A_438 : i1 to i32
    %cond3A_440 = arith.constant 0 : i32
    %cond3A_441 = arith.cmpi ne, %convert_element_type3A_439, %cond3A_440 : i32
    scf.if %cond3A_441 {
      "tpu.region"() ({
        %run_scoped3A_490 = tpu.sem_alloc : memref<!tpu.dma_semaphore, #tpu.memory_space<semaphore_mem>>
        %dma_start3A_491 = arith.constant 64 : i32
        %dma_start3A_492 = tpu.memref_slice %arg24[%dma_start3A_491] : memref<528xi32, #tpu.memory_space<vmem>> -> memref<64xi32, #tpu.memory_space<vmem>>
        %dma_start3A_493 = arith.constant 0 : i32
        %dma_start3A_494 = arith.constant 0 : i32
        %dma_start3A_495 = tpu.memref_slice %arg5[%dma_start3A_493, %dma_start3A_494] : memref<16384x128xf32, #tpu.memory_space<hbm>> -> memref<16384x128xf32, #tpu.memory_space<hbm>>
        tpu.enqueue_indirect_dma source(%dma_start3A_495 : memref<16384x128xf32, #tpu.memory_space<hbm>>) target(%arg15 : memref<64x128xf32, #tpu.memory_space<vmem>>) offsets(%dma_start3A_492 : memref<64xi32, #tpu.memory_space<vmem>>) semaphore(%run_scoped3A_490 : memref<!tpu.dma_semaphore, #tpu.memory_space<semaphore_mem>>)
        %dma_wait3A_496 = arith.constant 64 : i32
        %dma_wait3A_497 = tpu.memref_slice %arg24[%dma_wait3A_496] : memref<528xi32, #tpu.memory_space<vmem>> -> memref<64xi32, #tpu.memory_space<vmem>>
        %dma_wait3A_498 = arith.constant 0 : i32
        %dma_wait3A_499 = arith.constant 0 : i32
        %dma_wait3A_500 = tpu.memref_slice %arg5[%dma_wait3A_498, %dma_wait3A_499] : memref<16384x128xf32, #tpu.memory_space<hbm>> -> memref<16384x128xf32, #tpu.memory_space<hbm>>
        tpu.wait_indirect_dma semaphore(%run_scoped3A_490 : memref<!tpu.dma_semaphore, #tpu.memory_space<semaphore_mem>>) src(%dma_wait3A_500 : memref<16384x128xf32, #tpu.memory_space<hbm>>) dst(%arg15 : memref<64x128xf32, #tpu.memory_space<vmem>>)
        tpu.yield
      }) : () -> ()
      %run_scoped3A = arith.constant 1 : i32
      "tpu.region"() ({
        %run_scoped3A_490 = tpu.sem_alloc : memref<!tpu.dma_semaphore, #tpu.memory_space<semaphore_mem>>
        %dma_start3A_491 = arith.constant 0 : i32
        %dma_start3A_492 = tpu.memref_slice %arg26[%run_scoped3A, %dma_start3A_491] : memref<8x64xi32, #tpu.memory_space<vmem>> -> memref<1x64xi32, #tpu.memory_space<vmem>>
        %dma_start3A_493 = tpu.memref_squeeze %dma_start3A_492 : memref<1x64xi32, #tpu.memory_space<vmem>> -> memref<64xi32, #tpu.memory_space<vmem>>
        %dma_start3A_494 = arith.constant 0 : i32
        %dma_start3A_495 = arith.constant 0 : i32
        %dma_start3A_496 = tpu.memref_slice %arg8[%dma_start3A_494, %dma_start3A_495] : memref<18432x128xf32, #tpu.memory_space<hbm>> -> memref<18432x128xf32, #tpu.memory_space<hbm>>
        tpu.enqueue_indirect_dma source(%arg15 : memref<64x128xf32, #tpu.memory_space<vmem>>) target(%dma_start3A_496 : memref<18432x128xf32, #tpu.memory_space<hbm>>) offsets(%dma_start3A_493 : memref<64xi32, #tpu.memory_space<vmem>>) semaphore(%run_scoped3A_490 : memref<!tpu.dma_semaphore, #tpu.memory_space<semaphore_mem>>)
        %dma_wait3A_497 = arith.constant 0 : i32
        %dma_wait3A_498 = tpu.memref_slice %arg26[%run_scoped3A, %dma_wait3A_497] : memref<8x64xi32, #tpu.memory_space<vmem>> -> memref<1x64xi32, #tpu.memory_space<vmem>>
        %dma_wait3A_499 = tpu.memref_squeeze %dma_wait3A_498 : memref<1x64xi32, #tpu.memory_space<vmem>> -> memref<64xi32, #tpu.memory_space<vmem>>
        %dma_wait3A_500 = arith.constant 0 : i32
        %dma_wait3A_501 = arith.constant 0 : i32
        %dma_wait3A_502 = tpu.memref_slice %arg8[%dma_wait3A_500, %dma_wait3A_501] : memref<18432x128xf32, #tpu.memory_space<hbm>> -> memref<18432x128xf32, #tpu.memory_space<hbm>>
        tpu.wait_indirect_dma semaphore(%run_scoped3A_490 : memref<!tpu.dma_semaphore, #tpu.memory_space<semaphore_mem>>) src(%arg15 : memref<64x128xf32, #tpu.memory_space<vmem>>) dst(%dma_wait3A_502 : memref<18432x128xf32, #tpu.memory_space<hbm>>)
        tpu.yield
      }) : () -> ()
    } else {
    }
    %gt3A_442 = arith.constant 128 : i32
    %gt3A_443 = arith.cmpi sgt, %scan3A_239, %gt3A_442 : i32
    %convert_element_type3A_444 = arith.extui %gt3A_443 : i1 to i32
    %cond3A_445 = arith.constant 0 : i32
    %cond3A_446 = arith.cmpi ne, %convert_element_type3A_444, %cond3A_445 : i32
    scf.if %cond3A_446 {
      "tpu.region"() ({
        %run_scoped3A_490 = tpu.sem_alloc : memref<!tpu.dma_semaphore, #tpu.memory_space<semaphore_mem>>
        %dma_start3A_491 = arith.constant 128 : i32
        %dma_start3A_492 = tpu.memref_slice %arg24[%dma_start3A_491] : memref<528xi32, #tpu.memory_space<vmem>> -> memref<64xi32, #tpu.memory_space<vmem>>
        %dma_start3A_493 = arith.constant 0 : i32
        %dma_start3A_494 = arith.constant 0 : i32
        %dma_start3A_495 = tpu.memref_slice %arg5[%dma_start3A_493, %dma_start3A_494] : memref<16384x128xf32, #tpu.memory_space<hbm>> -> memref<16384x128xf32, #tpu.memory_space<hbm>>
        tpu.enqueue_indirect_dma source(%dma_start3A_495 : memref<16384x128xf32, #tpu.memory_space<hbm>>) target(%arg14 : memref<64x128xf32, #tpu.memory_space<vmem>>) offsets(%dma_start3A_492 : memref<64xi32, #tpu.memory_space<vmem>>) semaphore(%run_scoped3A_490 : memref<!tpu.dma_semaphore, #tpu.memory_space<semaphore_mem>>)
        %dma_wait3A_496 = arith.constant 128 : i32
        %dma_wait3A_497 = tpu.memref_slice %arg24[%dma_wait3A_496] : memref<528xi32, #tpu.memory_space<vmem>> -> memref<64xi32, #tpu.memory_space<vmem>>
        %dma_wait3A_498 = arith.constant 0 : i32
        %dma_wait3A_499 = arith.constant 0 : i32
        %dma_wait3A_500 = tpu.memref_slice %arg5[%dma_wait3A_498, %dma_wait3A_499] : memref<16384x128xf32, #tpu.memory_space<hbm>> -> memref<16384x128xf32, #tpu.memory_space<hbm>>
        tpu.wait_indirect_dma semaphore(%run_scoped3A_490 : memref<!tpu.dma_semaphore, #tpu.memory_space<semaphore_mem>>) src(%dma_wait3A_500 : memref<16384x128xf32, #tpu.memory_space<hbm>>) dst(%arg14 : memref<64x128xf32, #tpu.memory_space<vmem>>)
        tpu.yield
      }) : () -> ()
      %run_scoped3A = arith.constant 2 : i32
      "tpu.region"() ({
        %run_scoped3A_490 = tpu.sem_alloc : memref<!tpu.dma_semaphore, #tpu.memory_space<semaphore_mem>>
        %dma_start3A_491 = arith.constant 0 : i32
        %dma_start3A_492 = tpu.memref_slice %arg26[%run_scoped3A, %dma_start3A_491] : memref<8x64xi32, #tpu.memory_space<vmem>> -> memref<1x64xi32, #tpu.memory_space<vmem>>
        %dma_start3A_493 = tpu.memref_squeeze %dma_start3A_492 : memref<1x64xi32, #tpu.memory_space<vmem>> -> memref<64xi32, #tpu.memory_space<vmem>>
        %dma_start3A_494 = arith.constant 0 : i32
        %dma_start3A_495 = arith.constant 0 : i32
        %dma_start3A_496 = tpu.memref_slice %arg8[%dma_start3A_494, %dma_start3A_495] : memref<18432x128xf32, #tpu.memory_space<hbm>> -> memref<18432x128xf32, #tpu.memory_space<hbm>>
        tpu.enqueue_indirect_dma source(%arg14 : memref<64x128xf32, #tpu.memory_space<vmem>>) target(%dma_start3A_496 : memref<18432x128xf32, #tpu.memory_space<hbm>>) offsets(%dma_start3A_493 : memref<64xi32, #tpu.memory_space<vmem>>) semaphore(%run_scoped3A_490 : memref<!tpu.dma_semaphore, #tpu.memory_space<semaphore_mem>>)
        %dma_wait3A_497 = arith.constant 0 : i32
        %dma_wait3A_498 = tpu.memref_slice %arg26[%run_scoped3A, %dma_wait3A_497] : memref<8x64xi32, #tpu.memory_space<vmem>> -> memref<1x64xi32, #tpu.memory_space<vmem>>
        %dma_wait3A_499 = tpu.memref_squeeze %dma_wait3A_498 : memref<1x64xi32, #tpu.memory_space<vmem>> -> memref<64xi32, #tpu.memory_space<vmem>>
        %dma_wait3A_500 = arith.constant 0 : i32
        %dma_wait3A_501 = arith.constant 0 : i32
        %dma_wait3A_502 = tpu.memref_slice %arg8[%dma_wait3A_500, %dma_wait3A_501] : memref<18432x128xf32, #tpu.memory_space<hbm>> -> memref<18432x128xf32, #tpu.memory_space<hbm>>
        tpu.wait_indirect_dma semaphore(%run_scoped3A_490 : memref<!tpu.dma_semaphore, #tpu.memory_space<semaphore_mem>>) src(%arg14 : memref<64x128xf32, #tpu.memory_space<vmem>>) dst(%dma_wait3A_502 : memref<18432x128xf32, #tpu.memory_space<hbm>>)
        tpu.yield
      }) : () -> ()
    } else {
    }
    %gt3A_447 = arith.constant 192 : i32
    %gt3A_448 = arith.cmpi sgt, %scan3A_239, %gt3A_447 : i32
    %convert_element_type3A_449 = arith.extui %gt3A_448 : i1 to i32
    %cond3A_450 = arith.constant 0 : i32
    %cond3A_451 = arith.cmpi ne, %convert_element_type3A_449, %cond3A_450 : i32
    scf.if %cond3A_451 {
      "tpu.region"() ({
        %run_scoped3A_490 = tpu.sem_alloc : memref<!tpu.dma_semaphore, #tpu.memory_space<semaphore_mem>>
        %dma_start3A_491 = arith.constant 192 : i32
        %dma_start3A_492 = tpu.memref_slice %arg24[%dma_start3A_491] : memref<528xi32, #tpu.memory_space<vmem>> -> memref<64xi32, #tpu.memory_space<vmem>>
        %dma_start3A_493 = arith.constant 0 : i32
        %dma_start3A_494 = arith.constant 0 : i32
        %dma_start3A_495 = tpu.memref_slice %arg5[%dma_start3A_493, %dma_start3A_494] : memref<16384x128xf32, #tpu.memory_space<hbm>> -> memref<16384x128xf32, #tpu.memory_space<hbm>>
        tpu.enqueue_indirect_dma source(%dma_start3A_495 : memref<16384x128xf32, #tpu.memory_space<hbm>>) target(%arg15 : memref<64x128xf32, #tpu.memory_space<vmem>>) offsets(%dma_start3A_492 : memref<64xi32, #tpu.memory_space<vmem>>) semaphore(%run_scoped3A_490 : memref<!tpu.dma_semaphore, #tpu.memory_space<semaphore_mem>>)
        %dma_wait3A_496 = arith.constant 192 : i32
        %dma_wait3A_497 = tpu.memref_slice %arg24[%dma_wait3A_496] : memref<528xi32, #tpu.memory_space<vmem>> -> memref<64xi32, #tpu.memory_space<vmem>>
        %dma_wait3A_498 = arith.constant 0 : i32
        %dma_wait3A_499 = arith.constant 0 : i32
        %dma_wait3A_500 = tpu.memref_slice %arg5[%dma_wait3A_498, %dma_wait3A_499] : memref<16384x128xf32, #tpu.memory_space<hbm>> -> memref<16384x128xf32, #tpu.memory_space<hbm>>
        tpu.wait_indirect_dma semaphore(%run_scoped3A_490 : memref<!tpu.dma_semaphore, #tpu.memory_space<semaphore_mem>>) src(%dma_wait3A_500 : memref<16384x128xf32, #tpu.memory_space<hbm>>) dst(%arg15 : memref<64x128xf32, #tpu.memory_space<vmem>>)
        tpu.yield
      }) : () -> ()
      %run_scoped3A = arith.constant 3 : i32
      "tpu.region"() ({
        %run_scoped3A_490 = tpu.sem_alloc : memref<!tpu.dma_semaphore, #tpu.memory_space<semaphore_mem>>
        %dma_start3A_491 = arith.constant 0 : i32
        %dma_start3A_492 = tpu.memref_slice %arg26[%run_scoped3A, %dma_start3A_491] : memref<8x64xi32, #tpu.memory_space<vmem>> -> memref<1x64xi32, #tpu.memory_space<vmem>>
        %dma_start3A_493 = tpu.memref_squeeze %dma_start3A_492 : memref<1x64xi32, #tpu.memory_space<vmem>> -> memref<64xi32, #tpu.memory_space<vmem>>
        %dma_start3A_494 = arith.constant 0 : i32
        %dma_start3A_495 = arith.constant 0 : i32
        %dma_start3A_496 = tpu.memref_slice %arg8[%dma_start3A_494, %dma_start3A_495] : memref<18432x128xf32, #tpu.memory_space<hbm>> -> memref<18432x128xf32, #tpu.memory_space<hbm>>
        tpu.enqueue_indirect_dma source(%arg15 : memref<64x128xf32, #tpu.memory_space<vmem>>) target(%dma_start3A_496 : memref<18432x128xf32, #tpu.memory_space<hbm>>) offsets(%dma_start3A_493 : memref<64xi32, #tpu.memory_space<vmem>>) semaphore(%run_scoped3A_490 : memref<!tpu.dma_semaphore, #tpu.memory_space<semaphore_mem>>)
        %dma_wait3A_497 = arith.constant 0 : i32
        %dma_wait3A_498 = tpu.memref_slice %arg26[%run_scoped3A, %dma_wait3A_497] : memref<8x64xi32, #tpu.memory_space<vmem>> -> memref<1x64xi32, #tpu.memory_space<vmem>>
        %dma_wait3A_499 = tpu.memref_squeeze %dma_wait3A_498 : memref<1x64xi32, #tpu.memory_space<vmem>> -> memref<64xi32, #tpu.memory_space<vmem>>
        %dma_wait3A_500 = arith.constant 0 : i32
        %dma_wait3A_501 = arith.constant 0 : i32
        %dma_wait3A_502 = tpu.memref_slice %arg8[%dma_wait3A_500, %dma_wait3A_501] : memref<18432x128xf32, #tpu.memory_space<hbm>> -> memref<18432x128xf32, #tpu.memory_space<hbm>>
        tpu.wait_indirect_dma semaphore(%run_scoped3A_490 : memref<!tpu.dma_semaphore, #tpu.memory_space<semaphore_mem>>) src(%arg15 : memref<64x128xf32, #tpu.memory_space<vmem>>) dst(%dma_wait3A_502 : memref<18432x128xf32, #tpu.memory_space<hbm>>)
        tpu.yield
      }) : () -> ()
    } else {
    }
    %gt3A_452 = arith.constant 256 : i32
    %gt3A_453 = arith.cmpi sgt, %scan3A_239, %gt3A_452 : i32
    %convert_element_type3A_454 = arith.extui %gt3A_453 : i1 to i32
    %cond3A_455 = arith.constant 0 : i32
    %cond3A_456 = arith.cmpi ne, %convert_element_type3A_454, %cond3A_455 : i32
    scf.if %cond3A_456 {
      "tpu.region"() ({
        %run_scoped3A_490 = tpu.sem_alloc : memref<!tpu.dma_semaphore, #tpu.memory_space<semaphore_mem>>
        %dma_start3A_491 = arith.constant 256 : i32
        %dma_start3A_492 = tpu.memref_slice %arg24[%dma_start3A_491] : memref<528xi32, #tpu.memory_space<vmem>> -> memref<64xi32, #tpu.memory_space<vmem>>
        %dma_start3A_493 = arith.constant 0 : i32
        %dma_start3A_494 = arith.constant 0 : i32
        %dma_start3A_495 = tpu.memref_slice %arg5[%dma_start3A_493, %dma_start3A_494] : memref<16384x128xf32, #tpu.memory_space<hbm>> -> memref<16384x128xf32, #tpu.memory_space<hbm>>
        tpu.enqueue_indirect_dma source(%dma_start3A_495 : memref<16384x128xf32, #tpu.memory_space<hbm>>) target(%arg14 : memref<64x128xf32, #tpu.memory_space<vmem>>) offsets(%dma_start3A_492 : memref<64xi32, #tpu.memory_space<vmem>>) semaphore(%run_scoped3A_490 : memref<!tpu.dma_semaphore, #tpu.memory_space<semaphore_mem>>)
        %dma_wait3A_496 = arith.constant 256 : i32
        %dma_wait3A_497 = tpu.memref_slice %arg24[%dma_wait3A_496] : memref<528xi32, #tpu.memory_space<vmem>> -> memref<64xi32, #tpu.memory_space<vmem>>
        %dma_wait3A_498 = arith.constant 0 : i32
        %dma_wait3A_499 = arith.constant 0 : i32
        %dma_wait3A_500 = tpu.memref_slice %arg5[%dma_wait3A_498, %dma_wait3A_499] : memref<16384x128xf32, #tpu.memory_space<hbm>> -> memref<16384x128xf32, #tpu.memory_space<hbm>>
        tpu.wait_indirect_dma semaphore(%run_scoped3A_490 : memref<!tpu.dma_semaphore, #tpu.memory_space<semaphore_mem>>) src(%dma_wait3A_500 : memref<16384x128xf32, #tpu.memory_space<hbm>>) dst(%arg14 : memref<64x128xf32, #tpu.memory_space<vmem>>)
        tpu.yield
      }) : () -> ()
      %run_scoped3A = arith.constant 4 : i32
      "tpu.region"() ({
        %run_scoped3A_490 = tpu.sem_alloc : memref<!tpu.dma_semaphore, #tpu.memory_space<semaphore_mem>>
        %dma_start3A_491 = arith.constant 0 : i32
        %dma_start3A_492 = tpu.memref_slice %arg26[%run_scoped3A, %dma_start3A_491] : memref<8x64xi32, #tpu.memory_space<vmem>> -> memref<1x64xi32, #tpu.memory_space<vmem>>
        %dma_start3A_493 = tpu.memref_squeeze %dma_start3A_492 : memref<1x64xi32, #tpu.memory_space<vmem>> -> memref<64xi32, #tpu.memory_space<vmem>>
        %dma_start3A_494 = arith.constant 0 : i32
        %dma_start3A_495 = arith.constant 0 : i32
        %dma_start3A_496 = tpu.memref_slice %arg8[%dma_start3A_494, %dma_start3A_495] : memref<18432x128xf32, #tpu.memory_space<hbm>> -> memref<18432x128xf32, #tpu.memory_space<hbm>>
        tpu.enqueue_indirect_dma source(%arg14 : memref<64x128xf32, #tpu.memory_space<vmem>>) target(%dma_start3A_496 : memref<18432x128xf32, #tpu.memory_space<hbm>>) offsets(%dma_start3A_493 : memref<64xi32, #tpu.memory_space<vmem>>) semaphore(%run_scoped3A_490 : memref<!tpu.dma_semaphore, #tpu.memory_space<semaphore_mem>>)
        %dma_wait3A_497 = arith.constant 0 : i32
        %dma_wait3A_498 = tpu.memref_slice %arg26[%run_scoped3A, %dma_wait3A_497] : memref<8x64xi32, #tpu.memory_space<vmem>> -> memref<1x64xi32, #tpu.memory_space<vmem>>
        %dma_wait3A_499 = tpu.memref_squeeze %dma_wait3A_498 : memref<1x64xi32, #tpu.memory_space<vmem>> -> memref<64xi32, #tpu.memory_space<vmem>>
        %dma_wait3A_500 = arith.constant 0 : i32
        %dma_wait3A_501 = arith.constant 0 : i32
        %dma_wait3A_502 = tpu.memref_slice %arg8[%dma_wait3A_500, %dma_wait3A_501] : memref<18432x128xf32, #tpu.memory_space<hbm>> -> memref<18432x128xf32, #tpu.memory_space<hbm>>
        tpu.wait_indirect_dma semaphore(%run_scoped3A_490 : memref<!tpu.dma_semaphore, #tpu.memory_space<semaphore_mem>>) src(%arg14 : memref<64x128xf32, #tpu.memory_space<vmem>>) dst(%dma_wait3A_502 : memref<18432x128xf32, #tpu.memory_space<hbm>>)
        tpu.yield
      }) : () -> ()
    } else {
    }
    %gt3A_457 = arith.constant 320 : i32
    %gt3A_458 = arith.cmpi sgt, %scan3A_239, %gt3A_457 : i32
    %convert_element_type3A_459 = arith.extui %gt3A_458 : i1 to i32
    %cond3A_460 = arith.constant 0 : i32
    %cond3A_461 = arith.cmpi ne, %convert_element_type3A_459, %cond3A_460 : i32
    scf.if %cond3A_461 {
      "tpu.region"() ({
        %run_scoped3A_490 = tpu.sem_alloc : memref<!tpu.dma_semaphore, #tpu.memory_space<semaphore_mem>>
        %dma_start3A_491 = arith.constant 320 : i32
        %dma_start3A_492 = tpu.memref_slice %arg24[%dma_start3A_491] : memref<528xi32, #tpu.memory_space<vmem>> -> memref<64xi32, #tpu.memory_space<vmem>>
        %dma_start3A_493 = arith.constant 0 : i32
        %dma_start3A_494 = arith.constant 0 : i32
        %dma_start3A_495 = tpu.memref_slice %arg5[%dma_start3A_493, %dma_start3A_494] : memref<16384x128xf32, #tpu.memory_space<hbm>> -> memref<16384x128xf32, #tpu.memory_space<hbm>>
        tpu.enqueue_indirect_dma source(%dma_start3A_495 : memref<16384x128xf32, #tpu.memory_space<hbm>>) target(%arg15 : memref<64x128xf32, #tpu.memory_space<vmem>>) offsets(%dma_start3A_492 : memref<64xi32, #tpu.memory_space<vmem>>) semaphore(%run_scoped3A_490 : memref<!tpu.dma_semaphore, #tpu.memory_space<semaphore_mem>>)
        %dma_wait3A_496 = arith.constant 320 : i32
        %dma_wait3A_497 = tpu.memref_slice %arg24[%dma_wait3A_496] : memref<528xi32, #tpu.memory_space<vmem>> -> memref<64xi32, #tpu.memory_space<vmem>>
        %dma_wait3A_498 = arith.constant 0 : i32
        %dma_wait3A_499 = arith.constant 0 : i32
        %dma_wait3A_500 = tpu.memref_slice %arg5[%dma_wait3A_498, %dma_wait3A_499] : memref<16384x128xf32, #tpu.memory_space<hbm>> -> memref<16384x128xf32, #tpu.memory_space<hbm>>
        tpu.wait_indirect_dma semaphore(%run_scoped3A_490 : memref<!tpu.dma_semaphore, #tpu.memory_space<semaphore_mem>>) src(%dma_wait3A_500 : memref<16384x128xf32, #tpu.memory_space<hbm>>) dst(%arg15 : memref<64x128xf32, #tpu.memory_space<vmem>>)
        tpu.yield
      }) : () -> ()
      %run_scoped3A = arith.constant 5 : i32
      "tpu.region"() ({
        %run_scoped3A_490 = tpu.sem_alloc : memref<!tpu.dma_semaphore, #tpu.memory_space<semaphore_mem>>
        %dma_start3A_491 = arith.constant 0 : i32
        %dma_start3A_492 = tpu.memref_slice %arg26[%run_scoped3A, %dma_start3A_491] : memref<8x64xi32, #tpu.memory_space<vmem>> -> memref<1x64xi32, #tpu.memory_space<vmem>>
        %dma_start3A_493 = tpu.memref_squeeze %dma_start3A_492 : memref<1x64xi32, #tpu.memory_space<vmem>> -> memref<64xi32, #tpu.memory_space<vmem>>
        %dma_start3A_494 = arith.constant 0 : i32
        %dma_start3A_495 = arith.constant 0 : i32
        %dma_start3A_496 = tpu.memref_slice %arg8[%dma_start3A_494, %dma_start3A_495] : memref<18432x128xf32, #tpu.memory_space<hbm>> -> memref<18432x128xf32, #tpu.memory_space<hbm>>
        tpu.enqueue_indirect_dma source(%arg15 : memref<64x128xf32, #tpu.memory_space<vmem>>) target(%dma_start3A_496 : memref<18432x128xf32, #tpu.memory_space<hbm>>) offsets(%dma_start3A_493 : memref<64xi32, #tpu.memory_space<vmem>>) semaphore(%run_scoped3A_490 : memref<!tpu.dma_semaphore, #tpu.memory_space<semaphore_mem>>)
        %dma_wait3A_497 = arith.constant 0 : i32
        %dma_wait3A_498 = tpu.memref_slice %arg26[%run_scoped3A, %dma_wait3A_497] : memref<8x64xi32, #tpu.memory_space<vmem>> -> memref<1x64xi32, #tpu.memory_space<vmem>>
        %dma_wait3A_499 = tpu.memref_squeeze %dma_wait3A_498 : memref<1x64xi32, #tpu.memory_space<vmem>> -> memref<64xi32, #tpu.memory_space<vmem>>
        %dma_wait3A_500 = arith.constant 0 : i32
        %dma_wait3A_501 = arith.constant 0 : i32
        %dma_wait3A_502 = tpu.memref_slice %arg8[%dma_wait3A_500, %dma_wait3A_501] : memref<18432x128xf32, #tpu.memory_space<hbm>> -> memref<18432x128xf32, #tpu.memory_space<hbm>>
        tpu.wait_indirect_dma semaphore(%run_scoped3A_490 : memref<!tpu.dma_semaphore, #tpu.memory_space<semaphore_mem>>) src(%arg15 : memref<64x128xf32, #tpu.memory_space<vmem>>) dst(%dma_wait3A_502 : memref<18432x128xf32, #tpu.memory_space<hbm>>)
        tpu.yield
      }) : () -> ()
    } else {
    }
    %gt3A_462 = arith.constant 384 : i32
    %gt3A_463 = arith.cmpi sgt, %scan3A_239, %gt3A_462 : i32
    %convert_element_type3A_464 = arith.extui %gt3A_463 : i1 to i32
    %cond3A_465 = arith.constant 0 : i32
    %cond3A_466 = arith.cmpi ne, %convert_element_type3A_464, %cond3A_465 : i32
    scf.if %cond3A_466 {
      "tpu.region"() ({
        %run_scoped3A_490 = tpu.sem_alloc : memref<!tpu.dma_semaphore, #tpu.memory_space<semaphore_mem>>
        %dma_start3A_491 = arith.constant 384 : i32
        %dma_start3A_492 = tpu.memref_slice %arg24[%dma_start3A_491] : memref<528xi32, #tpu.memory_space<vmem>> -> memref<64xi32, #tpu.memory_space<vmem>>
        %dma_start3A_493 = arith.constant 0 : i32
        %dma_start3A_494 = arith.constant 0 : i32
        %dma_start3A_495 = tpu.memref_slice %arg5[%dma_start3A_493, %dma_start3A_494] : memref<16384x128xf32, #tpu.memory_space<hbm>> -> memref<16384x128xf32, #tpu.memory_space<hbm>>
        tpu.enqueue_indirect_dma source(%dma_start3A_495 : memref<16384x128xf32, #tpu.memory_space<hbm>>) target(%arg14 : memref<64x128xf32, #tpu.memory_space<vmem>>) offsets(%dma_start3A_492 : memref<64xi32, #tpu.memory_space<vmem>>) semaphore(%run_scoped3A_490 : memref<!tpu.dma_semaphore, #tpu.memory_space<semaphore_mem>>)
        %dma_wait3A_496 = arith.constant 384 : i32
        %dma_wait3A_497 = tpu.memref_slice %arg24[%dma_wait3A_496] : memref<528xi32, #tpu.memory_space<vmem>> -> memref<64xi32, #tpu.memory_space<vmem>>
        %dma_wait3A_498 = arith.constant 0 : i32
        %dma_wait3A_499 = arith.constant 0 : i32
        %dma_wait3A_500 = tpu.memref_slice %arg5[%dma_wait3A_498, %dma_wait3A_499] : memref<16384x128xf32, #tpu.memory_space<hbm>> -> memref<16384x128xf32, #tpu.memory_space<hbm>>
        tpu.wait_indirect_dma semaphore(%run_scoped3A_490 : memref<!tpu.dma_semaphore, #tpu.memory_space<semaphore_mem>>) src(%dma_wait3A_500 : memref<16384x128xf32, #tpu.memory_space<hbm>>) dst(%arg14 : memref<64x128xf32, #tpu.memory_space<vmem>>)
        tpu.yield
      }) : () -> ()
      %run_scoped3A = arith.constant 6 : i32
      "tpu.region"() ({
        %run_scoped3A_490 = tpu.sem_alloc : memref<!tpu.dma_semaphore, #tpu.memory_space<semaphore_mem>>
        %dma_start3A_491 = arith.constant 0 : i32
        %dma_start3A_492 = tpu.memref_slice %arg26[%run_scoped3A, %dma_start3A_491] : memref<8x64xi32, #tpu.memory_space<vmem>> -> memref<1x64xi32, #tpu.memory_space<vmem>>
        %dma_start3A_493 = tpu.memref_squeeze %dma_start3A_492 : memref<1x64xi32, #tpu.memory_space<vmem>> -> memref<64xi32, #tpu.memory_space<vmem>>
        %dma_start3A_494 = arith.constant 0 : i32
        %dma_start3A_495 = arith.constant 0 : i32
        %dma_start3A_496 = tpu.memref_slice %arg8[%dma_start3A_494, %dma_start3A_495] : memref<18432x128xf32, #tpu.memory_space<hbm>> -> memref<18432x128xf32, #tpu.memory_space<hbm>>
        tpu.enqueue_indirect_dma source(%arg14 : memref<64x128xf32, #tpu.memory_space<vmem>>) target(%dma_start3A_496 : memref<18432x128xf32, #tpu.memory_space<hbm>>) offsets(%dma_start3A_493 : memref<64xi32, #tpu.memory_space<vmem>>) semaphore(%run_scoped3A_490 : memref<!tpu.dma_semaphore, #tpu.memory_space<semaphore_mem>>)
        %dma_wait3A_497 = arith.constant 0 : i32
        %dma_wait3A_498 = tpu.memref_slice %arg26[%run_scoped3A, %dma_wait3A_497] : memref<8x64xi32, #tpu.memory_space<vmem>> -> memref<1x64xi32, #tpu.memory_space<vmem>>
        %dma_wait3A_499 = tpu.memref_squeeze %dma_wait3A_498 : memref<1x64xi32, #tpu.memory_space<vmem>> -> memref<64xi32, #tpu.memory_space<vmem>>
        %dma_wait3A_500 = arith.constant 0 : i32
        %dma_wait3A_501 = arith.constant 0 : i32
        %dma_wait3A_502 = tpu.memref_slice %arg8[%dma_wait3A_500, %dma_wait3A_501] : memref<18432x128xf32, #tpu.memory_space<hbm>> -> memref<18432x128xf32, #tpu.memory_space<hbm>>
        tpu.wait_indirect_dma semaphore(%run_scoped3A_490 : memref<!tpu.dma_semaphore, #tpu.memory_space<semaphore_mem>>) src(%arg14 : memref<64x128xf32, #tpu.memory_space<vmem>>) dst(%dma_wait3A_502 : memref<18432x128xf32, #tpu.memory_space<hbm>>)
        tpu.yield
      }) : () -> ()
    } else {
    }
    %gt3A_467 = arith.constant 448 : i32
    %gt3A_468 = arith.cmpi sgt, %scan3A_239, %gt3A_467 : i32
    %convert_element_type3A_469 = arith.extui %gt3A_468 : i1 to i32
    %cond3A_470 = arith.constant 0 : i32
    %cond3A_471 = arith.cmpi ne, %convert_element_type3A_469, %cond3A_470 : i32
    scf.if %cond3A_471 {
      "tpu.region"() ({
        %run_scoped3A_490 = tpu.sem_alloc : memref<!tpu.dma_semaphore, #tpu.memory_space<semaphore_mem>>
        %dma_start3A_491 = arith.constant 448 : i32
        %dma_start3A_492 = tpu.memref_slice %arg24[%dma_start3A_491] : memref<528xi32, #tpu.memory_space<vmem>> -> memref<64xi32, #tpu.memory_space<vmem>>
        %dma_start3A_493 = arith.constant 0 : i32
        %dma_start3A_494 = arith.constant 0 : i32
        %dma_start3A_495 = tpu.memref_slice %arg5[%dma_start3A_493, %dma_start3A_494] : memref<16384x128xf32, #tpu.memory_space<hbm>> -> memref<16384x128xf32, #tpu.memory_space<hbm>>
        tpu.enqueue_indirect_dma source(%dma_start3A_495 : memref<16384x128xf32, #tpu.memory_space<hbm>>) target(%arg15 : memref<64x128xf32, #tpu.memory_space<vmem>>) offsets(%dma_start3A_492 : memref<64xi32, #tpu.memory_space<vmem>>) semaphore(%run_scoped3A_490 : memref<!tpu.dma_semaphore, #tpu.memory_space<semaphore_mem>>)
        %dma_wait3A_496 = arith.constant 448 : i32
        %dma_wait3A_497 = tpu.memref_slice %arg24[%dma_wait3A_496] : memref<528xi32, #tpu.memory_space<vmem>> -> memref<64xi32, #tpu.memory_space<vmem>>
        %dma_wait3A_498 = arith.constant 0 : i32
        %dma_wait3A_499 = arith.constant 0 : i32
        %dma_wait3A_500 = tpu.memref_slice %arg5[%dma_wait3A_498, %dma_wait3A_499] : memref<16384x128xf32, #tpu.memory_space<hbm>> -> memref<16384x128xf32, #tpu.memory_space<hbm>>
        tpu.wait_indirect_dma semaphore(%run_scoped3A_490 : memref<!tpu.dma_semaphore, #tpu.memory_space<semaphore_mem>>) src(%dma_wait3A_500 : memref<16384x128xf32, #tpu.memory_space<hbm>>) dst(%arg15 : memref<64x128xf32, #tpu.memory_space<vmem>>)
        tpu.yield
      }) : () -> ()
      %run_scoped3A = arith.constant 7 : i32
      "tpu.region"() ({
        %run_scoped3A_490 = tpu.sem_alloc : memref<!tpu.dma_semaphore, #tpu.memory_space<semaphore_mem>>
        %dma_start3A_491 = arith.constant 0 : i32
        %dma_start3A_492 = tpu.memref_slice %arg26[%run_scoped3A, %dma_start3A_491] : memref<8x64xi32, #tpu.memory_space<vmem>> -> memref<1x64xi32, #tpu.memory_space<vmem>>
        %dma_start3A_493 = tpu.memref_squeeze %dma_start3A_492 : memref<1x64xi32, #tpu.memory_space<vmem>> -> memref<64xi32, #tpu.memory_space<vmem>>
        %dma_start3A_494 = arith.constant 0 : i32
        %dma_start3A_495 = arith.constant 0 : i32
        %dma_start3A_496 = tpu.memref_slice %arg8[%dma_start3A_494, %dma_start3A_495] : memref<18432x128xf32, #tpu.memory_space<hbm>> -> memref<18432x128xf32, #tpu.memory_space<hbm>>
        tpu.enqueue_indirect_dma source(%arg15 : memref<64x128xf32, #tpu.memory_space<vmem>>) target(%dma_start3A_496 : memref<18432x128xf32, #tpu.memory_space<hbm>>) offsets(%dma_start3A_493 : memref<64xi32, #tpu.memory_space<vmem>>) semaphore(%run_scoped3A_490 : memref<!tpu.dma_semaphore, #tpu.memory_space<semaphore_mem>>)
        %dma_wait3A_497 = arith.constant 0 : i32
        %dma_wait3A_498 = tpu.memref_slice %arg26[%run_scoped3A, %dma_wait3A_497] : memref<8x64xi32, #tpu.memory_space<vmem>> -> memref<1x64xi32, #tpu.memory_space<vmem>>
        %dma_wait3A_499 = tpu.memref_squeeze %dma_wait3A_498 : memref<1x64xi32, #tpu.memory_space<vmem>> -> memref<64xi32, #tpu.memory_space<vmem>>
        %dma_wait3A_500 = arith.constant 0 : i32
        %dma_wait3A_501 = arith.constant 0 : i32
        %dma_wait3A_502 = tpu.memref_slice %arg8[%dma_wait3A_500, %dma_wait3A_501] : memref<18432x128xf32, #tpu.memory_space<hbm>> -> memref<18432x128xf32, #tpu.memory_space<hbm>>
        tpu.wait_indirect_dma semaphore(%run_scoped3A_490 : memref<!tpu.dma_semaphore, #tpu.memory_space<semaphore_mem>>) src(%arg15 : memref<64x128xf32, #tpu.memory_space<vmem>>) dst(%dma_wait3A_502 : memref<18432x128xf32, #tpu.memory_space<hbm>>)
        tpu.yield
      }) : () -> ()
    } else {
    }
    %dma_wait3A_472 = arith.constant 0 : i32
    %dma_wait3A_473 = tpu.memref_slice %arg6[%dma_wait3A_472] : memref<400000xf32, #tpu.memory_space<hbm>> -> memref<400000xf32, #tpu.memory_space<hbm>>
    tpu.wait_indirect_dma semaphore(%arg16 : memref<!tpu.dma_semaphore, #tpu.memory_space<semaphore_mem>>) src(%dma_wait3A_473 : memref<400000xf32, #tpu.memory_space<hbm>>) dst(%arg22 : memref<2048xf32, #tpu.memory_space<vmem>>)
    %dma_wait3A_474 = arith.constant 0 : i32
    %dma_wait3A_475 = tpu.memref_slice %arg7[%dma_wait3A_474] : memref<65536xf32, #tpu.memory_space<hbm>> -> memref<65536xf32, #tpu.memory_space<hbm>>
    tpu.wait_indirect_dma semaphore(%arg17 : memref<!tpu.dma_semaphore, #tpu.memory_space<semaphore_mem>>) src(%dma_wait3A_475 : memref<65536xf32, #tpu.memory_space<hbm>>) dst(%arg23 : memref<2048xf32, #tpu.memory_space<vmem>>)
    %scan3A_476 = arith.constant 0 : i32
    %scan3A_477 = arith.constant 0 : i32
    %scan3A_478 = arith.constant 32 : i32
    %scan3A_479 = arith.addi %scan3A_477, %scan3A_478 : i32
    %scan3A_480 = arith.constant 1 : i32
    scf.for %scan3A_490 = %scan3A_477 to %scan3A_479 step %scan3A_480  : i32 {
      %mul3A_491 = arith.constant 16 : i32
      %mul3A_492 = arith.muli %scan3A_490, %mul3A_491 : i32
      %get3A_493 = arith.index_cast %mul3A_492 : i32 to index
      %get3A_494 = tpu.vector_load %arg13[%get3A_493] {strides = array<i32>} : memref<512xi32, #tpu.memory_space<vmem>>, vector<16xi32>,
      %gt3A_495 = arith.constant 0 : i32
      %gt3A_496 = vector.broadcast %gt3A_495 : i32 to vector<16xi32>
      %gt3A_497 = arith.cmpi sgt, %get3A_494, %gt3A_496 : vector<16xi32>
      %mul3A_498 = arith.constant 16 : i32
      %mul3A_499 = arith.muli %scan3A_490, %mul3A_498 : i32
      %add3A_500 = arith.constant 0 : i32
      %add3A_501 = arith.addi %add3A_500, %mul3A_499 : i32
      %get3A_502 = arith.index_cast %add3A_501 : i32 to index
      %get3A_503 = tpu.vector_load %arg23[%get3A_502] {strides = array<i32>} : memref<2048xf32, #tpu.memory_space<vmem>>, vector<16xf32>,
      %get3A_504 = arith.index_cast %add3A_501 : i32 to index
      %get3A_505 = tpu.vector_load %arg22[%get3A_504] {strides = array<i32>} : memref<2048xf32, #tpu.memory_space<vmem>>, vector<16xf32>,
      %select_n3A = arith.select %gt3A_497, %get3A_503, %get3A_505 : vector<16xi1>, vector<16xf32>
      %swap3A_506 = arith.index_cast %add3A_501 : i32 to index
      %swap3A_507 = tpu.vector_load %arg22[%swap3A_506] {strides = array<i32>} : memref<2048xf32, #tpu.memory_space<vmem>>, vector<16xf32>,
      tpu.vector_store %arg22[%swap3A_506], %select_n3A {strides = array<i32>} : memref<2048xf32, #tpu.memory_space<vmem>>, vector<16xf32>,
      %mul3A_508 = arith.constant 16 : i32
      %mul3A_509 = arith.muli %scan3A_490, %mul3A_508 : i32
      %add3A_510 = arith.constant 512 : i32
      %add3A_511 = arith.addi %add3A_510, %mul3A_509 : i32
      %get3A_512 = arith.index_cast %add3A_511 : i32 to index
      %get3A_513 = tpu.vector_load %arg23[%get3A_512] {strides = array<i32>} : memref<2048xf32, #tpu.memory_space<vmem>>, vector<16xf32>,
      %get3A_514 = arith.index_cast %add3A_511 : i32 to index
      %get3A_515 = tpu.vector_load %arg22[%get3A_514] {strides = array<i32>} : memref<2048xf32, #tpu.memory_space<vmem>>, vector<16xf32>,
      %select_n3A_516 = arith.select %gt3A_497, %get3A_513, %get3A_515 : vector<16xi1>, vector<16xf32>
      %swap3A_517 = arith.index_cast %add3A_511 : i32 to index
      %swap3A_518 = tpu.vector_load %arg22[%swap3A_517] {strides = array<i32>} : memref<2048xf32, #tpu.memory_space<vmem>>, vector<16xf32>,
      tpu.vector_store %arg22[%swap3A_517], %select_n3A_516 {strides = array<i32>} : memref<2048xf32, #tpu.memory_space<vmem>>, vector<16xf32>,
      %mul3A_519 = arith.constant 16 : i32
      %mul3A_520 = arith.muli %scan3A_490, %mul3A_519 : i32
      %add3A_521 = arith.constant 1024 : i32
      %add3A_522 = arith.addi %add3A_521, %mul3A_520 : i32
      %get3A_523 = arith.index_cast %add3A_522 : i32 to index
      %get3A_524 = tpu.vector_load %arg23[%get3A_523] {strides = array<i32>} : memref<2048xf32, #tpu.memory_space<vmem>>, vector<16xf32>,
      %get3A_525 = arith.index_cast %add3A_522 : i32 to index
      %get3A_526 = tpu.vector_load %arg22[%get3A_525] {strides = array<i32>} : memref<2048xf32, #tpu.memory_space<vmem>>, vector<16xf32>,
      %select_n3A_527 = arith.select %gt3A_497, %get3A_524, %get3A_526 : vector<16xi1>, vector<16xf32>
      %swap3A_528 = arith.index_cast %add3A_522 : i32 to index
      %swap3A_529 = tpu.vector_load %arg22[%swap3A_528] {strides = array<i32>} : memref<2048xf32, #tpu.memory_space<vmem>>, vector<16xf32>,
      tpu.vector_store %arg22[%swap3A_528], %select_n3A_527 {strides = array<i32>} : memref<2048xf32, #tpu.memory_space<vmem>>, vector<16xf32>,
      %mul3A_530 = arith.constant 16 : i32
      %mul3A_531 = arith.muli %scan3A_490, %mul3A_530 : i32
      %add3A_532 = arith.constant 1536 : i32
      %add3A_533 = arith.addi %add3A_532, %mul3A_531 : i32
      %get3A_534 = arith.index_cast %add3A_533 : i32 to index
      %get3A_535 = tpu.vector_load %arg23[%get3A_534] {strides = array<i32>} : memref<2048xf32, #tpu.memory_space<vmem>>, vector<16xf32>,
      %get3A_536 = arith.index_cast %add3A_533 : i32 to index
      %get3A_537 = tpu.vector_load %arg22[%get3A_536] {strides = array<i32>} : memref<2048xf32, #tpu.memory_space<vmem>>, vector<16xf32>,
      %select_n3A_538 = arith.select %gt3A_497, %get3A_535, %get3A_537 : vector<16xi1>, vector<16xf32>
      %swap3A_539 = arith.index_cast %add3A_533 : i32 to index
      %swap3A_540 = tpu.vector_load %arg22[%swap3A_539] {strides = array<i32>} : memref<2048xf32, #tpu.memory_space<vmem>>, vector<16xf32>,
      tpu.vector_store %arg22[%swap3A_539], %select_n3A_538 {strides = array<i32>} : memref<2048xf32, #tpu.memory_space<vmem>>, vector<16xf32>,
    }
    %scan3A_481 = arith.constant 32 : i32
    %add3A_482 = arith.constant 0 : i32
    %add3A_483 = arith.addi %add3A_482, %mul3A_2 : i32
    "tpu.region"() ({
      %run_scoped3A = tpu.sem_alloc : memref<!tpu.dma_semaphore, #tpu.memory_space<semaphore_mem>>
      %dma_start3A_490 = arith.constant 0 : i32
      %dma_start3A_491 = tpu.memref_slice %arg22[%dma_start3A_490] : memref<2048xf32, #tpu.memory_space<vmem>> -> memref<512xf32, #tpu.memory_space<vmem>>
      %dma_start3A_492 = tpu.memref_slice %arg9[%add3A_483] : memref<65536xf32, #tpu.memory_space<hbm>> -> memref<512xf32, #tpu.memory_space<hbm>>
      %dma_start3A_493 = tpu.memref_slice %arg9[%add3A_483] : memref<65536xf32, #tpu.memory_space<hbm>> -> memref<512xf32, #tpu.memory_space<hbm>>
      %dma_start3A_494 = arith.constant 0 : i32
      %dma_start3A_495 = tpu.memref_slice %arg22[%dma_start3A_494] : memref<2048xf32, #tpu.memory_space<vmem>> -> memref<512xf32, #tpu.memory_space<vmem>>
      tpu.enqueue_dma source(%dma_start3A_495 : memref<512xf32, #tpu.memory_space<vmem>>) target(%dma_start3A_493 : memref<512xf32, #tpu.memory_space<hbm>>) target_semaphore(%run_scoped3A : memref<!tpu.dma_semaphore, #tpu.memory_space<semaphore_mem>>)
      %dma_wait3A_496 = arith.constant 0 : i32
      %dma_wait3A_497 = tpu.memref_slice %arg22[%dma_wait3A_496] : memref<2048xf32, #tpu.memory_space<vmem>> -> memref<512xf32, #tpu.memory_space<vmem>>
      %dma_wait3A_498 = tpu.memref_slice %arg9[%add3A_483] : memref<65536xf32, #tpu.memory_space<hbm>> -> memref<512xf32, #tpu.memory_space<hbm>>
      %dma_wait3A_499 = tpu.memref_slice %arg9[%add3A_483] : memref<65536xf32, #tpu.memory_space<hbm>> -> memref<512xf32, #tpu.memory_space<hbm>>
      %dma_wait3A_500 = arith.constant 0 : i32
      %dma_wait3A_501 = tpu.memref_slice %arg22[%dma_wait3A_500] : memref<2048xf32, #tpu.memory_space<vmem>> -> memref<512xf32, #tpu.memory_space<vmem>>
      tpu.wait_dma2 semaphore(%run_scoped3A : memref<!tpu.dma_semaphore, #tpu.memory_space<semaphore_mem>>) src(%dma_wait3A_501 : memref<512xf32, #tpu.memory_space<vmem>>) dst(%dma_wait3A_499 : memref<512xf32, #tpu.memory_space<hbm>>)
      tpu.yield
    }) : () -> ()
    %add3A_484 = arith.constant 16384 : i32
    %add3A_485 = arith.addi %add3A_484, %mul3A_2 : i32
    "tpu.region"() ({
      %run_scoped3A = tpu.sem_alloc : memref<!tpu.dma_semaphore, #tpu.memory_space<semaphore_mem>>
      %dma_start3A_490 = arith.constant 512 : i32
      %dma_start3A_491 = tpu.memref_slice %arg22[%dma_start3A_490] : memref<2048xf32, #tpu.memory_space<vmem>> -> memref<512xf32, #tpu.memory_space<vmem>>
      %dma_start3A_492 = tpu.memref_slice %arg9[%add3A_485] : memref<65536xf32, #tpu.memory_space<hbm>> -> memref<512xf32, #tpu.memory_space<hbm>>
      %dma_start3A_493 = tpu.memref_slice %arg9[%add3A_485] : memref<65536xf32, #tpu.memory_space<hbm>> -> memref<512xf32, #tpu.memory_space<hbm>>
      %dma_start3A_494 = arith.constant 512 : i32
      %dma_start3A_495 = tpu.memref_slice %arg22[%dma_start3A_494] : memref<2048xf32, #tpu.memory_space<vmem>> -> memref<512xf32, #tpu.memory_space<vmem>>
      tpu.enqueue_dma source(%dma_start3A_495 : memref<512xf32, #tpu.memory_space<vmem>>) target(%dma_start3A_493 : memref<512xf32, #tpu.memory_space<hbm>>) target_semaphore(%run_scoped3A : memref<!tpu.dma_semaphore, #tpu.memory_space<semaphore_mem>>)
      %dma_wait3A_496 = arith.constant 512 : i32
      %dma_wait3A_497 = tpu.memref_slice %arg22[%dma_wait3A_496] : memref<2048xf32, #tpu.memory_space<vmem>> -> memref<512xf32, #tpu.memory_space<vmem>>
      %dma_wait3A_498 = tpu.memref_slice %arg9[%add3A_485] : memref<65536xf32, #tpu.memory_space<hbm>> -> memref<512xf32, #tpu.memory_space<hbm>>
      %dma_wait3A_499 = tpu.memref_slice %arg9[%add3A_485] : memref<65536xf32, #tpu.memory_space<hbm>> -> memref<512xf32, #tpu.memory_space<hbm>>
      %dma_wait3A_500 = arith.constant 512 : i32
      %dma_wait3A_501 = tpu.memref_slice %arg22[%dma_wait3A_500] : memref<2048xf32, #tpu.memory_space<vmem>> -> memref<512xf32, #tpu.memory_space<vmem>>
      tpu.wait_dma2 semaphore(%run_scoped3A : memref<!tpu.dma_semaphore, #tpu.memory_space<semaphore_mem>>) src(%dma_wait3A_501 : memref<512xf32, #tpu.memory_space<vmem>>) dst(%dma_wait3A_499 : memref<512xf32, #tpu.memory_space<hbm>>)
      tpu.yield
    }) : () -> ()
    %add3A_486 = arith.constant 32768 : i32
    %add3A_487 = arith.addi %add3A_486, %mul3A_2 : i32
    "tpu.region"() ({
      %run_scoped3A = tpu.sem_alloc : memref<!tpu.dma_semaphore, #tpu.memory_space<semaphore_mem>>
      %dma_start3A_490 = arith.constant 1024 : i32
      %dma_start3A_491 = tpu.memref_slice %arg22[%dma_start3A_490] : memref<2048xf32, #tpu.memory_space<vmem>> -> memref<512xf32, #tpu.memory_space<vmem>>
      %dma_start3A_492 = tpu.memref_slice %arg9[%add3A_487] : memref<65536xf32, #tpu.memory_space<hbm>> -> memref<512xf32, #tpu.memory_space<hbm>>
      %dma_start3A_493 = tpu.memref_slice %arg9[%add3A_487] : memref<65536xf32, #tpu.memory_space<hbm>> -> memref<512xf32, #tpu.memory_space<hbm>>
      %dma_start3A_494 = arith.constant 1024 : i32
      %dma_start3A_495 = tpu.memref_slice %arg22[%dma_start3A_494] : memref<2048xf32, #tpu.memory_space<vmem>> -> memref<512xf32, #tpu.memory_space<vmem>>
      tpu.enqueue_dma source(%dma_start3A_495 : memref<512xf32, #tpu.memory_space<vmem>>) target(%dma_start3A_493 : memref<512xf32, #tpu.memory_space<hbm>>) target_semaphore(%run_scoped3A : memref<!tpu.dma_semaphore, #tpu.memory_space<semaphore_mem>>)
      %dma_wait3A_496 = arith.constant 1024 : i32
      %dma_wait3A_497 = tpu.memref_slice %arg22[%dma_wait3A_496] : memref<2048xf32, #tpu.memory_space<vmem>> -> memref<512xf32, #tpu.memory_space<vmem>>
      %dma_wait3A_498 = tpu.memref_slice %arg9[%add3A_487] : memref<65536xf32, #tpu.memory_space<hbm>> -> memref<512xf32, #tpu.memory_space<hbm>>
      %dma_wait3A_499 = tpu.memref_slice %arg9[%add3A_487] : memref<65536xf32, #tpu.memory_space<hbm>> -> memref<512xf32, #tpu.memory_space<hbm>>
      %dma_wait3A_500 = arith.constant 1024 : i32
      %dma_wait3A_501 = tpu.memref_slice %arg22[%dma_wait3A_500] : memref<2048xf32, #tpu.memory_space<vmem>> -> memref<512xf32, #tpu.memory_space<vmem>>
      tpu.wait_dma2 semaphore(%run_scoped3A : memref<!tpu.dma_semaphore, #tpu.memory_space<semaphore_mem>>) src(%dma_wait3A_501 : memref<512xf32, #tpu.memory_space<vmem>>) dst(%dma_wait3A_499 : memref<512xf32, #tpu.memory_space<hbm>>)
      tpu.yield
    }) : () -> ()
    %add3A_488 = arith.constant 49152 : i32
    %add3A_489 = arith.addi %add3A_488, %mul3A_2 : i32
    "tpu.region"() ({
      %run_scoped3A = tpu.sem_alloc : memref<!tpu.dma_semaphore, #tpu.memory_space<semaphore_mem>>
      %dma_start3A_490 = arith.constant 1536 : i32
      %dma_start3A_491 = tpu.memref_slice %arg22[%dma_start3A_490] : memref<2048xf32, #tpu.memory_space<vmem>> -> memref<512xf32, #tpu.memory_space<vmem>>
      %dma_start3A_492 = tpu.memref_slice %arg9[%add3A_489] : memref<65536xf32, #tpu.memory_space<hbm>> -> memref<512xf32, #tpu.memory_space<hbm>>
      %dma_start3A_493 = tpu.memref_slice %arg9[%add3A_489] : memref<65536xf32, #tpu.memory_space<hbm>> -> memref<512xf32, #tpu.memory_space<hbm>>
      %dma_start3A_494 = arith.constant 1536 : i32
      %dma_start3A_495 = tpu.memref_slice %arg22[%dma_start3A_494] : memref<2048xf32, #tpu.memory_space<vmem>> -> memref<512xf32, #tpu.memory_space<vmem>>
      tpu.enqueue_dma source(%dma_start3A_495 : memref<512xf32, #tpu.memory_space<vmem>>) target(%dma_start3A_493 : memref<512xf32, #tpu.memory_space<hbm>>) target_semaphore(%run_scoped3A : memref<!tpu.dma_semaphore, #tpu.memory_space<semaphore_mem>>)
      %dma_wait3A_496 = arith.constant 1536 : i32
      %dma_wait3A_497 = tpu.memref_slice %arg22[%dma_wait3A_496] : memref<2048xf32, #tpu.memory_space<vmem>> -> memref<512xf32, #tpu.memory_space<vmem>>
      %dma_wait3A_498 = tpu.memref_slice %arg9[%add3A_489] : memref<65536xf32, #tpu.memory_space<hbm>> -> memref<512xf32, #tpu.memory_space<hbm>>
      %dma_wait3A_499 = tpu.memref_slice %arg9[%add3A_489] : memref<65536xf32, #tpu.memory_space<hbm>> -> memref<512xf32, #tpu.memory_space<hbm>>
      %dma_wait3A_500 = arith.constant 1536 : i32
      %dma_wait3A_501 = tpu.memref_slice %arg22[%dma_wait3A_500] : memref<2048xf32, #tpu.memory_space<vmem>> -> memref<512xf32, #tpu.memory_space<vmem>>
      tpu.wait_dma2 semaphore(%run_scoped3A : memref<!tpu.dma_semaphore, #tpu.memory_space<semaphore_mem>>) src(%dma_wait3A_501 : memref<512xf32, #tpu.memory_space<vmem>>) dst(%dma_wait3A_499 : memref<512xf32, #tpu.memory_space<hbm>>)
      tpu.yield
    }) : () -> ()
    return
  }
}

module attributes {stable_mosaic.version = 14 : i64} {
  func.func @_tc_body(%arg0: i32, %arg1: memref<2048x128xf32, #tpu.memory_space<vmem>>, %arg2: memref<4x2048xf32, #tpu.memory_space<vmem>>, %arg3: memref<68x128xf32, #tpu.memory_space<vmem>>, %arg4: memref<68x4xf32, #tpu.memory_space<vmem>>, %arg5: memref<68x2048xf32, #tpu.memory_space<vmem>>) attributes {dimension_semantics = [#tpu.dimension_semantics<arbitrary>], iteration_bounds = array<i64: 8>, scalar_prefetch = 0 : i64, scratch_operands = 0 : i64, tpu.core_type = #tpu.core_type<tc>, window_params = [{transform_indices = @transform_0, window_bounds = array<i64: 2048, 128>}, {transform_indices = @transform_1, window_bounds = array<i64: 4, 2048>}, {pipeline_mode = #tpu.pipeline_mode<synchronous>, transform_indices = @transform_2, window_bounds = array<i64: 68, 128>}, {pipeline_mode = #tpu.pipeline_mode<synchronous>, transform_indices = @transform_3, window_bounds = array<i64: 68, 4>}, {transform_indices = @transform_4, window_bounds = array<i64: 68, 2048>}]} {
    %get3A = arith.constant 0 : index
    %get3A_0 = arith.constant 0 : index
    %get3A_1 = vector.load %arg3[%get3A, %get3A_0] : memref<68x128xf32, #tpu.memory_space<vmem>>, vector<68x128xf32>
    %get3A_2 = arith.constant 0 : index
    %get3A_3 = arith.constant 0 : index
    %get3A_4 = vector.load %arg1[%get3A_2, %get3A_3] : memref<2048x128xf32, #tpu.memory_space<vmem>>, vector<2048x128xf32>
    %dot_general3A = arith.constant dense<0.000000e+00> : vector<68x2048xf32>
    %dot_general3A_5 = tpu.matmul %get3A_1, %get3A_4, %dot_general3A {dimension_numbers = #tpu.dot_dimension_numbers<[1], [1], [0], [0], [0, 0, 1, 0], [], []>, transpose_lhs_hint = false} : vector<68x128xf32>, vector<2048x128xf32>, vector<68x2048xf32> -> vector<68x2048xf32>
    %get3A_6 = arith.constant 0 : index
    %get3A_7 = arith.constant 0 : index
    %get3A_8 = vector.load %arg4[%get3A_6, %get3A_7] : memref<68x4xf32, #tpu.memory_space<vmem>>, vector<68x4xf32>
    %get3A_9 = arith.constant 0 : index
    %get3A_10 = arith.constant 0 : index
    %get3A_11 = vector.load %arg2[%get3A_9, %get3A_10] : memref<4x2048xf32, #tpu.memory_space<vmem>>, vector<4x2048xf32>
    %dot_general3A_12 = arith.constant dense<0.000000e+00> : vector<68x2048xf32>
    %dot_general3A_13 = tpu.matmul %get3A_8, %get3A_11, %dot_general3A_12 {dimension_numbers = #tpu.dot_dimension_numbers<[1], [0], [0], [1], [0, 0, 1, 1], [], []>, transpose_lhs_hint = false} : vector<68x4xf32>, vector<4x2048xf32>, vector<68x2048xf32> -> vector<68x2048xf32>
    %add3A = arith.addf %dot_general3A_5, %dot_general3A_13 : vector<68x2048xf32>
    %swap3A = arith.constant 0 : index
    %swap3A_14 = arith.constant 0 : index
    %swap3A_15 = vector.load %arg5[%swap3A, %swap3A_14] : memref<68x2048xf32, #tpu.memory_space<vmem>>, vector<68x2048xf32>
    tpu.vector_store %arg5[%swap3A, %swap3A_14], %add3A {strides = array<i32>} : memref<68x2048xf32, #tpu.memory_space<vmem>>, vector<68x2048xf32>,
    return
  }
  func.func @transform_0(%arg0: i32) -> (i32, i32) {
    %c0_i32 = arith.constant 0 : i32
    %c0_i32_0 = arith.constant 0 : i32
    return %arg0, %c0_i32 : i32, i32
  }
  func.func @transform_1(%arg0: i32) -> (i32, i32) {
    %c0_i32 = arith.constant 0 : i32
    %c0_i32_0 = arith.constant 0 : i32
    return %c0_i32, %arg0 : i32, i32
  }
  func.func @transform_2(%arg0: i32) -> (i32, i32) {
    %c0_i32 = arith.constant 0 : i32
    %c0_i32_0 = arith.constant 0 : i32
    %c0_i32_1 = arith.constant 0 : i32
    return %c0_i32, %c0_i32_0 : i32, i32
  }
  func.func @transform_3(%arg0: i32) -> (i32, i32) {
    %c0_i32 = arith.constant 0 : i32
    %c0_i32_0 = arith.constant 0 : i32
    %c0_i32_1 = arith.constant 0 : i32
    return %c0_i32, %c0_i32_0 : i32, i32
  }
  func.func @transform_4(%arg0: i32) -> (i32, i32) {
    %c0_i32 = arith.constant 0 : i32
    %c0_i32_0 = arith.constant 0 : i32
    return %c0_i32, %arg0 : i32, i32
  }
}

</mosaic_0001>

<sc_bundles>
// kernel: kernel.4.cloned.1.call-start
scs
__scs_entry_jumppad:
0x0: {  	(pc) =	sbr.rel $0x88, $3  }
0x1: {  	(tag) =	ssettag $0x0;
	lr =	simm.s32 $0x1  }
0x2: {  	[smem:$0x3F9A] =	sst lr;
	_ =	strace $0xD0000000  }
0x3: {  	_ = 	snop  }
0x4: {  	_ = 	snop  }
0x5: {  	_ = 	snop  }
0x6: {  	_ = 	snop  }
0x7: {  	_ = 	snop  }
__scs_overlays_trampoline_lowered:
0x8: {  	[smem:$0x3FA9] =	sst s0  }
0x9: {  	[smem:$0x3FAA] =	sst s1  }
0xa: {  	[smem:$0x3FAB] =	sst s2  }
0xb: {  	[smem:$0x3FAC] =	sst s3  }
0xc: {  	[smem:$0x3FAD] =	sst s4  }
0xd: {  	[smem:$0x3FAE] =	sst s5  }
0xe: {  	[smem:$0x3FAF] =	sst s6  }
0xf: {  	[smem:$0x3FB0] =	sst s7  }
0x10: {  	[smem:$0x3FB1] =	sst s8  }
0x11: {  	[smem:$0x3FB2] =	sst s9;
	s0 =	simm.s32 @!p0 $0x0  }
0x12: {  	s1 =	sld [smem:$0x3F98];
	s0 =	simm.s32 @p0 $0x1  }
0x13: {  	[smem:$0x3FB3] =	sst s0;
	s0 =	simm.s32 @!p1 $0x0  }
0x14: {  	s2 =	sld [smem:$0x3F97];
	s0 =	simm.s32 @p1 $0x1  }
0x15: {  	[smem:$0x3FB4] =	sst s0;
	s0 =	simm.s32 @!p2 $0x0  }
0x16: {  	s3 =	sld [smem:$0x3FDB];
	s0 =	simm.s32 @p2 $0x1  }
0x17: {  	s4 =	simm.s32 $0x1BF5;
	[smem:$0x3FB6] =	sst s0  }
0x18: {  	s0 =	sld [smem:$0x3F99];
	_ =	swait.ge [sflag:s4], $0x0  }
0x19: {  	s7 =	sld [smem:$0x3F9A]  }
0x1a: {  	s8 =	sadd.s32 $0xFFFFE003, lr  }
0x1b: {  	s9 =	sadd.s32 $0xFFFFFEF7, lr;
	s5 =	simm.s32 $0xFFFFFFFF;
	p2 =	slt.u32 s8, $0xFFFFF086  }
0x1c: {  	p1 =	slt.u32 s9, $0xF7A;
	s5 =	simm.s32 @!p2 $0x0  }
0x1d: {  	s5 =	simm.s32 @p1 $0x1;
	p0 =	seq.s32 s7, s2  }
0x1e: {  	s7 =	smul.u32 @!p0 $0xF7A, s2;
	p2 =	seq.s32 @!p0 s5, $0x0  }
0x1f: {  	s9 =	smul.u32 $0xF7A, s1;
	s8 =	simm.s32 @!p0 $0x1BF5;
	p2 =	por !p2, p0  }
0x20: {  	[sflag:s8] =	ssyncset.s32 @!p0 $0xFFFFF086;
	s6 =	sadd.s32 @!p0 s3, s7;
	s7 =	simm.s32 @!p0 $0x108  }
0x21: {  	s3 =	sadd.s32 s3, s9;
	s6 =	sadd.s32 @!p0 $0x88, s6;
	s7 =	simm.s32 @p2 $0x1082  }
0x22: {  	[simem:s7], [sflag:s8] =	dma.local @!p0 [hbm:s6], $0xF7A  }
0x23: {  	s9 =	sor.u32 $0xD0000000, s2;
	s6 =	simm.s32 $0x108;
	_ =	swait.ge @!p0 [sflag:s8], $0x0  }
0x24: {  	s3 =	sadd.s32 $0x88, s3;
	s6 =	simm.s32 @!p1 $0x1082;
	[sflag:s4] =	ssyncset.s32 $0xFFFFF086  }
0x25: {  	[simem:s6], [sflag:s4] =	dma.local [hbm:s3], $0xF7A  }
0x26: {  	[smem:$0x3F9A] =	sst s1;
	(tag) =	ssettag s2;
	_ =	strace s9  }
0x27: {  	s1 =	sld [smem:$0x3FAA]  }
0x28: {  	s2 =	sld [smem:$0x3FAB]  }
0x29: {  	s4 =	sld [smem:$0x3FAD]  }
0x2a: {  	p0 =	seq.s32 s5, $0x0;
	s5 =	sld [smem:$0x3FAE]  }
0x2b: {  	s6 =	sld [smem:$0x3FAF]  }
0x2c: {  	s7 =	sld [smem:$0x3FB0]  }
0x2d: {  	s3 =	simm.s32 $0x108;
	s8 =	sld [smem:$0x3FB1]  }
0x2e: {  	s3 =	simm.s32 @!p0 $0x1082;
	s9 =	sld [smem:$0x3FB2]  }
0x2f: {  	lr =	sadd.s32 s0, s3;
	s0 =	sld [smem:$0x3FA9]  }
0x30: {  	s3 =	sld [smem:$0x3FAC]  }
0x31: {  	[smem:$0x3FB5] =	sst s10  }
0x32: {  	s10 =	sld [smem:$0x3FB3];
	_ =	sdelay $0x3  }
0x33: {  	p0 =	seq.s32 s10, $0x1;
	s10 =	sld [smem:$0x3FB5];
	_ =	sdelay $0x3  }
0x34: {  	[smem:$0x3FB5] =	sst s10  }
0x35: {  	s10 =	sld [smem:$0x3FB4];
	_ =	sdelay $0x3  }
0x36: {  	p1 =	seq.s32 s10, $0x1;
	s10 =	sld [smem:$0x3FB5];
	_ =	sdelay $0x3  }
0x37: {  	[smem:$0x3FB5] =	sst s10  }
0x38: {  	s10 =	sld [smem:$0x3FB6]  }
0x39: {  	_ = 	snop;
	(pc) =	sbr.ind lr, $3  }
0x3a: {  	_ = 	snop  }
0x3b: {  	_ = 	snop  }
0x3c: {  	p2 =	seq.s32 s10, $0x1;
	s10 =	sld [smem:$0x3FB5]  }
0x3d: {  	_ =	shalt  }
0x3e: {  	_ =	shalt  }
0x3f: {  	_ =	shalt  }
0x40: {  	_ =	shalt  }
0x41: {  	_ =	shalt  }
0x42: {  	_ =	shalt  }
0x43: {  	_ =	shalt  }
0x44: {  	_ =	shalt  }
0x45: {  	_ =	shalt  }
0x46: {  	_ =	shalt  }
0x47: {  	_ =	shalt  }
0x48: {  	_ =	shalt  }
0x49: {  	_ =	shalt  }
0x4a: {  	_ =	shalt  }
0x4b: {  	_ =	shalt  }
0x4c: {  	_ =	shalt  }
0x4d: {  	_ =	shalt  }
0x4e: {  	_ =	shalt  }
0x4f: {  	_ =	shalt  }
0x50: {  	_ =	shalt  }
0x51: {  	_ =	shalt  }
0x52: {  	_ =	shalt  }
0x53: {  	_ =	shalt  }
0x54: {  	_ =	shalt  }
0x55: {  	_ =	shalt  }
0x56: {  	_ =	shalt  }
0x57: {  	_ =	shalt  }
0x58: {  	_ =	shalt  }
0x59: {  	_ =	shalt  }
0x5a: {  	_ =	shalt  }
0x5b: {  	_ =	shalt  }
0x5c: {  	_ =	shalt  }
0x5d: {  	_ =	shalt  }
0x5e: {  	_ =	shalt  }
0x5f: {  	_ =	shalt  }
0x60: {  	_ =	shalt  }
0x61: {  	_ =	shalt  }
0x62: {  	_ =	shalt  }
0x63: {  	_ =	shalt  }
0x64: {  	_ =	shalt  }
0x65: {  	_ =	shalt  }
0x66: {  	_ =	shalt  }
0x67: {  	_ =	shalt  }
0x68: {  	_ =	shalt  }
0x69: {  	_ =	shalt  }
0x6a: {  	_ =	shalt  }
0x6b: {  	_ =	shalt  }
0x6c: {  	_ =	shalt  }
0x6d: {  	_ =	shalt  }
0x6e: {  	_ =	shalt  }
0x6f: {  	_ =	shalt  }
0x70: {  	_ =	shalt  }
0x71: {  	_ =	shalt  }
0x72: {  	_ =	shalt  }
0x73: {  	_ =	shalt  }
0x74: {  	_ =	shalt  }
0x75: {  	_ =	shalt  }
0x76: {  	_ =	shalt  }
0x77: {  	_ =	shalt  }
0x78: {  	_ =	shalt  }
0x79: {  	_ =	shalt  }
0x7a: {  	_ =	shalt  }
0x7b: {  	_ =	shalt  }
0x7c: {  	_ =	shalt  }
0x7d: {  	_ =	shalt  }
0x7e: {  	_ =	shalt  }
0x7f: {  	_ =	shalt  }
0x80: {  	_ =	shalt  }
0x81: {  	_ =	shalt  }
0x82: {  	_ =	shalt  }
0x83: {  	_ =	shalt  }
0x84: {  	_ =	shalt  }
0x85: {  	_ =	shalt  }
0x86: {  	_ =	shalt  }
0x87: {  	_ =	shalt  }
.Lfunc_end0:
.L_simem_size_0:
called_computation_lowered:
.L_overlay_start_0:
0x88: {  	s2 =	sld [smem:$0x3FD9]  }
0x89: {  	s3 =	sld [smem:$0x3FFE];
	_ =	sdelay $0x1  }
0x8a: {  	s1 =	srdreg.scid  }
0x8b: {  	s0 =	sand.u32 $0x1, s1  }
0x8c: {  	s17 =	sshll.u32 s0, $0xA;
	s2 =	sadd.s32 s3, s2  }
0x8d: {  	s2 =	sadd.s32 s2, s17  }
0x8e: {  	[smem:$0x3FC1] =	sst s2  }
0x8f: {  	_ = 	snop  }
0x90: {  	s2 =	sld [smem:$0x3FC9]  }
0x91: {  	s18 =	sld [smem:$0x3FC7]  }
0x92: {  	s4 =	sld [smem:$0x3FC6]  }
0x93: {  	s5 =	sld [smem:$0x3FC4]  }
0x94: {  	s6 =	sld [smem:$0x3FD0];
	(tm) =	ssettm $0x1  }
0x95: {  	s7 =	sld [smem:$0x3FFB];
	_ =	sdelay $0x3  }
0x96: {  	_ =	strace s7  }
0x97: {  	s7 =	sld [smem:$0x3FFC];
	_ =	sdelay $0x3  }
0x98: {  	_ =	strace s7  }
0x99: {  	s7 =	sld [smem:$0x3FFD];
	_ =	sdelay $0x3  }
0x9a: {  	_ =	strace s7  }
0x9b: {  	_ =	strace $0x8FFFFFFF  }
0x9c: {  	s19 =	sld [smem:$0x3FDB];
	_ =	sdelay $0x1  }
0x9d: {  	s8 =	simm.s32 $_scs_section_size  }
0x9e: {  	s9 =	simm.s32 $_size__tile_overlayer_lowered;
	s10 =	simm.s32 $_tile_overlayer_lowered  }
0x9f: {  	s22 =	simm.s32 $0x1BFF;
	s21 =	sshll.u32 s10, $0x1;
	s7 =	sadd.s32 s8, s19  }
0xa0: {  	s11 =	simm.s32 $0x0;
	s20 =	sshll.u32 s9, $0x1;
	s9 =	sadd.s32 s21, s7  }
0xa1: {  	[timem:s11], [sflag:s22] =	dma.local [hbm:s9], s20  }
0xa2: {  	_ =	swait.ge [sflag:s22], s20  }
0xa3: {  	s8 =	ssub.s32 $0x0, s20;
	[sflag:s22] =	ssyncset.done $0x0  }
0xa4: {  	[sflag:s22] =	ssyncadd.s32 s8;
	_ =	sdelay $0x1  }
0xa5: {  	s23 =	simm.s32 $0x1B8B  }
0xa6: {  	_ =	swait.ge [sflag:s23], $0x1  }
0xa7: {  	[sflag:s23] =	ssyncset.done $0x0  }
0xa8: {  	s25 =	simm.s32 $0x1B8E;
	s24 =	sld [smem:$0x3FFE];
	[sflag:s23] =	ssyncadd.s32 $0xFFFFFFFF  }
0xa9: {  	s26 =	simm.s32 $execute0_lowered;
	[smem:$0x3FD2] =	sst s25  }
0xaa: {  	s9 =	sshll.u32 s26, $0x1;
	_ =	strace $0x80000046;
	[dreg:$0x1] =	wrdreg $0xFFFFFFFF  }
0xab: {  	s28 =	simm.s32 $_size_execute0_lowered;
	s7 =	sadd.s32 s7, s9;
	[dreg:$0x0] =	wrdreg $0x0  }
0xac: {  	s9 =	sshll.u32 s28, $0x1;
	[dreg:$0x2] =	wrdreg s7  }
0xad: {  	[dreg:$0x3] =	wrdreg s9  }
0xae: {  	[dreg:$0x4] =	wrdreg $0xC0  }
0xaf: {  	_ =	task [dreg:s11], $0x5FFFF  }
0xb0: {  	[dreg:$0x1] =	wrdreg $0xFFFFFFFF  }
0xb1: {  	[dreg:$0x0] =	wrdreg $0x60  }
0xb2: {  	[dreg:$0x2] =	wrdreg s18  }
0xb3: {  	[dreg:$0x3] =	wrdreg s5  }
0xb4: {  	[dreg:$0x4] =	wrdreg s2  }
0xb5: {  	[dreg:$0x5] =	wrdreg s4  }
0xb6: {  	[dreg:$0x6] =	wrdreg s6  }
0xb7: {  	[dreg:$0x7] =	wrdreg s24  }
0xb8: {  	[dreg:$0x8] =	wrdreg $0x9  }
0xb9: {  	_ =	task.clear_ibuf [dreg:s11], $0x9FFFF;
	_ =	strace $0x90000046  }
0xba: {  	s29 =	simm.s32 $0x9;
	_ =	strace $0x80000048  }
0xbb: {  	_ =	swait.ge [sflag:s29], $0x1  }
0xbc: {  	[sflag:s29] =	ssyncadd.s32 $0xFFFFFFFF  }
0xbd: {  	_ =	strace $0x90000048  }
0xbe: {  	_ =	sfence  }
0xbf: {  	s30 =	sld [smem:$0x0];
	_ =	sdelay $0x2  }
0xc0: {  	s31 =	sshll.u32 s1, $0xD;
	s1 =	sshrl.u32 s1, $0x2  }
0xc1: {  	s3 =	sand.u32 $0x4000, s31;
	s1 =	sadd.s32 s1, s30  }
0xc2: {  	s0 =	sor.u32 s3, s0;
	s1 =	sshll.u32 s1, $0x11  }
0xc3: {  	s0 =	sor.u32 s1, s0  }
0xc4: {  	s0 =	sadd.s32 $0x8F2B, s0  }
0xc5: {  	[sflag:s0] =	ssyncadd.remote.s32 $0x1  }
0xc6: {  	_ =	sfence.sel $0xFFFF  }
0xc7: {  	[dreg:$0x0] =	wrdreg $0xFFFFFFFF;
	(pc) =	sbr.abs _section_cstart, $3  }
0xc8: {  	[dreg:$0x1] =	wrdreg $0xFFFFFFFF  }
0xc9: {  	_ =	task.clear_ibuf [dreg:s11], $0x2FFFF;
	_ =	strace $0x9FFFFFFF  }
0xca: {  	(tm) =	ssettm $0x7FFFFFFF  }
0xcb: {  	_ =	shalt  }
tec
execute0_lowered:
.L_overlay_start_1:
0x0: {  	(tag) =	ssettag $0x1  }
0x1: {  	s11 =	rddreg [dreg:$0x0]  }
0x2: {  	s0 =	rddreg [dreg:$0x1]  }
0x3: {  	s2 =	rddreg [dreg:$0x2]  }
0x4: {  	s3 =	rddreg [dreg:$0x3]  }
0x5: {  	s1 =	rddreg [dreg:$0x5];
	s6 =	simm.s32 $0x0;
	s4 =	srdreg.scid  }
0x6: {  	s5 =	stileid.u32;
	[smem:$0x7FF] =	sst s6;
	s4 =	sand.u32 $0x1, s4  }
0x7: {  	s7 =	sadd.s32 $0xA00, s1;
	s5 =	sshll.u32 s5, $0xA;
	s8 =	sadd.s32 $0x4A00, s1  }
0x8: {  	s13 =	sadd.s32 $0x100, s11;
	_ =	strace $0x80000047;
	[dreg:$0x7] =	wrdreg s7  }
0x9: {  	s15 =	sadd.s32 $0x200, s11;
	s17 =	sadd.s32 $0x300, s11;
	[dreg:$0x9] =	wrdreg s13  }
0xa: {  	s19 =	sadd.s32 $0x400, s11;
	s21 =	sadd.s32 $0x500, s11;
	[dreg:$0xb] =	wrdreg s15  }
0xb: {  	s28 =	sadd.s32 $0x600, s11;
	s30 =	sadd.s32 $0x700, s11;
	[dreg:$0xd] =	wrdreg s17  }
0xc: {  	s11 =	simm.s32 $0x1;
	s10 =	sshll.u32 s4, $0x9;
	[dreg:$0xf] =	wrdreg s19  }
0xd: {  	s4 =	ssub.s32 $0x2, s4;
	[dreg:$0x11] =	wrdreg s21;
	s7 =	simm.s32 $0x18A00  }
0xe: {  	s13 =	simm.s32 $0x3;
	s15 =	simm.s32 $0x1D400;
	s9 =	sor.u32 s10, s5  }
0xf: {  	s17 =	simm.s32 $0x800;
	s12 =	sshrl.u32 s4, $0x1;
	s5 =	sshrl.u32 s9, $0x3  }
0x10: {  	s10 =	sshll.u32 s9, $0x4;
	s4 =	ssub.s32 s4, s12;
	s0 =	sadd.s32 s0, s5  }
0x11: {  	s10 =	sadd.s32 s8, s10;
	s26 =	smax.u32 s4, $0x1;
	[dreg:$0x8] =	wrdreg s0  }
0x12: {  	s19 =	simm.s32 $0x0;
	s14 =	sadd.s32 $0x400, s10;
	[dreg:$0x16] =	wrdreg s26  }
0x13: {  	s12 =	simm.s32 $0x1B400;
	s16 =	sadd.s32 $0x800, s10;
	[dreg:$0xa] =	wrdreg s14  }
0x14: {  	v0 =	vimm.s32 $0xFFEDCBA9;
	v1 =	vimm.s32 $0x87654321;
	s1 =	sadd.s32 s5, s1;
	s18 =	sadd.s32 $0xC00, s10;
	[dreg:$0xc] =	wrdreg s16  }
0x15: {  	v0 =	vunpack.c.l.s4.s8 v0;
	v1 =	vunpack.c.l.s4.s8 v1;
	s5 =	simm.s32 $0x5;
	s20 =	sadd.s32 $0x1000, s10;
	[dreg:$0xe] =	wrdreg s18  }
0x16: {  	s4 =	simm.s32 $0x40;
	s22 =	sadd.s32 $0x2A00, s1;
	[dreg:$0x10] =	wrdreg s20  }
0x17: {  	v0 =	vunpack.c.0.s8.s32 v0;
	v1 =	vunpack.c.0.s8.s32 v1;
	s23 =	sadd.s32 $0x3200, s1;
	s24 =	sadd.s32 $0x3A00, s1;
	[dreg:$0x12] =	wrdreg s22  }
0x18: {  	s25 =	sadd.s32 $0x4200, s1;
	s26 =	sadd.s32 $0x1400, s10;
	[dreg:$0x13] =	wrdreg s23  }
0x19: {  	v2 =	vcombine.low v1, v0;
	s29 =	sadd.s32 $0x1800, s10;
	s31 =	sadd.s32 $0x1C00, s10;
	[dreg:$0x14] =	wrdreg s24  }
0x1a: {  	vm0 =	vcmask $0x3F3C;
	s1 =	simm.s32 $0x19400;
	s0 =	simm.s32 $0x2;
	[dreg:$0x15] =	wrdreg s25  }
0x1b: {  	v0 =	vimm.s32 $0x0;
	v1 =	vlaneseq.u32;
	s14 =	simm.s32 $0x4;
	s16 =	simm.s32 $0x1DC00;
	s18 =	simm.s32 $0x1E400;
	v2 =	vand.u32 $0xF, v2  }
.LBB2_1:
0x1c: {  	s20 =	rddreg [dreg:$0x8];
	s21 =	simm.s32 $0x18800  }
0x1d: {  	[tilespmem:s21], [sflag:$0x5] =	stream.linear.gather [hbm4b:s20+s6], $0x200, $0x38;
	[tilespmem:$0x1FD00] =	vst v63  }
0x1e: {  	_ =	swait.ge [sflag:s5], $0x200  }
0x1f: {  	[sflag:s5] =	ssyncset.done $0x0  }
0x20: {  	[sflag:s5] =	ssyncadd.s32 $0xFFFFFE00  }
0x21: {  	v3 =	vld [tilespmem:$0x18800];
	_ =	sdelay $0x7  }
0x22: {  	[tilespmem:v3+s6+$0x0] =	vst.idx.msk $0xffff, v0  }
0x23: {  	v3 =	vld [tilespmem:$0x18810];
	_ =	sdelay $0x7  }
0x24: {  	[tilespmem:v3+s6+$0x0] =	vst.idx.msk $0xffff, v0  }
0x25: {  	v3 =	vld [tilespmem:$0x18820];
	_ =	sdelay $0x7  }
0x26: {  	[tilespmem:v3+s6+$0x0] =	vst.idx.msk $0xffff, v0  }
0x27: {  	v3 =	vld [tilespmem:$0x18830];
	_ =	sdelay $0x7  }
0x28: {  	[tilespmem:v3+s6+$0x0] =	vst.idx.msk $0xffff, v0  }
0x29: {  	v3 =	vld [tilespmem:$0x18840];
	_ =	sdelay $0x7  }
0x2a: {  	[tilespmem:v3+s6+$0x0] =	vst.idx.msk $0xffff, v0  }
0x2b: {  	v3 =	vld [tilespmem:$0x18850];
	_ =	sdelay $0x7  }
0x2c: {  	[tilespmem:v3+s6+$0x0] =	vst.idx.msk $0xffff, v0  }
0x2d: {  	v3 =	vld [tilespmem:$0x18860];
	_ =	sdelay $0x7  }
0x2e: {  	[tilespmem:v3+s6+$0x0] =	vst.idx.msk $0xffff, v0  }
0x2f: {  	v3 =	vld [tilespmem:$0x18870];
	_ =	sdelay $0x7  }
0x30: {  	[tilespmem:v3+s6+$0x0] =	vst.idx.msk $0xffff, v0  }
0x31: {  	v3 =	vld [tilespmem:$0x18880];
	_ =	sdelay $0x7  }
0x32: {  	[tilespmem:v3+s6+$0x0] =	vst.idx.msk $0xffff, v0  }
0x33: {  	v3 =	vld [tilespmem:$0x18890];
	_ =	sdelay $0x7  }
0x34: {  	[tilespmem:v3+s6+$0x0] =	vst.idx.msk $0xffff, v0  }
0x35: {  	v3 =	vld [tilespmem:$0x188A0];
	_ =	sdelay $0x7  }
0x36: {  	[tilespmem:v3+s6+$0x0] =	vst.idx.msk $0xffff, v0  }
0x37: {  	v3 =	vld [tilespmem:$0x188B0];
	_ =	sdelay $0x7  }
0x38: {  	[tilespmem:v3+s6+$0x0] =	vst.idx.msk $0xffff, v0  }
0x39: {  	v3 =	vld [tilespmem:$0x188C0];
	_ =	sdelay $0x7  }
0x3a: {  	[tilespmem:v3+s6+$0x0] =	vst.idx.msk $0xffff, v0  }
0x3b: {  	v3 =	vld [tilespmem:$0x188D0];
	_ =	sdelay $0x7  }
0x3c: {  	[tilespmem:v3+s6+$0x0] =	vst.idx.msk $0xffff, v0  }
0x3d: {  	v3 =	vld [tilespmem:$0x188E0];
	_ =	sdelay $0x7  }
0x3e: {  	[tilespmem:v3+s6+$0x0] =	vst.idx.msk $0xffff, v0  }
0x3f: {  	v3 =	vld [tilespmem:$0x188F0];
	_ =	sdelay $0x7  }
0x40: {  	[tilespmem:v3+s6+$0x0] =	vst.idx.msk $0xffff, v0  }
0x41: {  	v3 =	vld [tilespmem:$0x18900];
	_ =	sdelay $0x7  }
0x42: {  	[tilespmem:v3+s6+$0x0] =	vst.idx.msk $0xffff, v0  }
0x43: {  	v3 =	vld [tilespmem:$0x18910];
	_ =	sdelay $0x7  }
0x44: {  	[tilespmem:v3+s6+$0x0] =	vst.idx.msk $0xffff, v0  }
0x45: {  	v3 =	vld [tilespmem:$0x18920];
	_ =	sdelay $0x7  }
0x46: {  	[tilespmem:v3+s6+$0x0] =	vst.idx.msk $0xffff, v0  }
0x47: {  	v3 =	vld [tilespmem:$0x18930];
	_ =	sdelay $0x7  }
0x48: {  	[tilespmem:v3+s6+$0x0] =	vst.idx.msk $0xffff, v0  }
0x49: {  	v3 =	vld [tilespmem:$0x18940];
	_ =	sdelay $0x7  }
0x4a: {  	[tilespmem:v3+s6+$0x0] =	vst.idx.msk $0xffff, v0  }
0x4b: {  	v3 =	vld [tilespmem:$0x18950];
	_ =	sdelay $0x7  }
0x4c: {  	[tilespmem:v3+s6+$0x0] =	vst.idx.msk $0xffff, v0  }
0x4d: {  	v3 =	vld [tilespmem:$0x18960];
	_ =	sdelay $0x7  }
0x4e: {  	[tilespmem:v3+s6+$0x0] =	vst.idx.msk $0xffff, v0  }
0x4f: {  	v3 =	vld [tilespmem:$0x18970];
	_ =	sdelay $0x7  }
0x50: {  	[tilespmem:v3+s6+$0x0] =	vst.idx.msk $0xffff, v0  }
0x51: {  	v3 =	vld [tilespmem:$0x18980];
	_ =	sdelay $0x7  }
0x52: {  	[tilespmem:v3+s6+$0x0] =	vst.idx.msk $0xffff, v0  }
0x53: {  	v3 =	vld [tilespmem:$0x18990];
	_ =	sdelay $0x7  }
0x54: {  	[tilespmem:v3+s6+$0x0] =	vst.idx.msk $0xffff, v0  }
0x55: {  	v3 =	vld [tilespmem:$0x189A0];
	_ =	sdelay $0x7  }
0x56: {  	[tilespmem:v3+s6+$0x0] =	vst.idx.msk $0xffff, v0  }
0x57: {  	v3 =	vld [tilespmem:$0x189B0];
	_ =	sdelay $0x7  }
0x58: {  	[tilespmem:v3+s6+$0x0] =	vst.idx.msk $0xffff, v0  }
0x59: {  	v3 =	vld [tilespmem:$0x189C0];
	_ =	sdelay $0x7  }
0x5a: {  	[tilespmem:v3+s6+$0x0] =	vst.idx.msk $0xffff, v0  }
0x5b: {  	v3 =	vld [tilespmem:$0x189D0];
	_ =	sdelay $0x7  }
0x5c: {  	[tilespmem:v3+s6+$0x0] =	vst.idx.msk $0xffff, v0  }
0x5d: {  	v3 =	vld [tilespmem:$0x189E0];
	_ =	sdelay $0x7  }
0x5e: {  	[tilespmem:v3+s6+$0x0] =	vst.idx.msk $0xffff, v0  }
0x5f: {  	v3 =	vld [tilespmem:$0x189F0];
	_ =	sdelay $0x7  }
0x60: {  	[tilespmem:v3+s6+$0x0] =	vst.idx.msk $0xffff, v0  }
0x61: {  	[tilespmem:s1], [sflag:$0x1] =	stream.indirect.gather [hbm4b:s2+s4], $0x80, s21, s4, $0xb8;
	[tilespmem:$0x1FD00] =	vst v63  }
0x62: {  	s25 =	rddreg [dreg:$0x0]  }
0x63: {  	[tilespmem:s7], [sflag:$0x5] =	stream.linear.gather [hbm4b:s25+s6], $0x800, $0x38;
	[tilespmem:$0x1FD00] =	vst v63  }
0x64: {  	_ =	swait.ge [sflag:s5], $0x800  }
0x65: {  	[sflag:s5] =	ssyncset.done $0x0  }
0x66: {  	s20 =	simm.s32 $0x18A20;
	s21 =	simm.s32 $0x0;
	[sflag:s5] =	ssyncadd.s32 $0xFFFFF800  }
.LBB2_2:
0x67: {  	v3 =	vld [tilespmem:s20+$0xFFFFFFE0];
	_ =	sdelay $0x4  }
0x68: {  	v3 =	vshll.u32 v3, $0xE  }
0x69: {  	v3 =	vadd.s32 s21, v3  }
0x6a: {  	v3 =	vadd.s32 v1, v3  }
0x6b: {  	(xrf1) =	vsort.ascd.msk.u32 $0xffff, v3, v3;
	_ =	sdelay $0xd  }
0x6c: {  	v3, _, _ =	vpop (xrf1)  }
0x6d: {  	v4 =	vshra.s32 v3, $0xE  }
0x6e: {  	v5 =	vperm.xlane v4, v2;
	_ =	sdelay $0x1  }
0x6f: {  	vm1 =	vne.s32 v4, v5  }
0x70: {  	vm1 =	vmor vm1, vm0;
	_ =	sdelay $0x3  }
0x71: {  	v3 =	vand.u32 $0x3FFF, v3  }
0x72: {  	v3 =	vadd.s32 $0x1, v3  }
0x73: {  	[tilespmem:v4+s6+$0x0] =	vst.idx.msk vm1, v3  }
0x74: {  	v3 =	vld [tilespmem:s20+$0xFFFFFFF0];
	_ =	sdelay $0x4  }
0x75: {  	s22 =	sadd.s32 $0x10, s21;
	v3 =	vshll.u32 v3, $0xE  }
0x76: {  	v3 =	vadd.s32 s22, v3  }
0x77: {  	v3 =	vadd.s32 v1, v3  }
0x78: {  	(xrf1) =	vsort.ascd.msk.u32 $0xffff, v3, v3;
	_ =	sdelay $0xd  }
0x79: {  	v3, _, _ =	vpop (xrf1)  }
0x7a: {  	v58 =	vshra.s32 v3, $0xE  }
0x7b: {  	v59 =	vperm.xlane v58, v2;
	_ =	sdelay $0x1  }
0x7c: {  	vm1 =	vne.s32 v58, v59  }
0x7d: {  	vm1 =	vmor vm1, vm0;
	_ =	sdelay $0x3  }
0x7e: {  	v3 =	vand.u32 $0x3FFF, v3  }
0x7f: {  	v3 =	vadd.s32 $0x1, v3  }
0x80: {  	[tilespmem:v58+s6+$0x0] =	vst.idx.msk vm1, v3  }
0x81: {  	v3 =	vld [tilespmem:s20+$0x0];
	_ =	sdelay $0x4  }
0x82: {  	s24 =	sadd.s32 $0x20, s21;
	v3 =	vshll.u32 v3, $0xE  }
0x83: {  	v3 =	vadd.s32 s24, v3  }
0x84: {  	v3 =	vadd.s32 v1, v3  }
0x85: {  	(xrf1) =	vsort.ascd.msk.u32 $0xffff, v3, v3;
	_ =	sdelay $0xd  }
0x86: {  	v3, _, _ =	vpop (xrf1)  }
0x87: {  	v60 =	vshra.s32 v3, $0xE  }
0x88: {  	v61 =	vperm.xlane v60, v2;
	_ =	sdelay $0x1  }
0x89: {  	vm1 =	vne.s32 v60, v61  }
0x8a: {  	vm1 =	vmor vm1, vm0;
	_ =	sdelay $0x3  }
0x8b: {  	v3 =	vand.u32 $0x3FFF, v3  }
0x8c: {  	v3 =	vadd.s32 $0x1, v3  }
0x8d: {  	[tilespmem:v60+s6+$0x0] =	vst.idx.msk vm1, v3  }
0x8e: {  	v3 =	vld [tilespmem:s20+$0x10];
	_ =	sdelay $0x4  }
0x8f: {  	s25 =	sadd.s32 $0x30, s21;
	v3 =	vshll.u32 v3, $0xE  }
0x90: {  	v3 =	vadd.s32 s25, v3  }
0x91: {  	v3 =	vadd.s32 v1, v3  }
0x92: {  	(xrf1) =	vsort.ascd.msk.u32 $0xffff, v3, v3;
	_ =	sdelay $0xd  }
0x93: {  	v3, _, _ =	vpop (xrf1)  }
0x94: {  	v62 =	vshra.s32 v3, $0xE  }
0x95: {  	v63 =	vperm.xlane v62, v2;
	_ =	sdelay $0x1  }
0x96: {  	vm1 =	vne.s32 v62, v63  }
0x97: {  	vm1 =	vmor vm1, vm0  }
0x98: {  	p0 =	sne.s32 s21, $0x7C0  }
.Ltmp0:
0x99: {  	_ = 	snop;
	(pc) =	sbr.rel @p0 .LBB2_2-.Ltmp0, $4  }
0x9a: {  	_ = 	snop  }
0x9b: {  	v3 =	vand.u32 $0x3FFF, v3  }
0x9c: {  	v3 =	vadd.s32 $0x1, v3  }
0x9d: {  	s21 =	sadd.s32 $0x40, s21;
	s20 =	sadd.s32 $0x40, s20;
	[tilespmem:v62+s6+$0x0] =	vst.idx.msk vm1, v3  }
0x9e: {  	_ =	swait.ge [sflag:s11], $0x2000  }
0x9f: {  	[sflag:s11] =	ssyncset.done $0x0  }
0xa0: {  	[sflag:s11] =	ssyncadd.s32 $0xFFFFE000  }
0xa1: {  	[hbm4b:s10+s6] =	stream.linear.scatter [tilespmem:s1], [sflag:$0x3], $0x2000, $0x38;
	[tilespmem:$0x1FD00] =	vst v63  }
0xa2: {  	s20 =	simm.s32 $0x18840  }
0xa3: {  	[tilespmem:s12], [sflag:$0x2] =	stream.indirect.gather [hbm4b:s2+s4], $0x80, s20, s4, $0xb8;
	[tilespmem:$0x1FD00] =	vst v63  }
0xa4: {  	s25 =	rddreg [dreg:$0x9]  }
0xa5: {  	[tilespmem:s7], [sflag:$0x5] =	stream.linear.gather [hbm4b:s25+s6], $0x800, $0x38;
	[tilespmem:$0x1FD00] =	vst v63  }
0xa6: {  	_ =	swait.ge [sflag:s5], $0x800  }
0xa7: {  	[sflag:s5] =	ssyncset.done $0x0  }
0xa8: {  	s21 =	simm.s32 $0x18A20;
	s20 =	simm.s32 $0x800;
	[sflag:s5] =	ssyncadd.s32 $0xFFFFF800  }
.LBB2_4:
0xa9: {  	v3 =	vld [tilespmem:s21+$0xFFFFFFE0];
	_ =	sdelay $0x4  }
0xaa: {  	v3 =	vshll.u32 v3, $0xE  }
0xab: {  	v3 =	vadd.s32 s20, v3  }
0xac: {  	v3 =	vadd.s32 v1, v3  }
0xad: {  	(xrf1) =	vsort.ascd.msk.u32 $0xffff, v3, v3;
	_ =	sdelay $0xd  }
0xae: {  	v3, _, _ =	vpop (xrf1)  }
0xaf: {  	v4 =	vshra.s32 v3, $0xE  }
0xb0: {  	v5 =	vperm.xlane v4, v2;
	_ =	sdelay $0x1  }
0xb1: {  	vm1 =	vne.s32 v4, v5  }
0xb2: {  	vm1 =	vmor vm1, vm0;
	_ =	sdelay $0x3  }
0xb3: {  	v3 =	vand.u32 $0x3FFF, v3  }
0xb4: {  	v3 =	vadd.s32 $0x1, v3  }
0xb5: {  	[tilespmem:v4+s6+$0x0] =	vst.idx.msk vm1, v3  }
0xb6: {  	v3 =	vld [tilespmem:s21+$0xFFFFFFF0];
	_ =	sdelay $0x4  }
0xb7: {  	s22 =	sadd.s32 $0x10, s20;
	v3 =	vshll.u32 v3, $0xE  }
0xb8: {  	v3 =	vadd.s32 s22, v3  }
0xb9: {  	v3 =	vadd.s32 v1, v3  }
0xba: {  	(xrf1) =	vsort.ascd.msk.u32 $0xffff, v3, v3;
	_ =	sdelay $0xd  }
0xbb: {  	v3, _, _ =	vpop (xrf1)  }
0xbc: {  	v58 =	vshra.s32 v3, $0xE  }
0xbd: {  	v59 =	vperm.xlane v58, v2;
	_ =	sdelay $0x1  }
0xbe: {  	vm1 =	vne.s32 v58, v59  }
0xbf: {  	vm1 =	vmor vm1, vm0;
	_ =	sdelay $0x3  }
0xc0: {  	v3 =	vand.u32 $0x3FFF, v3  }
0xc1: {  	v3 =	vadd.s32 $0x1, v3  }
0xc2: {  	[tilespmem:v58+s6+$0x0] =	vst.idx.msk vm1, v3  }
0xc3: {  	v3 =	vld [tilespmem:s21+$0x0];
	_ =	sdelay $0x4  }
0xc4: {  	s24 =	sadd.s32 $0x20, s20;
	v3 =	vshll.u32 v3, $0xE  }
0xc5: {  	v3 =	vadd.s32 s24, v3  }
0xc6: {  	v3 =	vadd.s32 v1, v3  }
0xc7: {  	(xrf1) =	vsort.ascd.msk.u32 $0xffff, v3, v3;
	_ =	sdelay $0xd  }
0xc8: {  	v3, _, _ =	vpop (xrf1)  }
0xc9: {  	v60 =	vshra.s32 v3, $0xE  }
0xca: {  	v61 =	vperm.xlane v60, v2;
	_ =	sdelay $0x1  }
0xcb: {  	vm1 =	vne.s32 v60, v61  }
0xcc: {  	vm1 =	vmor vm1, vm0;
	_ =	sdelay $0x3  }
0xcd: {  	v3 =	vand.u32 $0x3FFF, v3  }
0xce: {  	v3 =	vadd.s32 $0x1, v3  }
0xcf: {  	[tilespmem:v60+s6+$0x0] =	vst.idx.msk vm1, v3  }
0xd0: {  	v3 =	vld [tilespmem:s21+$0x10];
	_ =	sdelay $0x4  }
0xd1: {  	s25 =	sadd.s32 $0x30, s20;
	v3 =	vshll.u32 v3, $0xE  }
0xd2: {  	v3 =	vadd.s32 s25, v3  }
0xd3: {  	v3 =	vadd.s32 v1, v3  }
0xd4: {  	(xrf1) =	vsort.ascd.msk.u32 $0xffff, v3, v3;
	_ =	sdelay $0xd  }
0xd5: {  	v3, _, _ =	vpop (xrf1)  }
0xd6: {  	v62 =	vshra.s32 v3, $0xE  }
0xd7: {  	v63 =	vperm.xlane v62, v2;
	_ =	sdelay $0x1  }
0xd8: {  	vm1 =	vne.s32 v62, v63  }
0xd9: {  	vm1 =	vmor vm1, vm0  }
0xda: {  	p0 =	sne.s32 s20, $0xFC0  }
.Ltmp1:
0xdb: {  	_ = 	snop;
	(pc) =	sbr.rel @p0 .LBB2_4-.Ltmp1, $4  }
0xdc: {  	_ = 	snop  }
0xdd: {  	v3 =	vand.u32 $0x3FFF, v3  }
0xde: {  	v3 =	vadd.s32 $0x1, v3  }
0xdf: {  	s20 =	sadd.s32 $0x40, s20;
	s21 =	sadd.s32 $0x40, s21;
	[tilespmem:v62+s6+$0x0] =	vst.idx.msk vm1, v3  }
0xe0: {  	_ =	swait.ge [sflag:s0], $0x2000  }
0xe1: {  	[sflag:s0] =	ssyncset.done $0x0  }
0xe2: {  	s20 =	rddreg [dreg:$0xa];
	[sflag:s0] =	ssyncadd.s32 $0xFFFFE000  }
0xe3: {  	[hbm4b:s20+s6] =	stream.linear.scatter [tilespmem:s12], [sflag:$0x4], $0x2000, $0x38;
	[tilespmem:$0x1FD00] =	vst v63  }
0xe4: {  	_ =	swait.ge [sflag:s13], $0x2000  }
0xe5: {  	[sflag:s13] =	ssyncset.done $0x0  }
0xe6: {  	s24 =	simm.s32 $0x18880;
	[sflag:s13] =	ssyncadd.s32 $0xFFFFE000  }
0xe7: {  	[tilespmem:s1], [sflag:$0x1] =	stream.indirect.gather [hbm4b:s2+s4], $0x80, s24, s4, $0xb8;
	[tilespmem:$0x1FD00] =	vst v63  }
0xe8: {  	s25 =	rddreg [dreg:$0xb]  }
0xe9: {  	[tilespmem:s7], [sflag:$0x5] =	stream.linear.gather [hbm4b:s25+s6], $0x800, $0x38;
	[tilespmem:$0x1FD00] =	vst v63  }
0xea: {  	_ =	swait.ge [sflag:s5], $0x800  }
0xeb: {  	[sflag:s5] =	ssyncset.done $0x0  }
0xec: {  	s21 =	simm.s32 $0x18A20;
	s20 =	simm.s32 $0x1000;
	[sflag:s5] =	ssyncadd.s32 $0xFFFFF800  }
.LBB2_6:
0xed: {  	v3 =	vld [tilespmem:s21+$0xFFFFFFE0];
	_ =	sdelay $0x4  }
0xee: {  	v3 =	vshll.u32 v3, $0xE  }
0xef: {  	v3 =	vadd.s32 s20, v3  }
0xf0: {  	v3 =	vadd.s32 v1, v3  }
0xf1: {  	(xrf1) =	vsort.ascd.msk.u32 $0xffff, v3, v3;
	_ =	sdelay $0xd  }
0xf2: {  	v3, _, _ =	vpop (xrf1)  }
0xf3: {  	v4 =	vshra.s32 v3, $0xE  }
0xf4: {  	v5 =	vperm.xlane v4, v2;
	_ =	sdelay $0x1  }
0xf5: {  	vm1 =	vne.s32 v4, v5  }
0xf6: {  	vm1 =	vmor vm1, vm0;
	_ =	sdelay $0x3  }
0xf7: {  	v3 =	vand.u32 $0x3FFF, v3  }
0xf8: {  	v3 =	vadd.s32 $0x1, v3  }
0xf9: {  	[tilespmem:v4+s6+$0x0] =	vst.idx.msk vm1, v3  }
0xfa: {  	v3 =	vld [tilespmem:s21+$0xFFFFFFF0];
	_ =	sdelay $0x4  }
0xfb: {  	s22 =	sadd.s32 $0x10, s20;
	v3 =	vshll.u32 v3, $0xE  }
0xfc: {  	v3 =	vadd.s32 s22, v3  }
0xfd: {  	v3 =	vadd.s32 v1, v3  }
0xfe: {  	(xrf1) =	vsort.ascd.msk.u32 $0xffff, v3, v3;
	_ =	sdelay $0xd  }
0xff: {  	v3, _, _ =	vpop (xrf1)  }
0x100: {  	v58 =	vshra.s32 v3, $0xE  }
0x101: {  	v59 =	vperm.xlane v58, v2;
	_ =	sdelay $0x1  }
0x102: {  	vm1 =	vne.s32 v58, v59  }
0x103: {  	vm1 =	vmor vm1, vm0;
	_ =	sdelay $0x3  }
0x104: {  	v3 =	vand.u32 $0x3FFF, v3  }
0x105: {  	v3 =	vadd.s32 $0x1, v3  }
0x106: {  	[tilespmem:v58+s6+$0x0] =	vst.idx.msk vm1, v3  }
0x107: {  	v3 =	vld [tilespmem:s21+$0x0];
	_ =	sdelay $0x4  }
0x108: {  	s24 =	sadd.s32 $0x20, s20;
	v3 =	vshll.u32 v3, $0xE  }
0x109: {  	v3 =	vadd.s32 s24, v3  }
0x10a: {  	v3 =	vadd.s32 v1, v3  }
0x10b: {  	(xrf1) =	vsort.ascd.msk.u32 $0xffff, v3, v3;
	_ =	sdelay $0xd  }
0x10c: {  	v3, _, _ =	vpop (xrf1)  }
0x10d: {  	v60 =	vshra.s32 v3, $0xE  }
0x10e: {  	v61 =	vperm.xlane v60, v2;
	_ =	sdelay $0x1  }
0x10f: {  	vm1 =	vne.s32 v60, v61  }
0x110: {  	vm1 =	vmor vm1, vm0;
	_ =	sdelay $0x3  }
0x111: {  	v3 =	vand.u32 $0x3FFF, v3  }
0x112: {  	v3 =	vadd.s32 $0x1, v3  }
0x113: {  	[tilespmem:v60+s6+$0x0] =	vst.idx.msk vm1, v3  }
0x114: {  	v3 =	vld [tilespmem:s21+$0x10];
	_ =	sdelay $0x4  }
0x115: {  	s25 =	sadd.s32 $0x30, s20;
	v3 =	vshll.u32 v3, $0xE  }
0x116: {  	v3 =	vadd.s32 s25, v3  }
0x117: {  	v3 =	vadd.s32 v1, v3  }
0x118: {  	(xrf1) =	vsort.ascd.msk.u32 $0xffff, v3, v3;
	_ =	sdelay $0xd  }
0x119: {  	v3, _, _ =	vpop (xrf1)  }
0x11a: {  	v62 =	vshra.s32 v3, $0xE  }
0x11b: {  	v63 =	vperm.xlane v62, v2;
	_ =	sdelay $0x1  }
0x11c: {  	vm1 =	vne.s32 v62, v63  }
0x11d: {  	vm1 =	vmor vm1, vm0  }
0x11e: {  	p0 =	sne.s32 s20, $0x17C0  }
.Ltmp2:
0x11f: {  	_ = 	snop;
	(pc) =	sbr.rel @p0 .LBB2_6-.Ltmp2, $4  }
0x120: {  	_ = 	snop  }
0x121: {  	v3 =	vand.u32 $0x3FFF, v3  }
0x122: {  	v3 =	vadd.s32 $0x1, v3  }
0x123: {  	s20 =	sadd.s32 $0x40, s20;
	s21 =	sadd.s32 $0x40, s21;
	[tilespmem:v62+s6+$0x0] =	vst.idx.msk vm1, v3  }
0x124: {  	_ =	swait.ge [sflag:s11], $0x2000  }
0x125: {  	[sflag:s11] =	ssyncset.done $0x0  }
0x126: {  	s20 =	rddreg [dreg:$0xc];
	[sflag:s11] =	ssyncadd.s32 $0xFFFFE000  }
0x127: {  	[hbm4b:s20+s6] =	stream.linear.scatter [tilespmem:s1], [sflag:$0x3], $0x2000, $0x38;
	[tilespmem:$0x1FD00] =	vst v63  }
0x128: {  	_ =	swait.ge [sflag:s14], $0x2000  }
0x129: {  	[sflag:s14] =	ssyncset.done $0x0  }
0x12a: {  	s24 =	simm.s32 $0x188C0;
	[sflag:s14] =	ssyncadd.s32 $0xFFFFE000  }
0x12b: {  	[tilespmem:s12], [sflag:$0x2] =	stream.indirect.gather [hbm4b:s2+s4], $0x80, s24, s4, $0xb8;
	[tilespmem:$0x1FD00] =	vst v63  }
0x12c: {  	s25 =	rddreg [dreg:$0xd]  }
0x12d: {  	[tilespmem:s7], [sflag:$0x5] =	stream.linear.gather [hbm4b:s25+s6], $0x800, $0x38;
	[tilespmem:$0x1FD00] =	vst v63  }
0x12e: {  	_ =	swait.ge [sflag:s5], $0x800  }
0x12f: {  	[sflag:s5] =	ssyncset.done $0x0  }
0x130: {  	s21 =	simm.s32 $0x18A20;
	s20 =	simm.s32 $0x1800;
	[sflag:s5] =	ssyncadd.s32 $0xFFFFF800  }
.LBB2_8:
0x131: {  	v3 =	vld [tilespmem:s21+$0xFFFFFFE0];
	_ =	sdelay $0x4  }
0x132: {  	v3 =	vshll.u32 v3, $0xE  }
0x133: {  	v3 =	vadd.s32 s20, v3  }
0x134: {  	v3 =	vadd.s32 v1, v3  }
0x135: {  	(xrf1) =	vsort.ascd.msk.u32 $0xffff, v3, v3;
	_ =	sdelay $0xd  }
0x136: {  	v3, _, _ =	vpop (xrf1)  }
0x137: {  	v4 =	vshra.s32 v3, $0xE  }
0x138: {  	v5 =	vperm.xlane v4, v2;
	_ =	sdelay $0x1  }
0x139: {  	vm1 =	vne.s32 v4, v5  }
0x13a: {  	vm1 =	vmor vm1, vm0;
	_ =	sdelay $0x3  }
0x13b: {  	v3 =	vand.u32 $0x3FFF, v3  }
0x13c: {  	v3 =	vadd.s32 $0x1, v3  }
0x13d: {  	[tilespmem:v4+s6+$0x0] =	vst.idx.msk vm1, v3  }
0x13e: {  	v3 =	vld [tilespmem:s21+$0xFFFFFFF0];
	_ =	sdelay $0x4  }
0x13f: {  	s22 =	sadd.s32 $0x10, s20;
	v3 =	vshll.u32 v3, $0xE  }
0x140: {  	v3 =	vadd.s32 s22, v3  }
0x141: {  	v3 =	vadd.s32 v1, v3  }
0x142: {  	(xrf1) =	vsort.ascd.msk.u32 $0xffff, v3, v3;
	_ =	sdelay $0xd  }
0x143: {  	v3, _, _ =	vpop (xrf1)  }
0x144: {  	v58 =	vshra.s32 v3, $0xE  }
0x145: {  	v59 =	vperm.xlane v58, v2;
	_ =	sdelay $0x1  }
0x146: {  	vm1 =	vne.s32 v58, v59  }
0x147: {  	vm1 =	vmor vm1, vm0;
	_ =	sdelay $0x3  }
0x148: {  	v3 =	vand.u32 $0x3FFF, v3  }
0x149: {  	v3 =	vadd.s32 $0x1, v3  }
0x14a: {  	[tilespmem:v58+s6+$0x0] =	vst.idx.msk vm1, v3  }
0x14b: {  	v3 =	vld [tilespmem:s21+$0x0];
	_ =	sdelay $0x4  }
0x14c: {  	s24 =	sadd.s32 $0x20, s20;
	v3 =	vshll.u32 v3, $0xE  }
0x14d: {  	v3 =	vadd.s32 s24, v3  }
0x14e: {  	v3 =	vadd.s32 v1, v3  }
0x14f: {  	(xrf1) =	vsort.ascd.msk.u32 $0xffff, v3, v3;
	_ =	sdelay $0xd  }
0x150: {  	v3, _, _ =	vpop (xrf1)  }
0x151: {  	v60 =	vshra.s32 v3, $0xE  }
0x152: {  	v61 =	vperm.xlane v60, v2;
	_ =	sdelay $0x1  }
0x153: {  	vm1 =	vne.s32 v60, v61  }
0x154: {  	vm1 =	vmor vm1, vm0;
	_ =	sdelay $0x3  }
0x155: {  	v3 =	vand.u32 $0x3FFF, v3  }
0x156: {  	v3 =	vadd.s32 $0x1, v3  }
0x157: {  	[tilespmem:v60+s6+$0x0] =	vst.idx.msk vm1, v3  }
0x158: {  	v3 =	vld [tilespmem:s21+$0x10];
	_ =	sdelay $0x4  }
0x159: {  	s25 =	sadd.s32 $0x30, s20;
	v3 =	vshll.u32 v3, $0xE  }
0x15a: {  	v3 =	vadd.s32 s25, v3  }
0x15b: {  	v3 =	vadd.s32 v1, v3  }
0x15c: {  	(xrf1) =	vsort.ascd.msk.u32 $0xffff, v3, v3;
	_ =	sdelay $0xd  }
0x15d: {  	v3, _, _ =	vpop (xrf1)  }
0x15e: {  	v62 =	vshra.s32 v3, $0xE  }
0x15f: {  	v63 =	vperm.xlane v62, v2;
	_ =	sdelay $0x1  }
0x160: {  	vm1 =	vne.s32 v62, v63  }
0x161: {  	vm1 =	vmor vm1, vm0  }
0x162: {  	p0 =	sne.s32 s20, $0x1FC0  }
.Ltmp3:
0x163: {  	_ = 	snop;
	(pc) =	sbr.rel @p0 .LBB2_8-.Ltmp3, $4  }
0x164: {  	_ = 	snop  }
0x165: {  	v3 =	vand.u32 $0x3FFF, v3  }
0x166: {  	v3 =	vadd.s32 $0x1, v3  }
0x167: {  	s20 =	sadd.s32 $0x40, s20;
	s21 =	sadd.s32 $0x40, s21;
	[tilespmem:v62+s6+$0x0] =	vst.idx.msk vm1, v3  }
0x168: {  	_ =	swait.ge [sflag:s0], $0x2000  }
0x169: {  	[sflag:s0] =	ssyncset.done $0x0  }
0x16a: {  	s20 =	rddreg [dreg:$0xe];
	[sflag:s0] =	ssyncadd.s32 $0xFFFFE000  }
0x16b: {  	[hbm4b:s20+s6] =	stream.linear.scatter [tilespmem:s12], [sflag:$0x4], $0x2000, $0x38;
	[tilespmem:$0x1FD00] =	vst v63  }
0x16c: {  	_ =	swait.ge [sflag:s13], $0x2000  }
0x16d: {  	[sflag:s13] =	ssyncset.done $0x0  }
0x16e: {  	s24 =	simm.s32 $0x18900;
	[sflag:s13] =	ssyncadd.s32 $0xFFFFE000  }
0x16f: {  	[tilespmem:s1], [sflag:$0x1] =	stream.indirect.gather [hbm4b:s2+s4], $0x80, s24, s4, $0xb8;
	[tilespmem:$0x1FD00] =	vst v63  }
0x170: {  	s25 =	rddreg [dreg:$0xf]  }
0x171: {  	[tilespmem:s7], [sflag:$0x5] =	stream.linear.gather [hbm4b:s25+s6], $0x800, $0x38;
	[tilespmem:$0x1FD00] =	vst v63  }
0x172: {  	_ =	swait.ge [sflag:s5], $0x800  }
0x173: {  	[sflag:s5] =	ssyncset.done $0x0  }
0x174: {  	s21 =	simm.s32 $0x18A20;
	s20 =	simm.s32 $0x2000;
	[sflag:s5] =	ssyncadd.s32 $0xFFFFF800  }
.LBB2_10:
0x175: {  	v3 =	vld [tilespmem:s21+$0xFFFFFFE0];
	_ =	sdelay $0x4  }
0x176: {  	v3 =	vshll.u32 v3, $0xE  }
0x177: {  	v3 =	vadd.s32 s20, v3  }
0x178: {  	v3 =	vadd.s32 v1, v3  }
0x179: {  	(xrf1) =	vsort.ascd.msk.u32 $0xffff, v3, v3;
	_ =	sdelay $0xd  }
0x17a: {  	v3, _, _ =	vpop (xrf1)  }
0x17b: {  	v4 =	vshra.s32 v3, $0xE  }
0x17c: {  	v5 =	vperm.xlane v4, v2;
	_ =	sdelay $0x1  }
0x17d: {  	vm1 =	vne.s32 v4, v5  }
0x17e: {  	vm1 =	vmor vm1, vm0;
	_ =	sdelay $0x3  }
0x17f: {  	v3 =	vand.u32 $0x3FFF, v3  }
0x180: {  	v3 =	vadd.s32 $0x1, v3  }
0x181: {  	[tilespmem:v4+s6+$0x0] =	vst.idx.msk vm1, v3  }
0x182: {  	v3 =	vld [tilespmem:s21+$0xFFFFFFF0];
	_ =	sdelay $0x4  }
0x183: {  	s22 =	sadd.s32 $0x10, s20;
	v3 =	vshll.u32 v3, $0xE  }
0x184: {  	v3 =	vadd.s32 s22, v3  }
0x185: {  	v3 =	vadd.s32 v1, v3  }
0x186: {  	(xrf1) =	vsort.ascd.msk.u32 $0xffff, v3, v3;
	_ =	sdelay $0xd  }
0x187: {  	v3, _, _ =	vpop (xrf1)  }
0x188: {  	v58 =	vshra.s32 v3, $0xE  }
0x189: {  	v59 =	vperm.xlane v58, v2;
	_ =	sdelay $0x1  }
0x18a: {  	vm1 =	vne.s32 v58, v59  }
0x18b: {  	vm1 =	vmor vm1, vm0;
	_ =	sdelay $0x3  }
0x18c: {  	v3 =	vand.u32 $0x3FFF, v3  }
0x18d: {  	v3 =	vadd.s32 $0x1, v3  }
0x18e: {  	[tilespmem:v58+s6+$0x0] =	vst.idx.msk vm1, v3  }
0x18f: {  	v3 =	vld [tilespmem:s21+$0x0];
	_ =	sdelay $0x4  }
0x190: {  	s24 =	sadd.s32 $0x20, s20;
	v3 =	vshll.u32 v3, $0xE  }
0x191: {  	v3 =	vadd.s32 s24, v3  }
0x192: {  	v3 =	vadd.s32 v1, v3  }
0x193: {  	(xrf1) =	vsort.ascd.msk.u32 $0xffff, v3, v3;
	_ =	sdelay $0xd  }
0x194: {  	v3, _, _ =	vpop (xrf1)  }
0x195: {  	v60 =	vshra.s32 v3, $0xE  }
0x196: {  	v61 =	vperm.xlane v60, v2;
	_ =	sdelay $0x1  }
0x197: {  	vm1 =	vne.s32 v60, v61  }
0x198: {  	vm1 =	vmor vm1, vm0;
	_ =	sdelay $0x3  }
0x199: {  	v3 =	vand.u32 $0x3FFF, v3  }
0x19a: {  	v3 =	vadd.s32 $0x1, v3  }
0x19b: {  	[tilespmem:v60+s6+$0x0] =	vst.idx.msk vm1, v3  }
0x19c: {  	v3 =	vld [tilespmem:s21+$0x10];
	_ =	sdelay $0x4  }
0x19d: {  	s25 =	sadd.s32 $0x30, s20;
	v3 =	vshll.u32 v3, $0xE  }
0x19e: {  	v3 =	vadd.s32 s25, v3  }
0x19f: {  	v3 =	vadd.s32 v1, v3  }
0x1a0: {  	(xrf1) =	vsort.ascd.msk.u32 $0xffff, v3, v3;
	_ =	sdelay $0xd  }
0x1a1: {  	v3, _, _ =	vpop (xrf1)  }
0x1a2: {  	v62 =	vshra.s32 v3, $0xE  }
0x1a3: {  	v63 =	vperm.xlane v62, v2;
	_ =	sdelay $0x1  }
0x1a4: {  	vm1 =	vne.s32 v62, v63  }
0x1a5: {  	vm1 =	vmor vm1, vm0  }
0x1a6: {  	p0 =	sne.s32 s20, $0x27C0  }
.Ltmp4:
0x1a7: {  	_ = 	snop;
	(pc) =	sbr.rel @p0 .LBB2_10-.Ltmp4, $4  }
0x1a8: {  	_ = 	snop  }
0x1a9: {  	v3 =	vand.u32 $0x3FFF, v3  }
0x1aa: {  	v3 =	vadd.s32 $0x1, v3  }
0x1ab: {  	s20 =	sadd.s32 $0x40, s20;
	s21 =	sadd.s32 $0x40, s21;
	[tilespmem:v62+s6+$0x0] =	vst.idx.msk vm1, v3  }
0x1ac: {  	_ =	swait.ge [sflag:s11], $0x2000  }
0x1ad: {  	[sflag:s11] =	ssyncset.done $0x0  }
0x1ae: {  	s20 =	rddreg [dreg:$0x10];
	[sflag:s11] =	ssyncadd.s32 $0xFFFFE000  }
0x1af: {  	[hbm4b:s20+s6] =	stream.linear.scatter [tilespmem:s1], [sflag:$0x3], $0x2000, $0x38;
	[tilespmem:$0x1FD00] =	vst v63  }
0x1b0: {  	_ =	swait.ge [sflag:s14], $0x2000  }
0x1b1: {  	[sflag:s14] =	ssyncset.done $0x0  }
0x1b2: {  	s24 =	simm.s32 $0x18940;
	[sflag:s14] =	ssyncadd.s32 $0xFFFFE000  }
0x1b3: {  	[tilespmem:s12], [sflag:$0x2] =	stream.indirect.gather [hbm4b:s2+s4], $0x80, s24, s4, $0xb8;
	[tilespmem:$0x1FD00] =	vst v63  }
0x1b4: {  	s25 =	rddreg [dreg:$0x11]  }
0x1b5: {  	[tilespmem:s7], [sflag:$0x5] =	stream.linear.gather [hbm4b:s25+s6], $0x800, $0x38;
	[tilespmem:$0x1FD00] =	vst v63  }
0x1b6: {  	_ =	swait.ge [sflag:s5], $0x800  }
0x1b7: {  	[sflag:s5] =	ssyncset.done $0x0  }
0x1b8: {  	s21 =	simm.s32 $0x18A20;
	s20 =	simm.s32 $0x2800;
	[sflag:s5] =	ssyncadd.s32 $0xFFFFF800  }
.LBB2_12:
0x1b9: {  	v3 =	vld [tilespmem:s21+$0xFFFFFFE0];
	_ =	sdelay $0x4  }
0x1ba: {  	v3 =	vshll.u32 v3, $0xE  }
0x1bb: {  	v3 =	vadd.s32 s20, v3  }
0x1bc: {  	v3 =	vadd.s32 v1, v3  }
0x1bd: {  	(xrf1) =	vsort.ascd.msk.u32 $0xffff, v3, v3;
	_ =	sdelay $0xd  }
0x1be: {  	v3, _, _ =	vpop (xrf1)  }
0x1bf: {  	v4 =	vshra.s32 v3, $0xE  }
0x1c0: {  	v5 =	vperm.xlane v4, v2;
	_ =	sdelay $0x1  }
0x1c1: {  	vm1 =	vne.s32 v4, v5  }
0x1c2: {  	vm1 =	vmor vm1, vm0;
	_ =	sdelay $0x3  }
0x1c3: {  	v3 =	vand.u32 $0x3FFF, v3  }
0x1c4: {  	v3 =	vadd.s32 $0x1, v3  }
0x1c5: {  	[tilespmem:v4+s6+$0x0] =	vst.idx.msk vm1, v3  }
0x1c6: {  	v3 =	vld [tilespmem:s21+$0xFFFFFFF0];
	_ =	sdelay $0x4  }
0x1c7: {  	s22 =	sadd.s32 $0x10, s20;
	v3 =	vshll.u32 v3, $0xE  }
0x1c8: {  	v3 =	vadd.s32 s22, v3  }
0x1c9: {  	v3 =	vadd.s32 v1, v3  }
0x1ca: {  	(xrf1) =	vsort.ascd.msk.u32 $0xffff, v3, v3;
	_ =	sdelay $0xd  }
0x1cb: {  	v3, _, _ =	vpop (xrf1)  }
0x1cc: {  	v58 =	vshra.s32 v3, $0xE  }
0x1cd: {  	v59 =	vperm.xlane v58, v2;
	_ =	sdelay $0x1  }
0x1ce: {  	vm1 =	vne.s32 v58, v59  }
0x1cf: {  	vm1 =	vmor vm1, vm0;
	_ =	sdelay $0x3  }
0x1d0: {  	v3 =	vand.u32 $0x3FFF, v3  }
0x1d1: {  	v3 =	vadd.s32 $0x1, v3  }
0x1d2: {  	[tilespmem:v58+s6+$0x0] =	vst.idx.msk vm1, v3  }
0x1d3: {  	v3 =	vld [tilespmem:s21+$0x0];
	_ =	sdelay $0x4  }
0x1d4: {  	s24 =	sadd.s32 $0x20, s20;
	v3 =	vshll.u32 v3, $0xE  }
0x1d5: {  	v3 =	vadd.s32 s24, v3  }
0x1d6: {  	v3 =	vadd.s32 v1, v3  }
0x1d7: {  	(xrf1) =	vsort.ascd.msk.u32 $0xffff, v3, v3;
	_ =	sdelay $0xd  }
0x1d8: {  	v3, _, _ =	vpop (xrf1)  }
0x1d9: {  	v60 =	vshra.s32 v3, $0xE  }
0x1da: {  	v61 =	vperm.xlane v60, v2;
	_ =	sdelay $0x1  }
0x1db: {  	vm1 =	vne.s32 v60, v61  }
0x1dc: {  	vm1 =	vmor vm1, vm0;
	_ =	sdelay $0x3  }
0x1dd: {  	v3 =	vand.u32 $0x3FFF, v3  }
0x1de: {  	v3 =	vadd.s32 $0x1, v3  }
0x1df: {  	[tilespmem:v60+s6+$0x0] =	vst.idx.msk vm1, v3  }
0x1e0: {  	v3 =	vld [tilespmem:s21+$0x10];
	_ =	sdelay $0x4  }
0x1e1: {  	s25 =	sadd.s32 $0x30, s20;
	v3 =	vshll.u32 v3, $0xE  }
0x1e2: {  	v3 =	vadd.s32 s25, v3  }
0x1e3: {  	v3 =	vadd.s32 v1, v3  }
0x1e4: {  	(xrf1) =	vsort.ascd.msk.u32 $0xffff, v3, v3;
	_ =	sdelay $0xd  }
0x1e5: {  	v3, _, _ =	vpop (xrf1)  }
0x1e6: {  	v62 =	vshra.s32 v3, $0xE  }
0x1e7: {  	v63 =	vperm.xlane v62, v2;
	_ =	sdelay $0x1  }
0x1e8: {  	vm1 =	vne.s32 v62, v63  }
0x1e9: {  	vm1 =	vmor vm1, vm0  }
0x1ea: {  	p0 =	sne.s32 s20, $0x2FC0  }
.Ltmp5:
0x1eb: {  	_ = 	snop;
	(pc) =	sbr.rel @p0 .LBB2_12-.Ltmp5, $4  }
0x1ec: {  	_ = 	snop  }
0x1ed: {  	v3 =	vand.u32 $0x3FFF, v3  }
0x1ee: {  	v3 =	vadd.s32 $0x1, v3  }
0x1ef: {  	s20 =	sadd.s32 $0x40, s20;
	s21 =	sadd.s32 $0x40, s21;
	[tilespmem:v62+s6+$0x0] =	vst.idx.msk vm1, v3  }
0x1f0: {  	_ =	swait.ge [sflag:s0], $0x2000  }
0x1f1: {  	[sflag:s0] =	ssyncset.done $0x0  }
0x1f2: {  	[sflag:s0] =	ssyncadd.s32 $0xFFFFE000  }
0x1f3: {  	[hbm4b:s26+s6] =	stream.linear.scatter [tilespmem:s12], [sflag:$0x4], $0x2000, $0x38;
	[tilespmem:$0x1FD00] =	vst v63  }
0x1f4: {  	_ =	swait.ge [sflag:s13], $0x2000  }
0x1f5: {  	[sflag:s13] =	ssyncset.done $0x0  }
0x1f6: {  	s20 =	simm.s32 $0x18980;
	[sflag:s13] =	ssyncadd.s32 $0xFFFFE000  }
0x1f7: {  	[tilespmem:s1], [sflag:$0x1] =	stream.indirect.gather [hbm4b:s2+s4], $0x80, s20, s4, $0xb8;
	[tilespmem:$0x1FD00] =	vst v63  }
0x1f8: {  	_ = 	snop  }
0x1f9: {  	[tilespmem:s7], [sflag:$0x5] =	stream.linear.gather [hbm4b:s28+s6], $0x800, $0x38;
	[tilespmem:$0x1FD00] =	vst v63  }
0x1fa: {  	_ =	swait.ge [sflag:s5], $0x800  }
0x1fb: {  	[sflag:s5] =	ssyncset.done $0x0  }
0x1fc: {  	s21 =	simm.s32 $0x18A20;
	s20 =	simm.s32 $0x3000;
	[sflag:s5] =	ssyncadd.s32 $0xFFFFF800  }
.LBB2_14:
0x1fd: {  	v3 =	vld [tilespmem:s21+$0xFFFFFFE0];
	_ =	sdelay $0x4  }
0x1fe: {  	v3 =	vshll.u32 v3, $0xE  }
0x1ff: {  	v3 =	vadd.s32 s20, v3  }
0x200: {  	v3 =	vadd.s32 v1, v3  }
0x201: {  	(xrf1) =	vsort.ascd.msk.u32 $0xffff, v3, v3;
	_ =	sdelay $0xd  }
0x202: {  	v3, _, _ =	vpop (xrf1)  }
0x203: {  	v4 =	vshra.s32 v3, $0xE  }
0x204: {  	v5 =	vperm.xlane v4, v2;
	_ =	sdelay $0x1  }
0x205: {  	vm1 =	vne.s32 v4, v5  }
0x206: {  	vm1 =	vmor vm1, vm0;
	_ =	sdelay $0x3  }
0x207: {  	v3 =	vand.u32 $0x3FFF, v3  }
0x208: {  	v3 =	vadd.s32 $0x1, v3  }
0x209: {  	[tilespmem:v4+s6+$0x0] =	vst.idx.msk vm1, v3  }
0x20a: {  	v3 =	vld [tilespmem:s21+$0xFFFFFFF0];
	_ =	sdelay $0x4  }
0x20b: {  	s22 =	sadd.s32 $0x10, s20;
	v3 =	vshll.u32 v3, $0xE  }
0x20c: {  	v3 =	vadd.s32 s22, v3  }
0x20d: {  	v3 =	vadd.s32 v1, v3  }
0x20e: {  	(xrf1) =	vsort.ascd.msk.u32 $0xffff, v3, v3;
	_ =	sdelay $0xd  }
0x20f: {  	v3, _, _ =	vpop (xrf1)  }
0x210: {  	v58 =	vshra.s32 v3, $0xE  }
0x211: {  	v59 =	vperm.xlane v58, v2;
	_ =	sdelay $0x1  }
0x212: {  	vm1 =	vne.s32 v58, v59  }
0x213: {  	vm1 =	vmor vm1, vm0;
	_ =	sdelay $0x3  }
0x214: {  	v3 =	vand.u32 $0x3FFF, v3  }
0x215: {  	v3 =	vadd.s32 $0x1, v3  }
0x216: {  	[tilespmem:v58+s6+$0x0] =	vst.idx.msk vm1, v3  }
0x217: {  	v3 =	vld [tilespmem:s21+$0x0];
	_ =	sdelay $0x4  }
0x218: {  	s24 =	sadd.s32 $0x20, s20;
	v3 =	vshll.u32 v3, $0xE  }
0x219: {  	v3 =	vadd.s32 s24, v3  }
0x21a: {  	v3 =	vadd.s32 v1, v3  }
0x21b: {  	(xrf1) =	vsort.ascd.msk.u32 $0xffff, v3, v3;
	_ =	sdelay $0xd  }
0x21c: {  	v3, _, _ =	vpop (xrf1)  }
0x21d: {  	v60 =	vshra.s32 v3, $0xE  }
0x21e: {  	v61 =	vperm.xlane v60, v2;
	_ =	sdelay $0x1  }
0x21f: {  	vm1 =	vne.s32 v60, v61  }
0x220: {  	vm1 =	vmor vm1, vm0;
	_ =	sdelay $0x3  }
0x221: {  	v3 =	vand.u32 $0x3FFF, v3  }
0x222: {  	v3 =	vadd.s32 $0x1, v3  }
0x223: {  	[tilespmem:v60+s6+$0x0] =	vst.idx.msk vm1, v3  }
0x224: {  	v3 =	vld [tilespmem:s21+$0x10];
	_ =	sdelay $0x4  }
0x225: {  	s25 =	sadd.s32 $0x30, s20;
	v3 =	vshll.u32 v3, $0xE  }
0x226: {  	v3 =	vadd.s32 s25, v3  }
0x227: {  	v3 =	vadd.s32 v1, v3  }
0x228: {  	(xrf1) =	vsort.ascd.msk.u32 $0xffff, v3, v3;
	_ =	sdelay $0xd  }
0x229: {  	v3, _, _ =	vpop (xrf1)  }
0x22a: {  	v62 =	vshra.s32 v3, $0xE  }
0x22b: {  	v63 =	vperm.xlane v62, v2;
	_ =	sdelay $0x1  }
0x22c: {  	vm1 =	vne.s32 v62, v63  }
0x22d: {  	vm1 =	vmor vm1, vm0  }
0x22e: {  	p0 =	sne.s32 s20, $0x37C0  }
.Ltmp6:
0x22f: {  	_ = 	snop;
	(pc) =	sbr.rel @p0 .LBB2_14-.Ltmp6, $4  }
0x230: {  	_ = 	snop  }
0x231: {  	v3 =	vand.u32 $0x3FFF, v3  }
0x232: {  	v3 =	vadd.s32 $0x1, v3  }
0x233: {  	s20 =	sadd.s32 $0x40, s20;
	s21 =	sadd.s32 $0x40, s21;
	[tilespmem:v62+s6+$0x0] =	vst.idx.msk vm1, v3  }
0x234: {  	_ =	swait.ge [sflag:s11], $0x2000  }
0x235: {  	[sflag:s11] =	ssyncset.done $0x0  }
0x236: {  	[sflag:s11] =	ssyncadd.s32 $0xFFFFE000  }
0x237: {  	[hbm4b:s29+s6] =	stream.linear.scatter [tilespmem:s1], [sflag:$0x3], $0x2000, $0x38;
	[tilespmem:$0x1FD00] =	vst v63  }
0x238: {  	_ =	swait.ge [sflag:s14], $0x2000  }
0x239: {  	[sflag:s14] =	ssyncset.done $0x0  }
0x23a: {  	s20 =	simm.s32 $0x189C0;
	[sflag:s14] =	ssyncadd.s32 $0xFFFFE000  }
0x23b: {  	[tilespmem:s12], [sflag:$0x2] =	stream.indirect.gather [hbm4b:s2+s4], $0x80, s20, s4, $0xb8;
	[tilespmem:$0x1FD00] =	vst v63  }
0x23c: {  	_ = 	snop  }
0x23d: {  	[tilespmem:s7], [sflag:$0x5] =	stream.linear.gather [hbm4b:s30+s6], $0x800, $0x38;
	[tilespmem:$0x1FD00] =	vst v63  }
0x23e: {  	_ =	swait.ge [sflag:s5], $0x800  }
0x23f: {  	[sflag:s5] =	ssyncset.done $0x0  }
0x240: {  	s21 =	simm.s32 $0x18A20;
	s20 =	simm.s32 $0x3800;
	[sflag:s5] =	ssyncadd.s32 $0xFFFFF800  }
.LBB2_16:
0x241: {  	v3 =	vld [tilespmem:s21+$0xFFFFFFE0];
	_ =	sdelay $0x4  }
0x242: {  	v3 =	vshll.u32 v3, $0xE  }
0x243: {  	v3 =	vadd.s32 s20, v3  }
0x244: {  	v3 =	vadd.s32 v1, v3  }
0x245: {  	(xrf1) =	vsort.ascd.msk.u32 $0xffff, v3, v3;
	_ =	sdelay $0xd  }
0x246: {  	v3, _, _ =	vpop (xrf1)  }
0x247: {  	v4 =	vshra.s32 v3, $0xE  }
0x248: {  	v5 =	vperm.xlane v4, v2;
	_ =	sdelay $0x1  }
0x249: {  	vm1 =	vne.s32 v4, v5  }
0x24a: {  	vm1 =	vmor vm1, vm0;
	_ =	sdelay $0x3  }
0x24b: {  	v3 =	vand.u32 $0x3FFF, v3  }
0x24c: {  	v3 =	vadd.s32 $0x1, v3  }
0x24d: {  	[tilespmem:v4+s6+$0x0] =	vst.idx.msk vm1, v3  }
0x24e: {  	v3 =	vld [tilespmem:s21+$0xFFFFFFF0];
	_ =	sdelay $0x4  }
0x24f: {  	s22 =	sadd.s32 $0x10, s20;
	v3 =	vshll.u32 v3, $0xE  }
0x250: {  	v3 =	vadd.s32 s22, v3  }
0x251: {  	v3 =	vadd.s32 v1, v3  }
0x252: {  	(xrf1) =	vsort.ascd.msk.u32 $0xffff, v3, v3;
	_ =	sdelay $0xd  }
0x253: {  	v3, _, _ =	vpop (xrf1)  }
0x254: {  	v58 =	vshra.s32 v3, $0xE  }
0x255: {  	v59 =	vperm.xlane v58, v2;
	_ =	sdelay $0x1  }
0x256: {  	vm1 =	vne.s32 v58, v59  }
0x257: {  	vm1 =	vmor vm1, vm0;
	_ =	sdelay $0x3  }
0x258: {  	v3 =	vand.u32 $0x3FFF, v3  }
0x259: {  	v3 =	vadd.s32 $0x1, v3  }
0x25a: {  	[tilespmem:v58+s6+$0x0] =	vst.idx.msk vm1, v3  }
0x25b: {  	v3 =	vld [tilespmem:s21+$0x0];
	_ =	sdelay $0x4  }
0x25c: {  	s24 =	sadd.s32 $0x20, s20;
	v3 =	vshll.u32 v3, $0xE  }
0x25d: {  	v3 =	vadd.s32 s24, v3  }
0x25e: {  	v3 =	vadd.s32 v1, v3  }
0x25f: {  	(xrf1) =	vsort.ascd.msk.u32 $0xffff, v3, v3;
	_ =	sdelay $0xd  }
0x260: {  	v3, _, _ =	vpop (xrf1)  }
0x261: {  	v60 =	vshra.s32 v3, $0xE  }
0x262: {  	v61 =	vperm.xlane v60, v2;
	_ =	sdelay $0x1  }
0x263: {  	vm1 =	vne.s32 v60, v61  }
0x264: {  	vm1 =	vmor vm1, vm0;
	_ =	sdelay $0x3  }
0x265: {  	v3 =	vand.u32 $0x3FFF, v3  }
0x266: {  	v3 =	vadd.s32 $0x1, v3  }
0x267: {  	[tilespmem:v60+s6+$0x0] =	vst.idx.msk vm1, v3  }
0x268: {  	v3 =	vld [tilespmem:s21+$0x10];
	_ =	sdelay $0x4  }
0x269: {  	s25 =	sadd.s32 $0x30, s20;
	v3 =	vshll.u32 v3, $0xE  }
0x26a: {  	v3 =	vadd.s32 s25, v3  }
0x26b: {  	v3 =	vadd.s32 v1, v3  }
0x26c: {  	(xrf1) =	vsort.ascd.msk.u32 $0xffff, v3, v3;
	_ =	sdelay $0xd  }
0x26d: {  	v3, _, _ =	vpop (xrf1)  }
0x26e: {  	v62 =	vshra.s32 v3, $0xE  }
0x26f: {  	v63 =	vperm.xlane v62, v2;
	_ =	sdelay $0x1  }
0x270: {  	vm1 =	vne.s32 v62, v63  }
0x271: {  	vm1 =	vmor vm1, vm0  }
0x272: {  	p0 =	sne.s32 s20, $0x3FC0  }
.Ltmp7:
0x273: {  	_ = 	snop;
	(pc) =	sbr.rel @p0 .LBB2_16-.Ltmp7, $4  }
0x274: {  	_ = 	snop  }
0x275: {  	v3 =	vand.u32 $0x3FFF, v3  }
0x276: {  	v3 =	vadd.s32 $0x1, v3  }
0x277: {  	s20 =	sadd.s32 $0x40, s20;
	s21 =	sadd.s32 $0x40, s21;
	[tilespmem:v62+s6+$0x0] =	vst.idx.msk vm1, v3  }
0x278: {  	_ =	swait.ge [sflag:s0], $0x2000  }
0x279: {  	[sflag:s0] =	ssyncset.done $0x0  }
0x27a: {  	s20 =	simm.s32 $0x0;
	[sflag:s0] =	ssyncadd.s32 $0xFFFFE000  }
0x27b: {  	[hbm4b:s31+s20] =	stream.linear.scatter [tilespmem:s12], [sflag:$0x4], $0x2000, $0x38;
	[tilespmem:$0x1FD00] =	vst v63  }
0x27c: {  	_ =	swait.ge [sflag:s13], $0x2000  }
0x27d: {  	[sflag:s13] =	ssyncset.done $0x0  }
0x27e: {  	[sflag:s13] =	ssyncadd.s32 $0xFFFFE000  }
0x27f: {  	_ =	swait.ge [sflag:s14], $0x2000  }
0x280: {  	[sflag:s14] =	ssyncset.done $0x0  }
0x281: {  	s21 =	simm.s32 $0x18800;
	[sflag:s14] =	ssyncadd.s32 $0xFFFFE000  }
0x282: {  	v7 =	vld [tilespmem:s21+$0x0];
	_ =	sdelay $0x7  }
0x283: {  	v5 =	vld.idx.msk [tilespmem:v7+s20+$0x0], $0xffff  }
0x284: {  	v6 =	vor.u32 s20, v1  }
0x285: {  	v3 =	vor.u32 $0x200, v1  }
0x286: {  	v8 =	vor.u32 s20, v3  }
0x287: {  	s23 =	sadd.s32 $0x0, s9;
	s22 =	simm.s32 $0x19200  }
0x288: {  	v9 =	vor.u32 s23, v1;
	vm1 =	vgt.s32 v5, $0x0;
	v10 =	vadd.s32 $0xFFFFFFFF, v5;
	[tilespmem:s22+$0x0] =	vst v5  }
0x289: {  	v4 =	vor.u32 $0x400, v1;
	v9 =	vsel vm1, v10, v9;
	[tilespmem:v6+s15+$0x0] =	vst.idx.msk $0xffff, v7  }
0x28a: {  	v11 =	vor.u32 s20, v4;
	v5 =	vadd.s32 $0x186A0, v7;
	[tilespmem:v6+s16+$0x0] =	vst.idx.msk $0xffff, v9  }
0x28b: {  	v6 =	vadd.s32 $0x4000, v9;
	[tilespmem:v8+s15+$0x0] =	vst.idx.msk $0xffff, v5;
	v5 =	vor.u32 $0x600, v1  }
0x28c: {  	[tilespmem:v8+s16+$0x0] =	vst.idx.msk $0xffff, v6;
	v6 =	vor.u32 s20, v5;
	_ =	sdelay $0x1  }
0x28d: {  	v10 =	vadd.s32 $0x30D40, v7  }
0x28e: {  	v8 =	vadd.s32 $0x8000, v9;
	[tilespmem:v11+s15+$0x0] =	vst.idx.msk $0xffff, v10  }
0x28f: {  	s23 =	simm.s32 $0x10;
	v7 =	vadd.s32 $0x493E0, v7;
	[tilespmem:v11+s16+$0x0] =	vst.idx.msk $0xffff, v8;
	v8 =	vadd.s32 $0xC000, v9  }
.LBB2_18:
0x290: {  	p0 =	sne.s32 s23, $0x1F0;
	[tilespmem:v6+s15+$0x0] =	vst.idx.msk $0xffff, v7;
	s21 =	sadd.s32 $0x10, s21;
	s22 =	sadd.s32 $0x10, s22  }
0x291: {  	s24 =	smov.u32 s23;
	s23 =	sadd.s32 $0x10, s23;
	[tilespmem:v6+s16+$0x0] =	vst.idx.msk $0xffff, v8  }
0x292: {  	v7 =	vld [tilespmem:s21+$0x0];
	_ =	sdelay $0x7  }
0x293: {  	v6 =	vld.idx.msk [tilespmem:v7+s20+$0x0], $0xffff  }
0x294: {  	v8 =	vor.u32 s24, v1;
	_ =	sdelay $0x1  }
0x295: {  	v9 =	vor.u32 s24, v3  }
0x296: {  	s25 =	sadd.s32 s24, s9  }
0x297: {  	v10 =	vor.u32 s25, v1  }
0x298: {  	v12 =	vor.u32 s24, v4;
	vm1 =	vgt.s32 v6, $0x0;
	v11 =	vadd.s32 $0xFFFFFFFF, v6;
	[tilespmem:s22+$0x0] =	vst v6  }
0x299: {  	v10 =	vsel vm1, v11, v10;
	v11 =	vadd.s32 $0x186A0, v7;
	v6 =	vor.u32 s24, v5;
	[tilespmem:v8+s15+$0x0] =	vst.idx.msk $0xffff, v7  }
.Ltmp8:
0x29a: {  	[tilespmem:v8+s16+$0x0] =	vst.idx.msk $0xffff, v10;
	v8 =	vadd.s32 $0x4000, v10;
	(pc) =	sbr.rel @p0 .LBB2_18-.Ltmp8, $4  }
0x29b: {  	[tilespmem:v9+s15+$0x0] =	vst.idx.msk $0xffff, v11;
	v11 =	vadd.s32 $0x30D40, v7  }
0x29c: {  	[tilespmem:v9+s16+$0x0] =	vst.idx.msk $0xffff, v8;
	v8 =	vadd.s32 $0x8000, v10  }
0x29d: {  	v7 =	vadd.s32 $0x493E0, v7;
	[tilespmem:v12+s15+$0x0] =	vst.idx.msk $0xffff, v11  }
0x29e: {  	[tilespmem:v12+s16+$0x0] =	vst.idx.msk $0xffff, v8;
	v8 =	vadd.s32 $0xC000, v10  }
0x29f: {  	_ =	sdelay $0x3  }
0x2a0: {  	[tilespmem:v6+s15+$0x0] =	vst.idx.msk $0xffff, v7  }
0x2a1: {  	s21 =	smov.u32 s9;
	[tilespmem:v6+s16+$0x0] =	vst.idx.msk $0xffff, v8  }
.LBB2_20:
0x2a2: {  	p0 =	sne.s32 s20, $0x7C0  }
.Ltmp9:
0x2a3: {  	_ = 	snop;
	(pc) =	sbr.rel @p0 .LBB2_20-.Ltmp9, $4  }
0x2a4: {  	v3 =	vor.u32 s21, v1  }
0x2a5: {  	s22 =	sshra.s32 s20, $0x2;
	v4 =	vand.u32 $0x7FF, v3  }
0x2a6: {  	[tilespmem:s22+$0x1F400] =	vst v3;
	v3 =	vor.u32 $0x4000, v4  }
0x2a7: {  	s21 =	sadd.s32 $0x10, s21;
	s20 =	sadd.s32 $0x40, s20;
	[tilespmem:s22+$0x1F680] =	vst v3  }
0x2a8: {  	s20 =	simm.s32 $0x0  }
0x2a9: {  	v3 =	vld [tilespmem:s20+$0x19200];
	_ =	sdelay $0x4  }
0x2aa: {  	vm1 =	vgt.s32 v3, $0x0  }
0x2ab: {  	v4 =	vsel vm1, $0x1, v0  }
0x2ac: {  	(xrf0) =	vadd.scan.msk.s32 $0xffff, v4;
	_ =	sdelay $0x5  }
0x2ad: {  	v4, _, _ =	vpop (xrf0)  }
0x2ae: {  	s20 =	simm.s32 $0x0;
	v3 =	vadd.s32 $0xFFFFFFFF, v3;
	(v2sf) =	vpush v4, $0xF  }
0x2af: {  	v5 =	vor.u32 s9, v1;
	[tilespmem:s20+$0x1F400] =	vst.msk vm1, v3  }
0x2b0: {  	s23 =	simm.s32 $0x10;
	s22 =	simm.s32 $0x80;
	s21 =	smov.u32 s9;
	[tilespmem:s20+$0x1F680] =	vst.msk vm1, v5  }
.LBB2_22:
0x2b1: {  	p0 =	sne.s32 s22, $0x7C0;
	v3 =	vld [tilespmem:s23+$0x19200];
	_ =	sdelay $0x4  }
0x2b2: {  	vm1 =	vgt.s32 v3, $0x0;
	v3 =	vadd.s32 $0xFFFFFFFF, v3  }
0x2b3: {  	v4 =	vsel vm1, $0x1, v0  }
0x2b4: {  	(xrf0) =	vadd.scan.msk.s32 $0xffff, v4;
	_ =	sdelay $0x4  }
.Ltmp10:
0x2b5: {  	s23 =	spop (v2sf);
	(pc) =	sbr.rel @p0 .LBB2_22-.Ltmp10, $4  }
0x2b6: {  	s21 =	sadd.s32 $0x10, s21;
	v4, _, _ =	vpop (xrf0);
	s20 =	sadd.s32 s20, s23  }
0x2b7: {  	v5 =	vor.u32 s21, v1;
	[tilespmem:s20+$0x1F400] =	vst.msk vm1, v3;
	(v2sf) =	vpush v4, $0xF  }
0x2b8: {  	[tilespmem:s20+$0x1F680] =	vst.msk vm1, v5  }
0x2b9: {  	s23 =	sshra.s32 s22, $0x2;
	s22 =	sadd.s32 $0x40, s22  }
0x2ba: {  	_ =	sdelay $0x7  }
0x2bb: {  	v3 =	vld [tilespmem:s23+$0x19200];
	_ =	sdelay $0x3  }
0x2bc: {  	s22 =	spop (v2sf)  }
0x2bd: {  	s21 =	sadd.s32 $0x10, s21;
	vm1 =	vgt.s32 v3, $0x0;
	v3 =	vadd.s32 $0xFFFFFFFF, v3;
	s20 =	sadd.s32 s20, s22  }
0x2be: {  	v4 =	vor.u32 s21, v1;
	[tilespmem:s20+$0x1F400] =	vst.msk vm1, v3  }
0x2bf: {  	[tilespmem:s20+$0x1F680] =	vst.msk vm1, v4  }
0x2c0: {  	v3 =	vld [tilespmem:$0x1F680]  }
0x2c1: {  	v4 =	vld [tilespmem:$0x1F690]  }
0x2c2: {  	v5 =	vld [tilespmem:$0x1F6A0]  }
0x2c3: {  	v6 =	vld [tilespmem:$0x1F6B0]  }
0x2c4: {  	v7 =	vld [tilespmem:$0x1F6C0]  }
0x2c5: {  	v43 =	vld [tilespmem:$0x1F6E0];
	[tilespmem:$0x1F900] =	vst v3  }
0x2c6: {  	v3 =	vld [tilespmem:$0x1F6D0];
	[tilespmem:$0x1F910] =	vst v4  }
0x2c7: {  	v44 =	vld [tilespmem:$0x1F6F0];
	[tilespmem:$0x1F920] =	vst v5  }
0x2c8: {  	v45 =	vld [tilespmem:$0x1F700];
	[tilespmem:$0x1F930] =	vst v6  }
0x2c9: {  	v46 =	vld [tilespmem:$0x1F710];
	[tilespmem:$0x1F980] =	vst v7  }
0x2ca: {  	v47 =	vld [tilespmem:$0x1F730];
	[tilespmem:$0x1F9A0] =	vst v43  }
0x2cb: {  	[tilespmem:$0x1F990] =	vst v3;
	v3 =	vld [tilespmem:$0x1F720]  }
0x2cc: {  	v8 =	vsel vm1, $0x1, v0;
	v48 =	vld [tilespmem:$0x1F740];
	[tilespmem:$0x1F9B0] =	vst v44  }
0x2cd: {  	(xrf0) =	vadd.scan.msk.s32 $0xffff, v8;
	v49 =	vld [tilespmem:$0x1F750];
	[tilespmem:$0x1FA00] =	vst v45  }
0x2ce: {  	v50 =	vld [tilespmem:$0x1F760];
	[tilespmem:$0x1FA10] =	vst v46  }
0x2cf: {  	v51 =	vld [tilespmem:$0x1F780];
	[tilespmem:$0x1FA30] =	vst v47  }
0x2d0: {  	[tilespmem:$0x1FA20] =	vst v3;
	v3 =	vld [tilespmem:$0x1F770]  }
0x2d1: {  	v52 =	vld [tilespmem:$0x1F790];
	[tilespmem:$0x1FA80] =	vst v48  }
0x2d2: {  	v53 =	vld [tilespmem:$0x1F7A0];
	[tilespmem:$0x1FA90] =	vst v49  }
0x2d3: {  	v8, _, _ =	vpop (xrf0);
	v54 =	vld [tilespmem:$0x1F7B0];
	[tilespmem:$0x1FAA0] =	vst v50  }
0x2d4: {  	(v2sf) =	vpush v8, $0xF;
	v55 =	vld [tilespmem:$0x1F7D0];
	[tilespmem:$0x1FB00] =	vst v51  }
0x2d5: {  	[tilespmem:$0x1FAB0] =	vst v3;
	v3 =	vld [tilespmem:$0x1F7C0]  }
0x2d6: {  	v56 =	vld [tilespmem:$0x1F7E0];
	[tilespmem:$0x1FB10] =	vst v52  }
0x2d7: {  	v57 =	vld [tilespmem:$0x1F7F0];
	[tilespmem:$0x1FB20] =	vst v53  }
0x2d8: {  	v58 =	vld [tilespmem:$0x1F800];
	[tilespmem:$0x1FB30] =	vst v54  }
0x2d9: {  	v59 =	vld [tilespmem:$0x1F820];
	[tilespmem:$0x1FB90] =	vst v55  }
0x2da: {  	[tilespmem:$0x1FB80] =	vst v3;
	v3 =	vld [tilespmem:$0x1F810]  }
0x2db: {  	v60 =	vld [tilespmem:$0x1F830];
	[tilespmem:$0x1FBA0] =	vst v56  }
0x2dc: {  	v61 =	vld [tilespmem:$0x1F840];
	[tilespmem:$0x1FBB0] =	vst v57  }
0x2dd: {  	v62 =	vld [tilespmem:$0x1F850];
	[tilespmem:$0x1FC00] =	vst v58  }
0x2de: {  	v63 =	vld [tilespmem:$0x1F870];
	[tilespmem:$0x1FC20] =	vst v59  }
0x2df: {  	[tilespmem:$0x1FC10] =	vst v3;
	v3 =	vld [tilespmem:$0x1F860]  }
0x2e0: {  	[tilespmem:$0x1FC30] =	vst v60  }
0x2e1: {  	[tilespmem:$0x1FC80] =	vst v61  }
0x2e2: {  	[tilespmem:$0x1FC90] =	vst v62  }
0x2e3: {  	[tilespmem:$0x1FCB0] =	vst v63;
	s25 =	spop (v2sf)  }
0x2e4: {  	s23 =	rddreg [dreg:$0x4];
	s20 =	sadd.s32 s20, s25;
	[tilespmem:$0x1FCA0] =	vst v3  }
0x2e5: {  	[tilespmem:s18], [sflag:$0x1] =	stream.indirect.gather [hbm4b:s23+s17], $0x1, s15, s17, $0xb8;
	[tilespmem:$0x1FD00] =	vst v63  }
0x2e6: {  	s24 =	rddreg [dreg:$0x7];
	s25 =	simm.s32 $0x1EC00;
	p0 =	slt.s32 s20, $0x1  }
0x2e7: {  	[tilespmem:s25], [sflag:$0x2] =	stream.indirect.gather [hbm4b:s24+s17], $0x1, s16, s17, $0xb8;
	[tilespmem:$0x1FD00] =	vst v63  }
0x2e8: {  	s21 =	simm.s32 @!p0 $0x40;
	s22 =	simm.s32 @!p0 $0x1F400;
	s23 =	simm.s32 @!p0 $0x19400  }
0x2e9: {  	[tilespmem:s23], [sflag:$0x5] =	stream.indirect.gather @!p0 [hbm4b:s3+s21], $0x80, s22, s21, $0xb8;
	[tilespmem:$0x1FD00] =	vst v63  }
0x2ea: {  	s22 =	simm.s32 @!p0 $0x5  }
0x2eb: {  	_ =	swait.ge @!p0 [sflag:s22], $0x2000  }
0x2ec: {  	[sflag:s22] =	ssyncset.done @!p0 $0x0  }
0x2ed: {  	s24 =	simm.s32 @!p0 $0x1F900;
	[sflag:s22] =	ssyncadd.s32 @!p0 $0xFFFFE000  }
0x2ee: {  	[hbm4b:s8+s21] =	stream.indirect.scatter @!p0 [tilespmem:s23], [sflag:$0x5], $0x80, s24, s21, $0xb8;
	[tilespmem:$0x1FD00] =	vst v63  }
0x2ef: {  	_ =	swait.ge @!p0 [sflag:s22], $0x2000  }
0x2f0: {  	p1 =	slt.u32 @!p0 s20, $0x41;
	[sflag:s22] =	ssyncset.done @!p0 $0x0  }
0x2f1: {  	[sflag:s22] =	ssyncadd.s32 @!p0 $0xFFFFE000;
	p0 =	por p0, p1  }
0x2f2: {  	s21 =	simm.s32 @!p0 $0x40;
	s22 =	simm.s32 @!p0 $0x1F440;
	s23 =	simm.s32 @!p0 $0x1B400  }
0x2f3: {  	[tilespmem:s23], [sflag:$0x5] =	stream.indirect.gather @!p0 [hbm4b:s3+s21], $0x80, s22, s21, $0xb8;
	[tilespmem:$0x1FD00] =	vst v63  }
0x2f4: {  	s22 =	simm.s32 @!p0 $0x5  }
0x2f5: {  	_ =	swait.ge @!p0 [sflag:s22], $0x2000  }
0x2f6: {  	[sflag:s22] =	ssyncset.done @!p0 $0x0  }
0x2f7: {  	s24 =	simm.s32 @!p0 $0x1F980;
	[sflag:s22] =	ssyncadd.s32 @!p0 $0xFFFFE000  }
0x2f8: {  	[hbm4b:s8+s21] =	stream.indirect.scatter @!p0 [tilespmem:s23], [sflag:$0x5], $0x80, s24, s21, $0xb8;
	[tilespmem:$0x1FD00] =	vst v63  }
0x2f9: {  	_ =	swait.ge @!p0 [sflag:s22], $0x2000  }
0x2fa: {  	p1 =	slt.u32 @!p0 s20, $0x81;
	[sflag:s22] =	ssyncset.done @!p0 $0x0  }
0x2fb: {  	[sflag:s22] =	ssyncadd.s32 @!p0 $0xFFFFE000;
	p0 =	por p0, p1  }
0x2fc: {  	s21 =	simm.s32 @!p0 $0x40;
	s22 =	simm.s32 @!p0 $0x1F480;
	s23 =	simm.s32 @!p0 $0x19400  }
0x2fd: {  	[tilespmem:s23], [sflag:$0x5] =	stream.indirect.gather @!p0 [hbm4b:s3+s21], $0x80, s22, s21, $0xb8;
	[tilespmem:$0x1FD00] =	vst v63  }
0x2fe: {  	s22 =	simm.s32 @!p0 $0x5  }
0x2ff: {  	_ =	swait.ge @!p0 [sflag:s22], $0x2000  }
0x300: {  	[sflag:s22] =	ssyncset.done @!p0 $0x0  }
0x301: {  	s24 =	simm.s32 @!p0 $0x1FA00;
	[sflag:s22] =	ssyncadd.s32 @!p0 $0xFFFFE000  }
0x302: {  	[hbm4b:s8+s21] =	stream.indirect.scatter @!p0 [tilespmem:s23], [sflag:$0x5], $0x80, s24, s21, $0xb8;
	[tilespmem:$0x1FD00] =	vst v63  }
0x303: {  	_ =	swait.ge @!p0 [sflag:s22], $0x2000  }
0x304: {  	p1 =	slt.u32 @!p0 s20, $0xC1;
	[sflag:s22] =	ssyncset.done @!p0 $0x0  }
0x305: {  	[sflag:s22] =	ssyncadd.s32 @!p0 $0xFFFFE000;
	p0 =	por p0, p1  }
0x306: {  	s21 =	simm.s32 @!p0 $0x40;
	s22 =	simm.s32 @!p0 $0x1F4C0;
	s23 =	simm.s32 @!p0 $0x1B400  }
0x307: {  	[tilespmem:s23], [sflag:$0x5] =	stream.indirect.gather @!p0 [hbm4b:s3+s21], $0x80, s22, s21, $0xb8;
	[tilespmem:$0x1FD00] =	vst v63  }
0x308: {  	s22 =	simm.s32 @!p0 $0x5  }
0x309: {  	p1 =	slt.u32 @!p0 s20, $0x101;
	_ =	swait.ge @!p0 [sflag:s22], $0x2000  }
0x30a: {  	p1 =	por p0, p1;
	[sflag:s22] =	ssyncset.done @!p0 $0x0  }
.Ltmp11:
0x30b: {  	s24 =	simm.s32 @!p0 $0x1FA80;
	[sflag:s22] =	ssyncadd.s32 @!p0 $0xFFFFE000;
	(pc) =	sbr.rel @p1 .LBB2_25-.Ltmp11, $4  }
0x30c: {  	[hbm4b:s8+s21] =	stream.indirect.scatter @!p0 [tilespmem:s23], [sflag:$0x5], $0x80, s24, s21, $0xb8;
	[tilespmem:$0x1FD00] =	vst v63  }
0x30d: {  	_ =	swait.ge @!p0 [sflag:s22], $0x2000  }
0x30e: {  	[sflag:s22] =	ssyncset.done @!p0 $0x0  }
0x30f: {  	[sflag:s22] =	ssyncadd.s32 @!p0 $0xFFFFE000  }
0x310: {  	s21 =	simm.s32 $0x1F500  }
0x311: {  	[tilespmem:s1], [sflag:$0x5] =	stream.indirect.gather [hbm4b:s3+s4], $0x80, s21, s4, $0xb8;
	[tilespmem:$0x1FD00] =	vst v63  }
0x312: {  	_ =	swait.ge [sflag:s5], $0x2000  }
0x313: {  	[sflag:s5] =	ssyncset.done $0x0  }
0x314: {  	s25 =	simm.s32 $0x1FB00;
	[sflag:s5] =	ssyncadd.s32 $0xFFFFE000  }
0x315: {  	[hbm4b:s8+s4] =	stream.indirect.scatter [tilespmem:s1], [sflag:$0x5], $0x80, s25, s4, $0xb8;
	[tilespmem:$0x1FD00] =	vst v63  }
0x316: {  	p0 =	slt.u32 s20, $0x141;
	_ =	swait.ge [sflag:s5], $0x2000  }
0x317: {  	s21 =	simm.s32 @!p0 $0x40;
	[sflag:s5] =	ssyncset.done $0x0  }
0x318: {  	s22 =	simm.s32 @!p0 $0x1F540;
	s23 =	simm.s32 @!p0 $0x1B400;
	[sflag:s5] =	ssyncadd.s32 $0xFFFFE000  }
0x319: {  	[tilespmem:s23], [sflag:$0x5] =	stream.indirect.gather @!p0 [hbm4b:s3+s21], $0x80, s22, s21, $0xb8;
	[tilespmem:$0x1FD00] =	vst v63  }
0x31a: {  	s22 =	simm.s32 @!p0 $0x5  }
0x31b: {  	_ =	swait.ge @!p0 [sflag:s22], $0x2000  }
0x31c: {  	[sflag:s22] =	ssyncset.done @!p0 $0x0  }
0x31d: {  	s24 =	simm.s32 @!p0 $0x1FB80;
	p1 =	slt.u32 @!p0 s20, $0x181;
	[sflag:s22] =	ssyncadd.s32 @!p0 $0xFFFFE000  }
0x31e: {  	[hbm4b:s8+s21] =	stream.indirect.scatter @!p0 [tilespmem:s23], [sflag:$0x5], $0x80, s24, s21, $0xb8;
	[tilespmem:$0x1FD00] =	vst v63  }
0x31f: {  	p2 =	por p1, p0;
	_ =	swait.ge @!p0 [sflag:s22], $0x2000  }
0x320: {  	s21 =	simm.s32 @!p2 $0x40;
	[sflag:s22] =	ssyncset.done @!p0 $0x0  }
0x321: {  	s23 =	simm.s32 @!p2 $0x19400;
	[sflag:s22] =	ssyncadd.s32 @!p0 $0xFFFFE000;
	s22 =	simm.s32 @!p2 $0x1F580  }
0x322: {  	[tilespmem:s23], [sflag:$0x5] =	stream.indirect.gather @!p2 [hbm4b:s3+s21], $0x80, s22, s21, $0xb8;
	[tilespmem:$0x1FD00] =	vst v63  }
0x323: {  	s22 =	simm.s32 @!p2 $0x5  }
0x324: {  	_ =	swait.ge @!p2 [sflag:s22], $0x2000  }
0x325: {  	p3 =	slt.u32 @!p2 s20, $0x1C1;
	[sflag:s22] =	ssyncset.done @!p2 $0x0  }
0x326: {  	p1 =	por @!p0 p3, p1;
	s24 =	simm.s32 @!p2 $0x1FC00;
	[sflag:s22] =	ssyncadd.s32 @!p2 $0xFFFFE000  }
0x327: {  	[hbm4b:s8+s21] =	stream.indirect.scatter @!p2 [tilespmem:s23], [sflag:$0x5], $0x80, s24, s21, $0xb8;
	[tilespmem:$0x1FD00] =	vst v63  }
0x328: {  	p0 =	por p1, p0;
	_ =	swait.ge @!p2 [sflag:s22], $0x2000  }
0x329: {  	s20 =	simm.s32 @!p0 $0x40;
	[sflag:s22] =	ssyncset.done @!p2 $0x0  }
0x32a: {  	s21 =	simm.s32 @!p0 $0x1F5C0;
	[sflag:s22] =	ssyncadd.s32 @!p2 $0xFFFFE000;
	s22 =	simm.s32 @!p0 $0x1B400  }
0x32b: {  	[tilespmem:s22], [sflag:$0x5] =	stream.indirect.gather @!p0 [hbm4b:s3+s20], $0x80, s21, s20, $0xb8;
	[tilespmem:$0x1FD00] =	vst v63  }
0x32c: {  	s21 =	simm.s32 @!p0 $0x5  }
0x32d: {  	_ =	swait.ge @!p0 [sflag:s21], $0x2000  }
0x32e: {  	[sflag:s21] =	ssyncset.done @!p0 $0x0  }
0x32f: {  	s23 =	simm.s32 @!p0 $0x1FC80;
	[sflag:s21] =	ssyncadd.s32 @!p0 $0xFFFFE000  }
0x330: {  	[hbm4b:s8+s20] =	stream.indirect.scatter @!p0 [tilespmem:s22], [sflag:$0x5], $0x80, s23, s20, $0xb8;
	[tilespmem:$0x1FD00] =	vst v63  }
0x331: {  	_ =	swait.ge @!p0 [sflag:s21], $0x2000  }
0x332: {  	[sflag:s21] =	ssyncset.done @!p0 $0x0  }
0x333: {  	[sflag:s21] =	ssyncadd.s32 @!p0 $0xFFFFE000  }
.LBB2_25:
0x334: {  	_ =	swait.ge [sflag:s11], $0x800  }
0x335: {  	[sflag:s11] =	ssyncset.done $0x0  }
0x336: {  	[sflag:s11] =	ssyncadd.s32 $0xFFFFF800  }
0x337: {  	_ =	swait.ge [sflag:s0], $0x800  }
0x338: {  	[sflag:s0] =	ssyncset.done $0x0  }
0x339: {  	s20 =	simm.s32 $0x0;
	[sflag:s0] =	ssyncadd.s32 $0xFFFFF800  }
0x33a: {  	v5 =	vld [tilespmem:s20+$0x1EC00]  }
0x33b: {  	v6 =	vld [tilespmem:s20+$0x1EE00]  }
0x33c: {  	v4 =	vld [tilespmem:s20+$0x1F000]  }
0x33d: {  	v3 =	vld [tilespmem:s20+$0x1F200]  }
0x33e: {  	v7 =	vld [tilespmem:s20+$0x19200]  }
0x33f: {  	v8 =	vld [tilespmem:s20+$0x1E400]  }
0x340: {  	s21 =	simm.s32 $0x40;
	v9 =	vld [tilespmem:s20+$0x1E600]  }
.LBB2_26:
0x341: {  	p0 =	sne.s32 s21, $0x7C0;
	v10 =	vld [tilespmem:s20+$0x1E800];
	v11 =	vmov v4  }
0x342: {  	s22 =	sshra.s32 s21, $0x2;
	v12 =	vld [tilespmem:s20+$0x1EA00];
	v13 =	vmov v3  }
0x343: {  	v14 =	vld [tilespmem:s22+$0x1EC00];
	vm1 =	vgt.s32 v7, $0x0  }
0x344: {  	v15 =	vld [tilespmem:s22+$0x1EE00];
	v3 =	vsel vm1, v5, v8  }
.Ltmp12:
0x345: {  	v4 =	vld [tilespmem:s22+$0x1F000];
	[tilespmem:s20+$0x1E400] =	vst v3;
	v5 =	vsel vm1, v6, v9;
	(pc) =	sbr.rel @p0 .LBB2_26-.Ltmp12, $4  }
0x346: {  	v3 =	vld [tilespmem:s22+$0x1F200];
	[tilespmem:s20+$0x1E600] =	vst v5;
	v9 =	vsel vm1, v11, v10  }
0x347: {  	v7 =	vld [tilespmem:s22+$0x19200];
	[tilespmem:s20+$0x1E800] =	vst v9;
	v10 =	vsel vm1, v13, v12  }
0x348: {  	v8 =	vld [tilespmem:s22+$0x1E400];
	[tilespmem:s20+$0x1EA00] =	vst v10;
	v5 =	vmov v14;
	s20 =	smov.u32 s22  }
0x349: {  	s21 =	sadd.s32 $0x40, s21;
	v9 =	vld [tilespmem:s20+$0x1E600];
	v6 =	vmov v15  }
0x34a: {  	v10 =	vld [tilespmem:s20+$0x1E800]  }
0x34b: {  	v11 =	vld [tilespmem:s20+$0x1EA00]  }
0x34c: {  	vm1 =	vgt.s32 v7, $0x0  }
0x34d: {  	v5 =	vsel vm1, v5, v8  }
0x34e: {  	[tilespmem:s20+$0x1E400] =	vst v5;
	v63 =	vsel vm1, v6, v9  }
0x34f: {  	[tilespmem:s20+$0x1E600] =	vst v63;
	v4 =	vsel vm1, v4, v10  }
0x350: {  	v3 =	vsel vm1, v3, v11;
	[tilespmem:s20+$0x1E800] =	vst v4  }
0x351: {  	s24 =	rddreg [dreg:$0x12];
	[tilespmem:s20+$0x1EA00] =	vst v3  }
0x352: {  	[hbm4b:s24+s6] =	stream.linear.scatter [tilespmem:s18], [sflag:$0x5], $0x200, $0x38;
	[tilespmem:$0x1FD00] =	vst v63  }
0x353: {  	_ =	swait.ge [sflag:s5], $0x200  }
0x354: {  	[sflag:s5] =	ssyncset.done $0x0  }
0x355: {  	s21 =	simm.s32 $0x1E600;
	s25 =	rddreg [dreg:$0x13];
	[sflag:s5] =	ssyncadd.s32 $0xFFFFFE00  }
0x356: {  	[hbm4b:s25+s6] =	stream.linear.scatter [tilespmem:s21], [sflag:$0x5], $0x200, $0x38;
	[tilespmem:$0x1FD00] =	vst v63  }
0x357: {  	_ =	swait.ge [sflag:s5], $0x200  }
0x358: {  	[sflag:s5] =	ssyncset.done $0x0  }
0x359: {  	s22 =	simm.s32 $0x1E800;
	s21 =	rddreg [dreg:$0x14];
	[sflag:s5] =	ssyncadd.s32 $0xFFFFFE00  }
0x35a: {  	[hbm4b:s21+s6] =	stream.linear.scatter [tilespmem:s22], [sflag:$0x5], $0x200, $0x38;
	[tilespmem:$0x1FD00] =	vst v63  }
0x35b: {  	_ =	swait.ge [sflag:s5], $0x200  }
0x35c: {  	[sflag:s5] =	ssyncset.done $0x0  }
0x35d: {  	s24 =	simm.s32 $0x1EA00;
	s23 =	rddreg [dreg:$0x15];
	[sflag:s5] =	ssyncadd.s32 $0xFFFFFE00  }
0x35e: {  	[hbm4b:s23+s6] =	stream.linear.scatter [tilespmem:s24], [sflag:$0x5], $0x200, $0x38;
	[tilespmem:$0x1FD00] =	vst v63  }
0x35f: {  	_ =	swait.ge [sflag:s5], $0x200  }
0x360: {  	s19 =	sadd.s32 $0x1, s19;
	s25 =	rddreg [dreg:$0x16]  }
0x361: {  	p0 =	sne.s32 s19, s25  }
.Ltmp13:
0x362: {  	_ = 	snop;
	(pc) =	sbr.rel @p0 .LBB2_1-.Ltmp13, $3  }
0x363: {  	_ =	sdelay $0x1  }
0x364: {  	[sflag:s5] =	ssyncset.done $0x0  }
0x365: {  	[sflag:s5] =	ssyncadd.s32 $0xFFFFFE00  }
0x366: {  	_ =	sfence.sel $0x180000  }
0x367: {  	[bflag:$0x0] =	sbarrier.arrive $0xFFFF  }
0x368: {  	_ =	strace $0x90000047  }
0x369: {  	s0 =	stileid.u32;
	[bflag:$0x2] =	sbarrier.arrive $0xFFFF  }
0x36a: {  	p0 =	sne.s32 s0, $0x0;
	s0 =	rddreg [dreg:$0x6]  }
0x36b: {  	s0 =	sadd.s32 @!p0 $0x100000, s0  }
0x36c: {  	[sflag:s0] =	ssyncadd.tile.s32 @!p0 $0x1;
	_ =	shalt  }
.Lfunc_end2:
_tile_overlayer_lowered:
.L_overlay_start_2:
0x36d: {  	(tag) =	ssettag $0x2  }
0x36e: {  	s0 =	rddreg [dreg:$0x0];
	s2 =	stileid.u32  }
0x36f: {  	s1 =	rddreg [dreg:$0x1];
	p0 =	sne.s32 s2, $0x0  }
0x370: {  	s3 =	rddreg [dreg:$0x2];
	[bflag:$0x3] =	sbarrier.arrive $0xFFFF;
	s2 =	simm.s32 @!p0 $0x1C05  }
0x371: {  	[timem:s3], [sflag:s2] =	dma.local @!p0 [hbm:s0], s1  }
0x372: {  	s0 =	simm.s32 @!p0 $0x5  }
0x373: {  	_ =	swait.ge @!p0 [sflag:s0], s1  }
0x374: {  	s1 =	ssub.s32 @!p0 $0x0, s1;
	[sflag:s0] =	ssyncset.done @!p0 $0x0  }
0x375: {  	[sflag:s0] =	ssyncadd.s32 @!p0 s1  }
0x376: {  	[bflag:$0x3] =	sbarrier.arrive $0xFFFF  }
0x377: {  	_ =	shalt  }

</sc_bundles>
